<compile_context>
chip_gen: v7x
topology: tpu7x:2x2x1
jax: 0.10.2.dev20260603
libtpu: 0.0.44.dev20260713+nightly
codegen_flags: <defaults>
</compile_context>

<pallas_src>
import jax
import jax.numpy as jnp
from jax import lax
from jax.experimental import pallas as pl
from jax.experimental.pallas import tpu as pltpu
from jax.experimental.pallas import tpu_sc as plsc

B, C, HF, WF = 8, 128, 96, 96
HV, WV = 384, 384
K = 50
THRESH = 0.3
NEG = -1e38
NSPAN = (HV * WV) // 128

NT = 4
CPT = C // NT
NKN = 64
NCH = CPT * NKN // 128


def _detect_select_body(vil_ref, flat_ref, scr, m_scr):
    pid = pl.program_id(0)

    @pl.when(pid < B)
    def _detect():
        vil = vil_ref[0, 0]
        ninf = float('-inf')
        p = jnp.concatenate(
            [jnp.full((HV, 4), ninf), vil, jnp.full((HV, 3), ninf)],
            axis=1)
        m2 = jnp.maximum(p[:, 0:390], p[:, 1:391])
        m4 = jnp.maximum(m2[:, 0:388], m2[:, 2:390])
        mrow = jnp.maximum(m4[:, 0:WV], m4[:, 4:WV + 4])
        q = jnp.concatenate(
            [jnp.full((4, WV), ninf), mrow, jnp.full((3, WV), ninf)],
            axis=0)
        n2 = jnp.maximum(q[0:390, :], q[1:391, :])
        n4 = jnp.maximum(n2[0:388, :], n2[2:390, :])
        mfull = jnp.maximum(n4[0:HV, :], n4[4:HV + 4, :])

        peaks = jnp.logical_and(vil > THRESH, mfull == vil)
        scores = jnp.where(peaks, vil, NEG)
        scr[pl.ds(pid, 1)] = scores.reshape(1, HV, WV)
        m_scr[pl.ds(pid, 1), :] = jnp.max(
            scores.reshape(NSPAN, 128), axis=1).reshape(1, NSPAN)

    @pl.when(pid == B)
    def _select():
        m0 = m_scr[:, :]
        sidx = lax.broadcasted_iota(jnp.int32, (B, NSPAN), 1)
        lane384 = lax.broadcasted_iota(jnp.int32, (B, WV), 1)
        liota = lax.broadcasted_iota(jnp.int32, (1, 128), 1)
        big = jnp.int32(1 << 30)
        ninf = float('-inf')

        def body(k, carry):
            m, acc = carry
            gm = jnp.max(m, axis=1, keepdims=True)
            sid = jnp.min(jnp.where(m == gm, sidx, big),
                          axis=1, keepdims=True)
            y = sid // 3
            c = sid - 3 * y
            rows = jnp.concatenate(
                [scr[b, pl.ds(y[b, 0], 1), :] for b in range(B)], axis=0)
            inspan = (lane384 >= c * 128) & (lane384 < c * 128 + 128)
            xabs = jnp.min(
                jnp.where(inspan & (rows == gm), lane384, big),
                axis=1, keepdims=True)
            flat = y * WV + xabs
            rows2 = jnp.where(lane384 == xabs, ninf, rows)
            for b in range(B):
                scr[b, pl.ds(y[b, 0], 1), :] = rows2[b:b + 1, :]
            smax = jnp.max(jnp.where(inspan, rows2, ninf),
                           axis=1, keepdims=True)
            mn = jnp.where(sidx == sid, smax, m)
            accn = jnp.where(liota == k, flat, acc)
            return mn, accn

        _, acc = lax.fori_loop(
            0, K, body, (m0, jnp.zeros((B, 128), jnp.int32)))
        flat_ref[:, 0, :] = acc


def _sc_gather_body(feat_ref, flat_ref, bases_ref, out_ref,
                    pos_v, base_v, idx_v, dat_v, sem):
    cid = lax.axis_index("c")
    sid = lax.axis_index("s")
    wid = sid * 2 + cid
    b = wid // NT
    q = wid - b * NT

    pltpu.sync_copy(flat_ref.at[b, 0, pl.ds(0, NKN)], pos_v)
    d384 = jnp.full((16,), WV, jnp.int32)
    d4 = jnp.full((16,), 4, jnp.int32)
    for v in range(NKN // 16):
        f = pos_v[pl.ds(v * 16, 16)]
        yv = lax.div(f, d384)
        xv = f - yv * WV
        pos_v[pl.ds(v * 16, 16)] = (lax.div(yv, d4) * WF + lax.div(xv, d4))

    pltpu.sync_copy(bases_ref.at[wid], base_v)
    bv = base_v[...]
    for c in range(CPT):
        cof = bv + c * (HF * WF)
        for kk in range(NKN // 16):
            g0 = c * NKN + kk * 16
            idx_v[g0 // 128, pl.ds(g0 % 128, 16)] = (
                cof + pos_v[pl.ds(kk * 16, 16)])

    copies = [
        pltpu.make_async_copy(feat_ref.at[idx_v.at[j]], dat_v.at[j], sem)
        for j in range(NCH)
    ]
    for cp in copies:
        cp.start()
    for cp in copies:
        cp.wait()

    pltpu.sync_copy(dat_v, out_ref.at[b, q])


def _proj_body(g_ref, w_ref, b_ref, out_ref):
    gt = g_ref[0]
    node = lax.dot_general(gt, w_ref[:, :], (((0,), (1,)), ((), ())),
                           preferred_element_type=jnp.float32) + b_ref[:, :]
    out_ref[0] = node


def kernel(features, vil_input, W, b):
    b2 = b.reshape(1, C)

    flat3 = pl.pallas_call(
        _detect_select_body,
        grid=(B + 1,),
        in_specs=[
            pl.BlockSpec((1, 1, HV, WV),
                         lambda i: (jnp.minimum(i, B - 1), 11, 0, 0)),
        ],
        out_specs=pl.BlockSpec((B, 1, 128), lambda i: (0, 0, 0)),
        out_shape=jax.ShapeDtypeStruct((B, 1, 128), jnp.int32),
        scratch_shapes=[
            pltpu.VMEM((B, HV, WV), jnp.float32),
            pltpu.VMEM((B, NSPAN), jnp.float32),
        ],
        compiler_params=pltpu.CompilerParams(
            dimension_semantics=("arbitrary",)),
    )(vil_input)

    sc_gather = pl.kernel(
        _sc_gather_body,
        out_type=jax.ShapeDtypeStruct((B, NT, NCH, 128), jnp.float32),
        mesh=plsc.VectorSubcoreMesh(core_axis_name="c", subcore_axis_name="s"),
        scratch_types=[
            pltpu.VMEM((NKN,), jnp.int32),
            pltpu.VMEM((16,), jnp.int32),
            pltpu.VMEM((NCH, 128), jnp.int32),
            pltpu.VMEM((NCH, 128), jnp.float32),
            pltpu.SemaphoreType.DMA,
        ],
    )
    widv = jnp.arange(32, dtype=jnp.int32)
    bases = jnp.repeat(
        (((widv // NT) * C + (widv % NT) * CPT) * (HF * WF))[:, None],
        16, axis=1)
    strips = sc_gather(features.reshape(B * C * HF * WF), flat3, bases)

    nodes_pad = pl.pallas_call(
        _proj_body,
        grid=(B,),
        in_specs=[
            pl.BlockSpec((1, C, NKN), lambda i: (i, 0, 0)),
            pl.BlockSpec((C, C), lambda i: (0, 0)),
            pl.BlockSpec((1, C), lambda i: (0, 0)),
        ],
        out_specs=pl.BlockSpec((1, NKN, C), lambda i: (i, 0, 0)),
        out_shape=jax.ShapeDtypeStruct((B, NKN, C), jnp.float32),
        compiler_params=pltpu.CompilerParams(
            dimension_semantics=("arbitrary",)),
    )(strips.reshape(B, C, NKN), W, b2)
    node_features = nodes_pad[:, :K, :].reshape(B * K, C)

    flat = flat3[:, 0, :K]
    yv = flat // WV
    xv = flat % WV
    node_positions = jnp.stack([yv // 4, xv // 4], axis=-1).astype(
        jnp.float32).reshape(B * K, 2)
    batch_idx = jnp.repeat(jnp.arange(B, dtype=jnp.int32), K)
    return node_features, node_positions, batch_idx

# --- scband reference (transcript-rebuilt; emitter-appended) ---
"""Pipeline reference for scband-storm-cell-detector-11682311045870 (READ-ONLY COPY).

The authoritative reference and input builder live on the scoring server;
editing this copy changes nothing except your own understanding.
"""

import jax, jax.numpy as jnp
import numpy as np

FEATURE_DIM = 128
MIN_INTENSITY = 0.3
MIN_DISTANCE = 8
MAX_STORMS = 50


def setup_inputs(seed: int = 0) -> dict:
    key = jax.random.key(seed)
    k1, k2, k3, k4 = jax.random.split(key, 4)
    features = jax.random.normal(k1, (8, 128, 96, 96), dtype=jnp.float32)
    # VIL is normalized intensity in [0,1]; uniform fill so threshold 0.3 is meaningful
    vil_input = jax.random.uniform(k2, (8, 12, 384, 384), dtype=jnp.float32)
    # nn.Linear(feature_dim, feature_dim): weight (out,in), bias (out,)
    W = jax.random.normal(k3, (FEATURE_DIM, FEATURE_DIM), dtype=jnp.float32) * (1.0 / np.sqrt(FEATURE_DIM))
    b = jax.random.normal(k4, (FEATURE_DIM,), dtype=jnp.float32) * 0.01
    return {"features": features, "vil_input": vil_input, "W": W, "b": b}


def _max_filter2d(v, size):
    # scipy.ndimage.maximum_filter(v, size=s) with origin=0: window [i - s//2, i + (s-1)//2]
    lo = size // 2
    hi = size - 1 - size // 2
    return jax.lax.reduce_window(v, -jnp.inf, jax.lax.max,
                                 (size, size), (1, 1),
                                 ((lo, hi), (lo, hi)))


def _detect_peaks(vil):
    # vil: (H, W). Returns top MAX_STORMS peak coords sorted by intensity desc.
    H, Wd = vil.shape
    mask = vil > MIN_INTENSITY
    local_max = _max_filter2d(vil, MIN_DISTANCE) == vil
    peaks_mask = jnp.logical_and(mask, local_max)
    scores = jnp.where(peaks_mask, vil, -jnp.inf)
    # equivalent to np.argsort(intensities)[::-1] then take first MAX_STORMS
    _, flat_idx = jax.lax.top_k(scores.reshape(-1), MAX_STORMS)
    y = flat_idx // Wd
    x = flat_idx % Wd
    return y, x


def reference(features, vil_input, W, b):
    B, C, H_feat, W_feat = features.shape
    vil_last = vil_input[:, -1, :, :]
    H_vil, W_vil = vil_last.shape[1], vil_last.shape[2]
    dh = H_vil / H_feat
    dw = W_vil / W_feat
    feats_list = []
    pos_list = []
    batch_list = []
    for bi in range(B):
        y_vil, x_vil = _detect_peaks(jax.lax.stop_gradient(vil_last[bi]))
        y_feat = jnp.minimum((y_vil.astype(jnp.float32) / dh).astype(jnp.int32), H_feat - 1)
        x_feat = jnp.minimum((x_vil.astype(jnp.float32) / dw).astype(jnp.int32), W_feat - 1)
        fmap = features[bi]  # (C, H_feat, W_feat)
        node_feats = fmap[:, y_feat, x_feat].T  # (MAX_STORMS, C) gather
        node_feats = node_feats @ W.T + b  # feature_proj
        feats_list.append(node_feats)
        pos_list.append(jnp.stack([y_feat, x_feat], axis=1).astype(jnp.float32))
        batch_list.append(jnp.full((MAX_STORMS,), bi, dtype=jnp.int32))
    node_features = jnp.concatenate(feats_list, axis=0)   # (B*MAX_STORMS, C)
    node_positions = jnp.concatenate(pos_list, axis=0)    # (B*MAX_STORMS, 2)
    batch_idx = jnp.concatenate(batch_list, axis=0)       # (B*MAX_STORMS,)
    return node_features, node_positions, batch_idx

if __name__ == "__main__":
    import jax
    _d = setup_inputs()
    print(jax.jit(kernel)(*tuple(_d.values())))

</pallas_src>

<mosaic_0001>
#map = affine_map<(d0, d1) -> (0)>
#map1 = affine_map<(d0, d1) -> (0, 0, 0)>
#map2 = affine_map<(d0, d1) -> (0, 0)>
#map3 = affine_map<(d0, d1) -> (0, 0, 0, 0)>
module attributes {stable_mosaic.version = 14 : i64} {
  func.func @_sc_gather_body(%arg0: i32, %arg1: i32, %arg2: memref<9437184xf32, #tpu.memory_space<hbm>>, %arg3: memref<8x1x128xi32, #tpu.memory_space<hbm>>, %arg4: memref<32x16xi32, #tpu.memory_space<hbm>>, %arg5: memref<8x4x16x128xf32, #tpu.memory_space<hbm>>, %arg6: memref<64xi32, #tpu.memory_space<vmem>>, %arg7: memref<16xi32, #tpu.memory_space<vmem>>, %arg8: memref<16x128xi32, #tpu.memory_space<vmem>>, %arg9: memref<16x128xf32, #tpu.memory_space<vmem>>, %arg10: memref<!tpu.dma_semaphore, #tpu.memory_space<semaphore_mem>>) attributes {dimension_semantics = [#tpu.dimension_semantics<core_parallel>, #tpu.dimension_semantics<subcore_parallel>], iteration_bounds = array<i64: 2, 16>, scalar_prefetch = 0 : i64, scratch_operands = 5 : i64, tpu.core_type = #tpu.core_type<sc_vector_subcore>, window_params = [{transform_indices = #map}, {transform_indices = #map1}, {transform_indices = #map2}, {transform_indices = #map3}]} {
    %mul3A = arith.constant 2 : i32
    %mul3A_0 = arith.muli %arg1, %mul3A : i32
    %add3A = arith.addi %mul3A_0, %arg0 : i32
    %jit3A = arith.constant 4 : i32
    %div3A = arith.divsi %add3A, %jit3A : i32
    %sign3A = arith.constant 0 : i32
    %sign3A_1 = arith.cmpi sgt, %add3A, %sign3A : i32
    %sign3A_2 = arith.extui %sign3A_1 : i1 to i32
    %sign3A_3 = arith.constant 0 : i32
    %sign3A_4 = arith.cmpi slt, %add3A, %sign3A_3 : i32
    %sign3A_5 = arith.extui %sign3A_4 : i1 to i32
    %sign3A_6 = arith.subi %sign3A_2, %sign3A_5 : i32
    %sign3A_7 = arith.constant 0 : i32
    %sign3A_8 = arith.cmpi sgt, %jit3A, %sign3A_7 : i32
    %sign3A_9 = arith.extui %sign3A_8 : i1 to i32
    %sign3A_10 = arith.constant 0 : i32
    %sign3A_11 = arith.cmpi slt, %jit3A, %sign3A_10 : i32
    %sign3A_12 = arith.extui %sign3A_11 : i1 to i32
    %sign3A_13 = arith.subi %sign3A_9, %sign3A_12 : i32
    %ne3A = arith.cmpi ne, %sign3A_6, %sign3A_13 : i32
    %rem3A = arith.remsi %add3A, %jit3A : i32
    %ne3A_14 = arith.constant 0 : i32
    %ne3A_15 = arith.cmpi ne, %rem3A, %ne3A_14 : i32
    %and3A = arith.andi %ne3A, %ne3A_15 : i1
    %sub3A = arith.constant 1 : i32
    %sub3A_16 = arith.subi %div3A, %sub3A : i32
    %select_n3A = arith.select %and3A, %sub3A_16, %div3A : i32
    %mul3A_17 = arith.constant 4 : i32
    %mul3A_18 = arith.muli %select_n3A, %mul3A_17 : i32
    %sub3A_19 = arith.subi %add3A, %mul3A_18 : i32
    %run_scoped3A = arith.constant 0 : i32
    "tpu.region"() ({
      %run_scoped3A_1790 = tpu.sem_alloc : memref<!tpu.dma_semaphore, #tpu.memory_space<semaphore_mem>>
      %dma_start3A_1791 = arith.constant 0 : i32
      %dma_start3A_1792 = tpu.memref_slice %arg3[%select_n3A, %run_scoped3A, %dma_start3A_1791] : memref<8x1x128xi32, #tpu.memory_space<hbm>> -> memref<1x1x64xi32, #tpu.memory_space<hbm>>
      %dma_start3A_1793 = tpu.memref_squeeze %dma_start3A_1792 : memref<1x1x64xi32, #tpu.memory_space<hbm>> -> memref<64xi32, #tpu.memory_space<hbm>>
      %dma_start3A_1794 = arith.constant 0 : i32
      %dma_start3A_1795 = tpu.memref_slice %arg3[%select_n3A, %run_scoped3A, %dma_start3A_1794] : memref<8x1x128xi32, #tpu.memory_space<hbm>> -> memref<1x1x64xi32, #tpu.memory_space<hbm>>
      %dma_start3A_1796 = tpu.memref_squeeze %dma_start3A_1795 : memref<1x1x64xi32, #tpu.memory_space<hbm>> -> memref<64xi32, #tpu.memory_space<hbm>>
      tpu.enqueue_dma source(%dma_start3A_1796 : memref<64xi32, #tpu.memory_space<hbm>>) target(%arg6 : memref<64xi32, #tpu.memory_space<vmem>>) target_semaphore(%run_scoped3A_1790 : memref<!tpu.dma_semaphore, #tpu.memory_space<semaphore_mem>>)
      %dma_wait3A_1797 = arith.constant 0 : i32
      %dma_wait3A_1798 = tpu.memref_slice %arg3[%select_n3A, %run_scoped3A, %dma_wait3A_1797] : memref<8x1x128xi32, #tpu.memory_space<hbm>> -> memref<1x1x64xi32, #tpu.memory_space<hbm>>
      %dma_wait3A_1799 = tpu.memref_squeeze %dma_wait3A_1798 : memref<1x1x64xi32, #tpu.memory_space<hbm>> -> memref<64xi32, #tpu.memory_space<hbm>>
      %dma_wait3A_1800 = arith.constant 0 : i32
      %dma_wait3A_1801 = tpu.memref_slice %arg3[%select_n3A, %run_scoped3A, %dma_wait3A_1800] : memref<8x1x128xi32, #tpu.memory_space<hbm>> -> memref<1x1x64xi32, #tpu.memory_space<hbm>>
      %dma_wait3A_1802 = tpu.memref_squeeze %dma_wait3A_1801 : memref<1x1x64xi32, #tpu.memory_space<hbm>> -> memref<64xi32, #tpu.memory_space<hbm>>
      tpu.wait_dma2 semaphore(%run_scoped3A_1790 : memref<!tpu.dma_semaphore, #tpu.memory_space<semaphore_mem>>) src(%dma_wait3A_1802 : memref<64xi32, #tpu.memory_space<hbm>>) dst(%arg6 : memref<64xi32, #tpu.memory_space<vmem>>)
      tpu.yield
    }) : () -> ()
    %broadcast_in_dim3A = arith.constant 384 : i32
    %broadcast_in_dim3A_20 = vector.broadcast %broadcast_in_dim3A : i32 to vector<16xi32>
    %broadcast_in_dim3A_21 = arith.constant 4 : i32
    %broadcast_in_dim3A_22 = vector.broadcast %broadcast_in_dim3A_21 : i32 to vector<16xi32>
    %get3A = arith.constant 0 : index
    %get3A_23 = tpu.vector_load %arg6[%get3A] {strides = array<i32>} : memref<64xi32, #tpu.memory_space<vmem>>, vector<16xi32>,
    %get3A_24 = vector.shape_cast %get3A_23 : vector<16xi32> to vector<16xi32>
    %div3A_25 = arith.divsi %get3A_24, %broadcast_in_dim3A_20 : vector<16xi32>
    %mul3A_26 = arith.constant 384 : i32
    %mul3A_27 = vector.broadcast %mul3A_26 : i32 to vector<16xi32>
    %mul3A_28 = arith.muli %div3A_25, %mul3A_27 : vector<16xi32>
    %sub3A_29 = arith.subi %get3A_24, %mul3A_28 : vector<16xi32>
    %div3A_30 = arith.divsi %div3A_25, %broadcast_in_dim3A_22 : vector<16xi32>
    %mul3A_31 = arith.constant 96 : i32
    %mul3A_32 = vector.broadcast %mul3A_31 : i32 to vector<16xi32>
    %mul3A_33 = arith.muli %div3A_30, %mul3A_32 : vector<16xi32>
    %div3A_34 = arith.divsi %sub3A_29, %broadcast_in_dim3A_22 : vector<16xi32>
    %add3A_35 = arith.addi %mul3A_33, %div3A_34 : vector<16xi32>
    %swap3A = arith.constant 0 : index
    %swap3A_36 = tpu.vector_load %arg6[%swap3A] {strides = array<i32>} : memref<64xi32, #tpu.memory_space<vmem>>, vector<16xi32>,
    %swap3A_37 = vector.shape_cast %swap3A_36 : vector<16xi32> to vector<16xi32>
    %swap3A_38 = vector.shape_cast %add3A_35 : vector<16xi32> to vector<16xi32>
    tpu.vector_store %arg6[%swap3A], %swap3A_38 {strides = array<i32>} : memref<64xi32, #tpu.memory_space<vmem>>, vector<16xi32>,
    %get3A_39 = arith.constant 16 : index
    %get3A_40 = tpu.vector_load %arg6[%get3A_39] {strides = array<i32>} : memref<64xi32, #tpu.memory_space<vmem>>, vector<16xi32>,
    %get3A_41 = vector.shape_cast %get3A_40 : vector<16xi32> to vector<16xi32>
    %div3A_42 = arith.divsi %get3A_41, %broadcast_in_dim3A_20 : vector<16xi32>
    %mul3A_43 = arith.constant 384 : i32
    %mul3A_44 = vector.broadcast %mul3A_43 : i32 to vector<16xi32>
    %mul3A_45 = arith.muli %div3A_42, %mul3A_44 : vector<16xi32>
    %sub3A_46 = arith.subi %get3A_41, %mul3A_45 : vector<16xi32>
    %div3A_47 = arith.divsi %div3A_42, %broadcast_in_dim3A_22 : vector<16xi32>
    %mul3A_48 = arith.constant 96 : i32
    %mul3A_49 = vector.broadcast %mul3A_48 : i32 to vector<16xi32>
    %mul3A_50 = arith.muli %div3A_47, %mul3A_49 : vector<16xi32>
    %div3A_51 = arith.divsi %sub3A_46, %broadcast_in_dim3A_22 : vector<16xi32>
    %add3A_52 = arith.addi %mul3A_50, %div3A_51 : vector<16xi32>
    %swap3A_53 = arith.constant 16 : index
    %swap3A_54 = tpu.vector_load %arg6[%swap3A_53] {strides = array<i32>} : memref<64xi32, #tpu.memory_space<vmem>>, vector<16xi32>,
    %swap3A_55 = vector.shape_cast %swap3A_54 : vector<16xi32> to vector<16xi32>
    %swap3A_56 = vector.shape_cast %add3A_52 : vector<16xi32> to vector<16xi32>
    tpu.vector_store %arg6[%swap3A_53], %swap3A_56 {strides = array<i32>} : memref<64xi32, #tpu.memory_space<vmem>>, vector<16xi32>,
    %get3A_57 = arith.constant 32 : index
    %get3A_58 = tpu.vector_load %arg6[%get3A_57] {strides = array<i32>} : memref<64xi32, #tpu.memory_space<vmem>>, vector<16xi32>,
    %get3A_59 = vector.shape_cast %get3A_58 : vector<16xi32> to vector<16xi32>
    %div3A_60 = arith.divsi %get3A_59, %broadcast_in_dim3A_20 : vector<16xi32>
    %mul3A_61 = arith.constant 384 : i32
    %mul3A_62 = vector.broadcast %mul3A_61 : i32 to vector<16xi32>
    %mul3A_63 = arith.muli %div3A_60, %mul3A_62 : vector<16xi32>
    %sub3A_64 = arith.subi %get3A_59, %mul3A_63 : vector<16xi32>
    %div3A_65 = arith.divsi %div3A_60, %broadcast_in_dim3A_22 : vector<16xi32>
    %mul3A_66 = arith.constant 96 : i32
    %mul3A_67 = vector.broadcast %mul3A_66 : i32 to vector<16xi32>
    %mul3A_68 = arith.muli %div3A_65, %mul3A_67 : vector<16xi32>
    %div3A_69 = arith.divsi %sub3A_64, %broadcast_in_dim3A_22 : vector<16xi32>
    %add3A_70 = arith.addi %mul3A_68, %div3A_69 : vector<16xi32>
    %swap3A_71 = arith.constant 32 : index
    %swap3A_72 = tpu.vector_load %arg6[%swap3A_71] {strides = array<i32>} : memref<64xi32, #tpu.memory_space<vmem>>, vector<16xi32>,
    %swap3A_73 = vector.shape_cast %swap3A_72 : vector<16xi32> to vector<16xi32>
    %swap3A_74 = vector.shape_cast %add3A_70 : vector<16xi32> to vector<16xi32>
    tpu.vector_store %arg6[%swap3A_71], %swap3A_74 {strides = array<i32>} : memref<64xi32, #tpu.memory_space<vmem>>, vector<16xi32>,
    %get3A_75 = arith.constant 48 : index
    %get3A_76 = tpu.vector_load %arg6[%get3A_75] {strides = array<i32>} : memref<64xi32, #tpu.memory_space<vmem>>, vector<16xi32>,
    %get3A_77 = vector.shape_cast %get3A_76 : vector<16xi32> to vector<16xi32>
    %div3A_78 = arith.divsi %get3A_77, %broadcast_in_dim3A_20 : vector<16xi32>
    %mul3A_79 = arith.constant 384 : i32
    %mul3A_80 = vector.broadcast %mul3A_79 : i32 to vector<16xi32>
    %mul3A_81 = arith.muli %div3A_78, %mul3A_80 : vector<16xi32>
    %sub3A_82 = arith.subi %get3A_77, %mul3A_81 : vector<16xi32>
    %div3A_83 = arith.divsi %div3A_78, %broadcast_in_dim3A_22 : vector<16xi32>
    %mul3A_84 = arith.constant 96 : i32
    %mul3A_85 = vector.broadcast %mul3A_84 : i32 to vector<16xi32>
    %mul3A_86 = arith.muli %div3A_83, %mul3A_85 : vector<16xi32>
    %div3A_87 = arith.divsi %sub3A_82, %broadcast_in_dim3A_22 : vector<16xi32>
    %add3A_88 = arith.addi %mul3A_86, %div3A_87 : vector<16xi32>
    %swap3A_89 = arith.constant 48 : index
    %swap3A_90 = tpu.vector_load %arg6[%swap3A_89] {strides = array<i32>} : memref<64xi32, #tpu.memory_space<vmem>>, vector<16xi32>,
    %swap3A_91 = vector.shape_cast %swap3A_90 : vector<16xi32> to vector<16xi32>
    %swap3A_92 = vector.shape_cast %add3A_88 : vector<16xi32> to vector<16xi32>
    tpu.vector_store %arg6[%swap3A_89], %swap3A_92 {strides = array<i32>} : memref<64xi32, #tpu.memory_space<vmem>>, vector<16xi32>,
    "tpu.region"() ({
      %run_scoped3A_1790 = tpu.sem_alloc : memref<!tpu.dma_semaphore, #tpu.memory_space<semaphore_mem>>
      %dma_start3A_1791 = arith.constant 0 : i32
      %dma_start3A_1792 = tpu.memref_slice %arg4[%add3A, %dma_start3A_1791] : memref<32x16xi32, #tpu.memory_space<hbm>> -> memref<1x16xi32, #tpu.memory_space<hbm>>
      %dma_start3A_1793 = tpu.memref_squeeze %dma_start3A_1792 : memref<1x16xi32, #tpu.memory_space<hbm>> -> memref<16xi32, #tpu.memory_space<hbm>>
      %dma_start3A_1794 = arith.constant 0 : i32
      %dma_start3A_1795 = tpu.memref_slice %arg4[%add3A, %dma_start3A_1794] : memref<32x16xi32, #tpu.memory_space<hbm>> -> memref<1x16xi32, #tpu.memory_space<hbm>>
      %dma_start3A_1796 = tpu.memref_squeeze %dma_start3A_1795 : memref<1x16xi32, #tpu.memory_space<hbm>> -> memref<16xi32, #tpu.memory_space<hbm>>
      tpu.enqueue_dma source(%dma_start3A_1796 : memref<16xi32, #tpu.memory_space<hbm>>) target(%arg7 : memref<16xi32, #tpu.memory_space<vmem>>) target_semaphore(%run_scoped3A_1790 : memref<!tpu.dma_semaphore, #tpu.memory_space<semaphore_mem>>)
      %dma_wait3A_1797 = arith.constant 0 : i32
      %dma_wait3A_1798 = tpu.memref_slice %arg4[%add3A, %dma_wait3A_1797] : memref<32x16xi32, #tpu.memory_space<hbm>> -> memref<1x16xi32, #tpu.memory_space<hbm>>
      %dma_wait3A_1799 = tpu.memref_squeeze %dma_wait3A_1798 : memref<1x16xi32, #tpu.memory_space<hbm>> -> memref<16xi32, #tpu.memory_space<hbm>>
      %dma_wait3A_1800 = arith.constant 0 : i32
      %dma_wait3A_1801 = tpu.memref_slice %arg4[%add3A, %dma_wait3A_1800] : memref<32x16xi32, #tpu.memory_space<hbm>> -> memref<1x16xi32, #tpu.memory_space<hbm>>
      %dma_wait3A_1802 = tpu.memref_squeeze %dma_wait3A_1801 : memref<1x16xi32, #tpu.memory_space<hbm>> -> memref<16xi32, #tpu.memory_space<hbm>>
      tpu.wait_dma2 semaphore(%run_scoped3A_1790 : memref<!tpu.dma_semaphore, #tpu.memory_space<semaphore_mem>>) src(%dma_wait3A_1802 : memref<16xi32, #tpu.memory_space<hbm>>) dst(%arg7 : memref<16xi32, #tpu.memory_space<vmem>>)
      tpu.yield
    }) : () -> ()
    %get3A_93 = arith.constant 0 : index
    %get3A_94 = tpu.vector_load %arg7[%get3A_93] {strides = array<i32>} : memref<16xi32, #tpu.memory_space<vmem>>, vector<16xi32>,
    %get3A_95 = vector.shape_cast %get3A_94 : vector<16xi32> to vector<16xi32>
    %add3A_96 = arith.constant 0 : i32
    %add3A_97 = vector.broadcast %add3A_96 : i32 to vector<16xi32>
    %add3A_98 = arith.addi %get3A_95, %add3A_97 : vector<16xi32>
    %get3A_99 = arith.constant 0 : index
    %get3A_100 = tpu.vector_load %arg6[%get3A_99] {strides = array<i32>} : memref<64xi32, #tpu.memory_space<vmem>>, vector<16xi32>,
    %get3A_101 = vector.shape_cast %get3A_100 : vector<16xi32> to vector<16xi32>
    %add3A_102 = arith.addi %add3A_98, %get3A_101 : vector<16xi32>
    %swap3A_103 = arith.constant 0 : i32
    %swap3A_104 = arith.index_cast %swap3A_103 : i32 to index
    %swap3A_105 = arith.constant 0 : index
    %swap3A_106 = tpu.vector_load %arg8[%swap3A_104, %swap3A_105] {strides = array<i32>} : memref<16x128xi32, #tpu.memory_space<vmem>>, vector<1x16xi32>,
    %swap3A_107 = vector.shape_cast %swap3A_106 : vector<1x16xi32> to vector<16xi32>
    %swap3A_108 = vector.shape_cast %add3A_102 : vector<16xi32> to vector<1x16xi32>
    tpu.vector_store %arg8[%swap3A_104, %swap3A_105], %swap3A_108 {strides = array<i32>} : memref<16x128xi32, #tpu.memory_space<vmem>>, vector<1x16xi32>,
    %get3A_109 = arith.constant 16 : index
    %get3A_110 = tpu.vector_load %arg6[%get3A_109] {strides = array<i32>} : memref<64xi32, #tpu.memory_space<vmem>>, vector<16xi32>,
    %get3A_111 = vector.shape_cast %get3A_110 : vector<16xi32> to vector<16xi32>
    %add3A_112 = arith.addi %add3A_98, %get3A_111 : vector<16xi32>
    %swap3A_113 = arith.constant 0 : i32
    %swap3A_114 = arith.index_cast %swap3A_113 : i32 to index
    %swap3A_115 = arith.constant 16 : index
    %swap3A_116 = tpu.vector_load %arg8[%swap3A_114, %swap3A_115] {strides = array<i32>} : memref<16x128xi32, #tpu.memory_space<vmem>>, vector<1x16xi32>,
    %swap3A_117 = vector.shape_cast %swap3A_116 : vector<1x16xi32> to vector<16xi32>
    %swap3A_118 = vector.shape_cast %add3A_112 : vector<16xi32> to vector<1x16xi32>
    tpu.vector_store %arg8[%swap3A_114, %swap3A_115], %swap3A_118 {strides = array<i32>} : memref<16x128xi32, #tpu.memory_space<vmem>>, vector<1x16xi32>,
    %get3A_119 = arith.constant 32 : index
    %get3A_120 = tpu.vector_load %arg6[%get3A_119] {strides = array<i32>} : memref<64xi32, #tpu.memory_space<vmem>>, vector<16xi32>,
    %get3A_121 = vector.shape_cast %get3A_120 : vector<16xi32> to vector<16xi32>
    %add3A_122 = arith.addi %add3A_98, %get3A_121 : vector<16xi32>
    %swap3A_123 = arith.constant 0 : i32
    %swap3A_124 = arith.index_cast %swap3A_123 : i32 to index
    %swap3A_125 = arith.constant 32 : index
    %swap3A_126 = tpu.vector_load %arg8[%swap3A_124, %swap3A_125] {strides = array<i32>} : memref<16x128xi32, #tpu.memory_space<vmem>>, vector<1x16xi32>,
    %swap3A_127 = vector.shape_cast %swap3A_126 : vector<1x16xi32> to vector<16xi32>
    %swap3A_128 = vector.shape_cast %add3A_122 : vector<16xi32> to vector<1x16xi32>
    tpu.vector_store %arg8[%swap3A_124, %swap3A_125], %swap3A_128 {strides = array<i32>} : memref<16x128xi32, #tpu.memory_space<vmem>>, vector<1x16xi32>,
    %get3A_129 = arith.constant 48 : index
    %get3A_130 = tpu.vector_load %arg6[%get3A_129] {strides = array<i32>} : memref<64xi32, #tpu.memory_space<vmem>>, vector<16xi32>,
    %get3A_131 = vector.shape_cast %get3A_130 : vector<16xi32> to vector<16xi32>
    %add3A_132 = arith.addi %add3A_98, %get3A_131 : vector<16xi32>
    %swap3A_133 = arith.constant 0 : i32
    %swap3A_134 = arith.index_cast %swap3A_133 : i32 to index
    %swap3A_135 = arith.constant 48 : index
    %swap3A_136 = tpu.vector_load %arg8[%swap3A_134, %swap3A_135] {strides = array<i32>} : memref<16x128xi32, #tpu.memory_space<vmem>>, vector<1x16xi32>,
    %swap3A_137 = vector.shape_cast %swap3A_136 : vector<1x16xi32> to vector<16xi32>
    %swap3A_138 = vector.shape_cast %add3A_132 : vector<16xi32> to vector<1x16xi32>
    tpu.vector_store %arg8[%swap3A_134, %swap3A_135], %swap3A_138 {strides = array<i32>} : memref<16x128xi32, #tpu.memory_space<vmem>>, vector<1x16xi32>,
    %add3A_139 = arith.constant 9216 : i32
    %add3A_140 = vector.broadcast %add3A_139 : i32 to vector<16xi32>
    %add3A_141 = arith.addi %get3A_95, %add3A_140 : vector<16xi32>
    %get3A_142 = arith.constant 0 : index
    %get3A_143 = tpu.vector_load %arg6[%get3A_142] {strides = array<i32>} : memref<64xi32, #tpu.memory_space<vmem>>, vector<16xi32>,
    %get3A_144 = vector.shape_cast %get3A_143 : vector<16xi32> to vector<16xi32>
    %add3A_145 = arith.addi %add3A_141, %get3A_144 : vector<16xi32>
    %swap3A_146 = arith.constant 0 : i32
    %swap3A_147 = arith.index_cast %swap3A_146 : i32 to index
    %swap3A_148 = arith.constant 64 : index
    %swap3A_149 = tpu.vector_load %arg8[%swap3A_147, %swap3A_148] {strides = array<i32>} : memref<16x128xi32, #tpu.memory_space<vmem>>, vector<1x16xi32>,
    %swap3A_150 = vector.shape_cast %swap3A_149 : vector<1x16xi32> to vector<16xi32>
    %swap3A_151 = vector.shape_cast %add3A_145 : vector<16xi32> to vector<1x16xi32>
    tpu.vector_store %arg8[%swap3A_147, %swap3A_148], %swap3A_151 {strides = array<i32>} : memref<16x128xi32, #tpu.memory_space<vmem>>, vector<1x16xi32>,
    %get3A_152 = arith.constant 16 : index
    %get3A_153 = tpu.vector_load %arg6[%get3A_152] {strides = array<i32>} : memref<64xi32, #tpu.memory_space<vmem>>, vector<16xi32>,
    %get3A_154 = vector.shape_cast %get3A_153 : vector<16xi32> to vector<16xi32>
    %add3A_155 = arith.addi %add3A_141, %get3A_154 : vector<16xi32>
    %swap3A_156 = arith.constant 0 : i32
    %swap3A_157 = arith.index_cast %swap3A_156 : i32 to index
    %swap3A_158 = arith.constant 80 : index
    %swap3A_159 = tpu.vector_load %arg8[%swap3A_157, %swap3A_158] {strides = array<i32>} : memref<16x128xi32, #tpu.memory_space<vmem>>, vector<1x16xi32>,
    %swap3A_160 = vector.shape_cast %swap3A_159 : vector<1x16xi32> to vector<16xi32>
    %swap3A_161 = vector.shape_cast %add3A_155 : vector<16xi32> to vector<1x16xi32>
    tpu.vector_store %arg8[%swap3A_157, %swap3A_158], %swap3A_161 {strides = array<i32>} : memref<16x128xi32, #tpu.memory_space<vmem>>, vector<1x16xi32>,
    %get3A_162 = arith.constant 32 : index
    %get3A_163 = tpu.vector_load %arg6[%get3A_162] {strides = array<i32>} : memref<64xi32, #tpu.memory_space<vmem>>, vector<16xi32>,
    %get3A_164 = vector.shape_cast %get3A_163 : vector<16xi32> to vector<16xi32>
    %add3A_165 = arith.addi %add3A_141, %get3A_164 : vector<16xi32>
    %swap3A_166 = arith.constant 0 : i32
    %swap3A_167 = arith.index_cast %swap3A_166 : i32 to index
    %swap3A_168 = arith.constant 96 : index
    %swap3A_169 = tpu.vector_load %arg8[%swap3A_167, %swap3A_168] {strides = array<i32>} : memref<16x128xi32, #tpu.memory_space<vmem>>, vector<1x16xi32>,
    %swap3A_170 = vector.shape_cast %swap3A_169 : vector<1x16xi32> to vector<16xi32>
    %swap3A_171 = vector.shape_cast %add3A_165 : vector<16xi32> to vector<1x16xi32>
    tpu.vector_store %arg8[%swap3A_167, %swap3A_168], %swap3A_171 {strides = array<i32>} : memref<16x128xi32, #tpu.memory_space<vmem>>, vector<1x16xi32>,
    %get3A_172 = arith.constant 48 : index
    %get3A_173 = tpu.vector_load %arg6[%get3A_172] {strides = array<i32>} : memref<64xi32, #tpu.memory_space<vmem>>, vector<16xi32>,
    %get3A_174 = vector.shape_cast %get3A_173 : vector<16xi32> to vector<16xi32>
    %add3A_175 = arith.addi %add3A_141, %get3A_174 : vector<16xi32>
    %swap3A_176 = arith.constant 0 : i32
    %swap3A_177 = arith.index_cast %swap3A_176 : i32 to index
    %swap3A_178 = arith.constant 112 : index
    %swap3A_179 = tpu.vector_load %arg8[%swap3A_177, %swap3A_178] {strides = array<i32>} : memref<16x128xi32, #tpu.memory_space<vmem>>, vector<1x16xi32>,
    %swap3A_180 = vector.shape_cast %swap3A_179 : vector<1x16xi32> to vector<16xi32>
    %swap3A_181 = vector.shape_cast %add3A_175 : vector<16xi32> to vector<1x16xi32>
    tpu.vector_store %arg8[%swap3A_177, %swap3A_178], %swap3A_181 {strides = array<i32>} : memref<16x128xi32, #tpu.memory_space<vmem>>, vector<1x16xi32>,
    %add3A_182 = arith.constant 18432 : i32
    %add3A_183 = vector.broadcast %add3A_182 : i32 to vector<16xi32>
    %add3A_184 = arith.addi %get3A_95, %add3A_183 : vector<16xi32>
    %get3A_185 = arith.constant 0 : index
    %get3A_186 = tpu.vector_load %arg6[%get3A_185] {strides = array<i32>} : memref<64xi32, #tpu.memory_space<vmem>>, vector<16xi32>,
    %get3A_187 = vector.shape_cast %get3A_186 : vector<16xi32> to vector<16xi32>
    %add3A_188 = arith.addi %add3A_184, %get3A_187 : vector<16xi32>
    %swap3A_189 = arith.constant 1 : i32
    %swap3A_190 = arith.index_cast %swap3A_189 : i32 to index
    %swap3A_191 = arith.constant 0 : index
    %swap3A_192 = tpu.vector_load %arg8[%swap3A_190, %swap3A_191] {strides = array<i32>} : memref<16x128xi32, #tpu.memory_space<vmem>>, vector<1x16xi32>,
    %swap3A_193 = vector.shape_cast %swap3A_192 : vector<1x16xi32> to vector<16xi32>
    %swap3A_194 = vector.shape_cast %add3A_188 : vector<16xi32> to vector<1x16xi32>
    tpu.vector_store %arg8[%swap3A_190, %swap3A_191], %swap3A_194 {strides = array<i32>} : memref<16x128xi32, #tpu.memory_space<vmem>>, vector<1x16xi32>,
    %get3A_195 = arith.constant 16 : index
    %get3A_196 = tpu.vector_load %arg6[%get3A_195] {strides = array<i32>} : memref<64xi32, #tpu.memory_space<vmem>>, vector<16xi32>,
    %get3A_197 = vector.shape_cast %get3A_196 : vector<16xi32> to vector<16xi32>
    %add3A_198 = arith.addi %add3A_184, %get3A_197 : vector<16xi32>
    %swap3A_199 = arith.constant 1 : i32
    %swap3A_200 = arith.index_cast %swap3A_199 : i32 to index
    %swap3A_201 = arith.constant 16 : index
    %swap3A_202 = tpu.vector_load %arg8[%swap3A_200, %swap3A_201] {strides = array<i32>} : memref<16x128xi32, #tpu.memory_space<vmem>>, vector<1x16xi32>,
    %swap3A_203 = vector.shape_cast %swap3A_202 : vector<1x16xi32> to vector<16xi32>
    %swap3A_204 = vector.shape_cast %add3A_198 : vector<16xi32> to vector<1x16xi32>
    tpu.vector_store %arg8[%swap3A_200, %swap3A_201], %swap3A_204 {strides = array<i32>} : memref<16x128xi32, #tpu.memory_space<vmem>>, vector<1x16xi32>,
    %get3A_205 = arith.constant 32 : index
    %get3A_206 = tpu.vector_load %arg6[%get3A_205] {strides = array<i32>} : memref<64xi32, #tpu.memory_space<vmem>>, vector<16xi32>,
    %get3A_207 = vector.shape_cast %get3A_206 : vector<16xi32> to vector<16xi32>
    %add3A_208 = arith.addi %add3A_184, %get3A_207 : vector<16xi32>
    %swap3A_209 = arith.constant 1 : i32
    %swap3A_210 = arith.index_cast %swap3A_209 : i32 to index
    %swap3A_211 = arith.constant 32 : index
    %swap3A_212 = tpu.vector_load %arg8[%swap3A_210, %swap3A_211] {strides = array<i32>} : memref<16x128xi32, #tpu.memory_space<vmem>>, vector<1x16xi32>,
    %swap3A_213 = vector.shape_cast %swap3A_212 : vector<1x16xi32> to vector<16xi32>
    %swap3A_214 = vector.shape_cast %add3A_208 : vector<16xi32> to vector<1x16xi32>
    tpu.vector_store %arg8[%swap3A_210, %swap3A_211], %swap3A_214 {strides = array<i32>} : memref<16x128xi32, #tpu.memory_space<vmem>>, vector<1x16xi32>,
    %get3A_215 = arith.constant 48 : index
    %get3A_216 = tpu.vector_load %arg6[%get3A_215] {strides = array<i32>} : memref<64xi32, #tpu.memory_space<vmem>>, vector<16xi32>,
    %get3A_217 = vector.shape_cast %get3A_216 : vector<16xi32> to vector<16xi32>
    %add3A_218 = arith.addi %add3A_184, %get3A_217 : vector<16xi32>
    %swap3A_219 = arith.constant 1 : i32
    %swap3A_220 = arith.index_cast %swap3A_219 : i32 to index
    %swap3A_221 = arith.constant 48 : index
    %swap3A_222 = tpu.vector_load %arg8[%swap3A_220, %swap3A_221] {strides = array<i32>} : memref<16x128xi32, #tpu.memory_space<vmem>>, vector<1x16xi32>,
    %swap3A_223 = vector.shape_cast %swap3A_222 : vector<1x16xi32> to vector<16xi32>
    %swap3A_224 = vector.shape_cast %add3A_218 : vector<16xi32> to vector<1x16xi32>
    tpu.vector_store %arg8[%swap3A_220, %swap3A_221], %swap3A_224 {strides = array<i32>} : memref<16x128xi32, #tpu.memory_space<vmem>>, vector<1x16xi32>,
    %add3A_225 = arith.constant 27648 : i32
    %add3A_226 = vector.broadcast %add3A_225 : i32 to vector<16xi32>
    %add3A_227 = arith.addi %get3A_95, %add3A_226 : vector<16xi32>
    %get3A_228 = arith.constant 0 : index
    %get3A_229 = tpu.vector_load %arg6[%get3A_228] {strides = array<i32>} : memref<64xi32, #tpu.memory_space<vmem>>, vector<16xi32>,
    %get3A_230 = vector.shape_cast %get3A_229 : vector<16xi32> to vector<16xi32>
    %add3A_231 = arith.addi %add3A_227, %get3A_230 : vector<16xi32>
    %swap3A_232 = arith.constant 1 : i32
    %swap3A_233 = arith.index_cast %swap3A_232 : i32 to index
    %swap3A_234 = arith.constant 64 : index
    %swap3A_235 = tpu.vector_load %arg8[%swap3A_233, %swap3A_234] {strides = array<i32>} : memref<16x128xi32, #tpu.memory_space<vmem>>, vector<1x16xi32>,
    %swap3A_236 = vector.shape_cast %swap3A_235 : vector<1x16xi32> to vector<16xi32>
    %swap3A_237 = vector.shape_cast %add3A_231 : vector<16xi32> to vector<1x16xi32>
    tpu.vector_store %arg8[%swap3A_233, %swap3A_234], %swap3A_237 {strides = array<i32>} : memref<16x128xi32, #tpu.memory_space<vmem>>, vector<1x16xi32>,
    %get3A_238 = arith.constant 16 : index
    %get3A_239 = tpu.vector_load %arg6[%get3A_238] {strides = array<i32>} : memref<64xi32, #tpu.memory_space<vmem>>, vector<16xi32>,
    %get3A_240 = vector.shape_cast %get3A_239 : vector<16xi32> to vector<16xi32>
    %add3A_241 = arith.addi %add3A_227, %get3A_240 : vector<16xi32>
    %swap3A_242 = arith.constant 1 : i32
    %swap3A_243 = arith.index_cast %swap3A_242 : i32 to index
    %swap3A_244 = arith.constant 80 : index
    %swap3A_245 = tpu.vector_load %arg8[%swap3A_243, %swap3A_244] {strides = array<i32>} : memref<16x128xi32, #tpu.memory_space<vmem>>, vector<1x16xi32>,
    %swap3A_246 = vector.shape_cast %swap3A_245 : vector<1x16xi32> to vector<16xi32>
    %swap3A_247 = vector.shape_cast %add3A_241 : vector<16xi32> to vector<1x16xi32>
    tpu.vector_store %arg8[%swap3A_243, %swap3A_244], %swap3A_247 {strides = array<i32>} : memref<16x128xi32, #tpu.memory_space<vmem>>, vector<1x16xi32>,
    %get3A_248 = arith.constant 32 : index
    %get3A_249 = tpu.vector_load %arg6[%get3A_248] {strides = array<i32>} : memref<64xi32, #tpu.memory_space<vmem>>, vector<16xi32>,
    %get3A_250 = vector.shape_cast %get3A_249 : vector<16xi32> to vector<16xi32>
    %add3A_251 = arith.addi %add3A_227, %get3A_250 : vector<16xi32>
    %swap3A_252 = arith.constant 1 : i32
    %swap3A_253 = arith.index_cast %swap3A_252 : i32 to index
    %swap3A_254 = arith.constant 96 : index
    %swap3A_255 = tpu.vector_load %arg8[%swap3A_253, %swap3A_254] {strides = array<i32>} : memref<16x128xi32, #tpu.memory_space<vmem>>, vector<1x16xi32>,
    %swap3A_256 = vector.shape_cast %swap3A_255 : vector<1x16xi32> to vector<16xi32>
    %swap3A_257 = vector.shape_cast %add3A_251 : vector<16xi32> to vector<1x16xi32>
    tpu.vector_store %arg8[%swap3A_253, %swap3A_254], %swap3A_257 {strides = array<i32>} : memref<16x128xi32, #tpu.memory_space<vmem>>, vector<1x16xi32>,
    %get3A_258 = arith.constant 48 : index
    %get3A_259 = tpu.vector_load %arg6[%get3A_258] {strides = array<i32>} : memref<64xi32, #tpu.memory_space<vmem>>, vector<16xi32>,
    %get3A_260 = vector.shape_cast %get3A_259 : vector<16xi32> to vector<16xi32>
    %add3A_261 = arith.addi %add3A_227, %get3A_260 : vector<16xi32>
    %swap3A_262 = arith.constant 1 : i32
    %swap3A_263 = arith.index_cast %swap3A_262 : i32 to index
    %swap3A_264 = arith.constant 112 : index
    %swap3A_265 = tpu.vector_load %arg8[%swap3A_263, %swap3A_264] {strides = array<i32>} : memref<16x128xi32, #tpu.memory_space<vmem>>, vector<1x16xi32>,
    %swap3A_266 = vector.shape_cast %swap3A_265 : vector<1x16xi32> to vector<16xi32>
    %swap3A_267 = vector.shape_cast %add3A_261 : vector<16xi32> to vector<1x16xi32>
    tpu.vector_store %arg8[%swap3A_263, %swap3A_264], %swap3A_267 {strides = array<i32>} : memref<16x128xi32, #tpu.memory_space<vmem>>, vector<1x16xi32>,
    %add3A_268 = arith.constant 36864 : i32
    %add3A_269 = vector.broadcast %add3A_268 : i32 to vector<16xi32>
    %add3A_270 = arith.addi %get3A_95, %add3A_269 : vector<16xi32>
    %get3A_271 = arith.constant 0 : index
    %get3A_272 = tpu.vector_load %arg6[%get3A_271] {strides = array<i32>} : memref<64xi32, #tpu.memory_space<vmem>>, vector<16xi32>,
    %get3A_273 = vector.shape_cast %get3A_272 : vector<16xi32> to vector<16xi32>
    %add3A_274 = arith.addi %add3A_270, %get3A_273 : vector<16xi32>
    %swap3A_275 = arith.constant 2 : i32
    %swap3A_276 = arith.index_cast %swap3A_275 : i32 to index
    %swap3A_277 = arith.constant 0 : index
    %swap3A_278 = tpu.vector_load %arg8[%swap3A_276, %swap3A_277] {strides = array<i32>} : memref<16x128xi32, #tpu.memory_space<vmem>>, vector<1x16xi32>,
    %swap3A_279 = vector.shape_cast %swap3A_278 : vector<1x16xi32> to vector<16xi32>
    %swap3A_280 = vector.shape_cast %add3A_274 : vector<16xi32> to vector<1x16xi32>
    tpu.vector_store %arg8[%swap3A_276, %swap3A_277], %swap3A_280 {strides = array<i32>} : memref<16x128xi32, #tpu.memory_space<vmem>>, vector<1x16xi32>,
    %get3A_281 = arith.constant 16 : index
    %get3A_282 = tpu.vector_load %arg6[%get3A_281] {strides = array<i32>} : memref<64xi32, #tpu.memory_space<vmem>>, vector<16xi32>,
    %get3A_283 = vector.shape_cast %get3A_282 : vector<16xi32> to vector<16xi32>
    %add3A_284 = arith.addi %add3A_270, %get3A_283 : vector<16xi32>
    %swap3A_285 = arith.constant 2 : i32
    %swap3A_286 = arith.index_cast %swap3A_285 : i32 to index
    %swap3A_287 = arith.constant 16 : index
    %swap3A_288 = tpu.vector_load %arg8[%swap3A_286, %swap3A_287] {strides = array<i32>} : memref<16x128xi32, #tpu.memory_space<vmem>>, vector<1x16xi32>,
    %swap3A_289 = vector.shape_cast %swap3A_288 : vector<1x16xi32> to vector<16xi32>
    %swap3A_290 = vector.shape_cast %add3A_284 : vector<16xi32> to vector<1x16xi32>
    tpu.vector_store %arg8[%swap3A_286, %swap3A_287], %swap3A_290 {strides = array<i32>} : memref<16x128xi32, #tpu.memory_space<vmem>>, vector<1x16xi32>,
    %get3A_291 = arith.constant 32 : index
    %get3A_292 = tpu.vector_load %arg6[%get3A_291] {strides = array<i32>} : memref<64xi32, #tpu.memory_space<vmem>>, vector<16xi32>,
    %get3A_293 = vector.shape_cast %get3A_292 : vector<16xi32> to vector<16xi32>
    %add3A_294 = arith.addi %add3A_270, %get3A_293 : vector<16xi32>
    %swap3A_295 = arith.constant 2 : i32
    %swap3A_296 = arith.index_cast %swap3A_295 : i32 to index
    %swap3A_297 = arith.constant 32 : index
    %swap3A_298 = tpu.vector_load %arg8[%swap3A_296, %swap3A_297] {strides = array<i32>} : memref<16x128xi32, #tpu.memory_space<vmem>>, vector<1x16xi32>,
    %swap3A_299 = vector.shape_cast %swap3A_298 : vector<1x16xi32> to vector<16xi32>
    %swap3A_300 = vector.shape_cast %add3A_294 : vector<16xi32> to vector<1x16xi32>
    tpu.vector_store %arg8[%swap3A_296, %swap3A_297], %swap3A_300 {strides = array<i32>} : memref<16x128xi32, #tpu.memory_space<vmem>>, vector<1x16xi32>,
    %get3A_301 = arith.constant 48 : index
    %get3A_302 = tpu.vector_load %arg6[%get3A_301] {strides = array<i32>} : memref<64xi32, #tpu.memory_space<vmem>>, vector<16xi32>,
    %get3A_303 = vector.shape_cast %get3A_302 : vector<16xi32> to vector<16xi32>
    %add3A_304 = arith.addi %add3A_270, %get3A_303 : vector<16xi32>
    %swap3A_305 = arith.constant 2 : i32
    %swap3A_306 = arith.index_cast %swap3A_305 : i32 to index
    %swap3A_307 = arith.constant 48 : index
    %swap3A_308 = tpu.vector_load %arg8[%swap3A_306, %swap3A_307] {strides = array<i32>} : memref<16x128xi32, #tpu.memory_space<vmem>>, vector<1x16xi32>,
    %swap3A_309 = vector.shape_cast %swap3A_308 : vector<1x16xi32> to vector<16xi32>
    %swap3A_310 = vector.shape_cast %add3A_304 : vector<16xi32> to vector<1x16xi32>
    tpu.vector_store %arg8[%swap3A_306, %swap3A_307], %swap3A_310 {strides = array<i32>} : memref<16x128xi32, #tpu.memory_space<vmem>>, vector<1x16xi32>,
    %add3A_311 = arith.constant 46080 : i32
    %add3A_312 = vector.broadcast %add3A_311 : i32 to vector<16xi32>
    %add3A_313 = arith.addi %get3A_95, %add3A_312 : vector<16xi32>
    %get3A_314 = arith.constant 0 : index
    %get3A_315 = tpu.vector_load %arg6[%get3A_314] {strides = array<i32>} : memref<64xi32, #tpu.memory_space<vmem>>, vector<16xi32>,
    %get3A_316 = vector.shape_cast %get3A_315 : vector<16xi32> to vector<16xi32>
    %add3A_317 = arith.addi %add3A_313, %get3A_316 : vector<16xi32>
    %swap3A_318 = arith.constant 2 : i32
    %swap3A_319 = arith.index_cast %swap3A_318 : i32 to index
    %swap3A_320 = arith.constant 64 : index
    %swap3A_321 = tpu.vector_load %arg8[%swap3A_319, %swap3A_320] {strides = array<i32>} : memref<16x128xi32, #tpu.memory_space<vmem>>, vector<1x16xi32>,
    %swap3A_322 = vector.shape_cast %swap3A_321 : vector<1x16xi32> to vector<16xi32>
    %swap3A_323 = vector.shape_cast %add3A_317 : vector<16xi32> to vector<1x16xi32>
    tpu.vector_store %arg8[%swap3A_319, %swap3A_320], %swap3A_323 {strides = array<i32>} : memref<16x128xi32, #tpu.memory_space<vmem>>, vector<1x16xi32>,
    %get3A_324 = arith.constant 16 : index
    %get3A_325 = tpu.vector_load %arg6[%get3A_324] {strides = array<i32>} : memref<64xi32, #tpu.memory_space<vmem>>, vector<16xi32>,
    %get3A_326 = vector.shape_cast %get3A_325 : vector<16xi32> to vector<16xi32>
    %add3A_327 = arith.addi %add3A_313, %get3A_326 : vector<16xi32>
    %swap3A_328 = arith.constant 2 : i32
    %swap3A_329 = arith.index_cast %swap3A_328 : i32 to index
    %swap3A_330 = arith.constant 80 : index
    %swap3A_331 = tpu.vector_load %arg8[%swap3A_329, %swap3A_330] {strides = array<i32>} : memref<16x128xi32, #tpu.memory_space<vmem>>, vector<1x16xi32>,
    %swap3A_332 = vector.shape_cast %swap3A_331 : vector<1x16xi32> to vector<16xi32>
    %swap3A_333 = vector.shape_cast %add3A_327 : vector<16xi32> to vector<1x16xi32>
    tpu.vector_store %arg8[%swap3A_329, %swap3A_330], %swap3A_333 {strides = array<i32>} : memref<16x128xi32, #tpu.memory_space<vmem>>, vector<1x16xi32>,
    %get3A_334 = arith.constant 32 : index
    %get3A_335 = tpu.vector_load %arg6[%get3A_334] {strides = array<i32>} : memref<64xi32, #tpu.memory_space<vmem>>, vector<16xi32>,
    %get3A_336 = vector.shape_cast %get3A_335 : vector<16xi32> to vector<16xi32>
    %add3A_337 = arith.addi %add3A_313, %get3A_336 : vector<16xi32>
    %swap3A_338 = arith.constant 2 : i32
    %swap3A_339 = arith.index_cast %swap3A_338 : i32 to index
    %swap3A_340 = arith.constant 96 : index
    %swap3A_341 = tpu.vector_load %arg8[%swap3A_339, %swap3A_340] {strides = array<i32>} : memref<16x128xi32, #tpu.memory_space<vmem>>, vector<1x16xi32>,
    %swap3A_342 = vector.shape_cast %swap3A_341 : vector<1x16xi32> to vector<16xi32>
    %swap3A_343 = vector.shape_cast %add3A_337 : vector<16xi32> to vector<1x16xi32>
    tpu.vector_store %arg8[%swap3A_339, %swap3A_340], %swap3A_343 {strides = array<i32>} : memref<16x128xi32, #tpu.memory_space<vmem>>, vector<1x16xi32>,
    %get3A_344 = arith.constant 48 : index
    %get3A_345 = tpu.vector_load %arg6[%get3A_344] {strides = array<i32>} : memref<64xi32, #tpu.memory_space<vmem>>, vector<16xi32>,
    %get3A_346 = vector.shape_cast %get3A_345 : vector<16xi32> to vector<16xi32>
    %add3A_347 = arith.addi %add3A_313, %get3A_346 : vector<16xi32>
    %swap3A_348 = arith.constant 2 : i32
    %swap3A_349 = arith.index_cast %swap3A_348 : i32 to index
    %swap3A_350 = arith.constant 112 : index
    %swap3A_351 = tpu.vector_load %arg8[%swap3A_349, %swap3A_350] {strides = array<i32>} : memref<16x128xi32, #tpu.memory_space<vmem>>, vector<1x16xi32>,
    %swap3A_352 = vector.shape_cast %swap3A_351 : vector<1x16xi32> to vector<16xi32>
    %swap3A_353 = vector.shape_cast %add3A_347 : vector<16xi32> to vector<1x16xi32>
    tpu.vector_store %arg8[%swap3A_349, %swap3A_350], %swap3A_353 {strides = array<i32>} : memref<16x128xi32, #tpu.memory_space<vmem>>, vector<1x16xi32>,
    %add3A_354 = arith.constant 55296 : i32
    %add3A_355 = vector.broadcast %add3A_354 : i32 to vector<16xi32>
    %add3A_356 = arith.addi %get3A_95, %add3A_355 : vector<16xi32>
    %get3A_357 = arith.constant 0 : index
    %get3A_358 = tpu.vector_load %arg6[%get3A_357] {strides = array<i32>} : memref<64xi32, #tpu.memory_space<vmem>>, vector<16xi32>,
    %get3A_359 = vector.shape_cast %get3A_358 : vector<16xi32> to vector<16xi32>
    %add3A_360 = arith.addi %add3A_356, %get3A_359 : vector<16xi32>
    %swap3A_361 = arith.constant 3 : i32
    %swap3A_362 = arith.index_cast %swap3A_361 : i32 to index
    %swap3A_363 = arith.constant 0 : index
    %swap3A_364 = tpu.vector_load %arg8[%swap3A_362, %swap3A_363] {strides = array<i32>} : memref<16x128xi32, #tpu.memory_space<vmem>>, vector<1x16xi32>,
    %swap3A_365 = vector.shape_cast %swap3A_364 : vector<1x16xi32> to vector<16xi32>
    %swap3A_366 = vector.shape_cast %add3A_360 : vector<16xi32> to vector<1x16xi32>
    tpu.vector_store %arg8[%swap3A_362, %swap3A_363], %swap3A_366 {strides = array<i32>} : memref<16x128xi32, #tpu.memory_space<vmem>>, vector<1x16xi32>,
    %get3A_367 = arith.constant 16 : index
    %get3A_368 = tpu.vector_load %arg6[%get3A_367] {strides = array<i32>} : memref<64xi32, #tpu.memory_space<vmem>>, vector<16xi32>,
    %get3A_369 = vector.shape_cast %get3A_368 : vector<16xi32> to vector<16xi32>
    %add3A_370 = arith.addi %add3A_356, %get3A_369 : vector<16xi32>
    %swap3A_371 = arith.constant 3 : i32
    %swap3A_372 = arith.index_cast %swap3A_371 : i32 to index
    %swap3A_373 = arith.constant 16 : index
    %swap3A_374 = tpu.vector_load %arg8[%swap3A_372, %swap3A_373] {strides = array<i32>} : memref<16x128xi32, #tpu.memory_space<vmem>>, vector<1x16xi32>,
    %swap3A_375 = vector.shape_cast %swap3A_374 : vector<1x16xi32> to vector<16xi32>
    %swap3A_376 = vector.shape_cast %add3A_370 : vector<16xi32> to vector<1x16xi32>
    tpu.vector_store %arg8[%swap3A_372, %swap3A_373], %swap3A_376 {strides = array<i32>} : memref<16x128xi32, #tpu.memory_space<vmem>>, vector<1x16xi32>,
    %get3A_377 = arith.constant 32 : index
    %get3A_378 = tpu.vector_load %arg6[%get3A_377] {strides = array<i32>} : memref<64xi32, #tpu.memory_space<vmem>>, vector<16xi32>,
    %get3A_379 = vector.shape_cast %get3A_378 : vector<16xi32> to vector<16xi32>
    %add3A_380 = arith.addi %add3A_356, %get3A_379 : vector<16xi32>
    %swap3A_381 = arith.constant 3 : i32
    %swap3A_382 = arith.index_cast %swap3A_381 : i32 to index
    %swap3A_383 = arith.constant 32 : index
    %swap3A_384 = tpu.vector_load %arg8[%swap3A_382, %swap3A_383] {strides = array<i32>} : memref<16x128xi32, #tpu.memory_space<vmem>>, vector<1x16xi32>,
    %swap3A_385 = vector.shape_cast %swap3A_384 : vector<1x16xi32> to vector<16xi32>
    %swap3A_386 = vector.shape_cast %add3A_380 : vector<16xi32> to vector<1x16xi32>
    tpu.vector_store %arg8[%swap3A_382, %swap3A_383], %swap3A_386 {strides = array<i32>} : memref<16x128xi32, #tpu.memory_space<vmem>>, vector<1x16xi32>,
    %get3A_387 = arith.constant 48 : index
    %get3A_388 = tpu.vector_load %arg6[%get3A_387] {strides = array<i32>} : memref<64xi32, #tpu.memory_space<vmem>>, vector<16xi32>,
    %get3A_389 = vector.shape_cast %get3A_388 : vector<16xi32> to vector<16xi32>
    %add3A_390 = arith.addi %add3A_356, %get3A_389 : vector<16xi32>
    %swap3A_391 = arith.constant 3 : i32
    %swap3A_392 = arith.index_cast %swap3A_391 : i32 to index
    %swap3A_393 = arith.constant 48 : index
    %swap3A_394 = tpu.vector_load %arg8[%swap3A_392, %swap3A_393] {strides = array<i32>} : memref<16x128xi32, #tpu.memory_space<vmem>>, vector<1x16xi32>,
    %swap3A_395 = vector.shape_cast %swap3A_394 : vector<1x16xi32> to vector<16xi32>
    %swap3A_396 = vector.shape_cast %add3A_390 : vector<16xi32> to vector<1x16xi32>
    tpu.vector_store %arg8[%swap3A_392, %swap3A_393], %swap3A_396 {strides = array<i32>} : memref<16x128xi32, #tpu.memory_space<vmem>>, vector<1x16xi32>,
    %add3A_397 = arith.constant 64512 : i32
    %add3A_398 = vector.broadcast %add3A_397 : i32 to vector<16xi32>
    %add3A_399 = arith.addi %get3A_95, %add3A_398 : vector<16xi32>
    %get3A_400 = arith.constant 0 : index
    %get3A_401 = tpu.vector_load %arg6[%get3A_400] {strides = array<i32>} : memref<64xi32, #tpu.memory_space<vmem>>, vector<16xi32>,
    %get3A_402 = vector.shape_cast %get3A_401 : vector<16xi32> to vector<16xi32>
    %add3A_403 = arith.addi %add3A_399, %get3A_402 : vector<16xi32>
    %swap3A_404 = arith.constant 3 : i32
    %swap3A_405 = arith.index_cast %swap3A_404 : i32 to index
    %swap3A_406 = arith.constant 64 : index
    %swap3A_407 = tpu.vector_load %arg8[%swap3A_405, %swap3A_406] {strides = array<i32>} : memref<16x128xi32, #tpu.memory_space<vmem>>, vector<1x16xi32>,
    %swap3A_408 = vector.shape_cast %swap3A_407 : vector<1x16xi32> to vector<16xi32>
    %swap3A_409 = vector.shape_cast %add3A_403 : vector<16xi32> to vector<1x16xi32>
    tpu.vector_store %arg8[%swap3A_405, %swap3A_406], %swap3A_409 {strides = array<i32>} : memref<16x128xi32, #tpu.memory_space<vmem>>, vector<1x16xi32>,
    %get3A_410 = arith.constant 16 : index
    %get3A_411 = tpu.vector_load %arg6[%get3A_410] {strides = array<i32>} : memref<64xi32, #tpu.memory_space<vmem>>, vector<16xi32>,
    %get3A_412 = vector.shape_cast %get3A_411 : vector<16xi32> to vector<16xi32>
    %add3A_413 = arith.addi %add3A_399, %get3A_412 : vector<16xi32>
    %swap3A_414 = arith.constant 3 : i32
    %swap3A_415 = arith.index_cast %swap3A_414 : i32 to index
    %swap3A_416 = arith.constant 80 : index
    %swap3A_417 = tpu.vector_load %arg8[%swap3A_415, %swap3A_416] {strides = array<i32>} : memref<16x128xi32, #tpu.memory_space<vmem>>, vector<1x16xi32>,
    %swap3A_418 = vector.shape_cast %swap3A_417 : vector<1x16xi32> to vector<16xi32>
    %swap3A_419 = vector.shape_cast %add3A_413 : vector<16xi32> to vector<1x16xi32>
    tpu.vector_store %arg8[%swap3A_415, %swap3A_416], %swap3A_419 {strides = array<i32>} : memref<16x128xi32, #tpu.memory_space<vmem>>, vector<1x16xi32>,
    %get3A_420 = arith.constant 32 : index
    %get3A_421 = tpu.vector_load %arg6[%get3A_420] {strides = array<i32>} : memref<64xi32, #tpu.memory_space<vmem>>, vector<16xi32>,
    %get3A_422 = vector.shape_cast %get3A_421 : vector<16xi32> to vector<16xi32>
    %add3A_423 = arith.addi %add3A_399, %get3A_422 : vector<16xi32>
    %swap3A_424 = arith.constant 3 : i32
    %swap3A_425 = arith.index_cast %swap3A_424 : i32 to index
    %swap3A_426 = arith.constant 96 : index
    %swap3A_427 = tpu.vector_load %arg8[%swap3A_425, %swap3A_426] {strides = array<i32>} : memref<16x128xi32, #tpu.memory_space<vmem>>, vector<1x16xi32>,
    %swap3A_428 = vector.shape_cast %swap3A_427 : vector<1x16xi32> to vector<16xi32>
    %swap3A_429 = vector.shape_cast %add3A_423 : vector<16xi32> to vector<1x16xi32>
    tpu.vector_store %arg8[%swap3A_425, %swap3A_426], %swap3A_429 {strides = array<i32>} : memref<16x128xi32, #tpu.memory_space<vmem>>, vector<1x16xi32>,
    %get3A_430 = arith.constant 48 : index
    %get3A_431 = tpu.vector_load %arg6[%get3A_430] {strides = array<i32>} : memref<64xi32, #tpu.memory_space<vmem>>, vector<16xi32>,
    %get3A_432 = vector.shape_cast %get3A_431 : vector<16xi32> to vector<16xi32>
    %add3A_433 = arith.addi %add3A_399, %get3A_432 : vector<16xi32>
    %swap3A_434 = arith.constant 3 : i32
    %swap3A_435 = arith.index_cast %swap3A_434 : i32 to index
    %swap3A_436 = arith.constant 112 : index
    %swap3A_437 = tpu.vector_load %arg8[%swap3A_435, %swap3A_436] {strides = array<i32>} : memref<16x128xi32, #tpu.memory_space<vmem>>, vector<1x16xi32>,
    %swap3A_438 = vector.shape_cast %swap3A_437 : vector<1x16xi32> to vector<16xi32>
    %swap3A_439 = vector.shape_cast %add3A_433 : vector<16xi32> to vector<1x16xi32>
    tpu.vector_store %arg8[%swap3A_435, %swap3A_436], %swap3A_439 {strides = array<i32>} : memref<16x128xi32, #tpu.memory_space<vmem>>, vector<1x16xi32>,
    %add3A_440 = arith.constant 73728 : i32
    %add3A_441 = vector.broadcast %add3A_440 : i32 to vector<16xi32>
    %add3A_442 = arith.addi %get3A_95, %add3A_441 : vector<16xi32>
    %get3A_443 = arith.constant 0 : index
    %get3A_444 = tpu.vector_load %arg6[%get3A_443] {strides = array<i32>} : memref<64xi32, #tpu.memory_space<vmem>>, vector<16xi32>,
    %get3A_445 = vector.shape_cast %get3A_444 : vector<16xi32> to vector<16xi32>
    %add3A_446 = arith.addi %add3A_442, %get3A_445 : vector<16xi32>
    %swap3A_447 = arith.constant 4 : i32
    %swap3A_448 = arith.index_cast %swap3A_447 : i32 to index
    %swap3A_449 = arith.constant 0 : index
    %swap3A_450 = tpu.vector_load %arg8[%swap3A_448, %swap3A_449] {strides = array<i32>} : memref<16x128xi32, #tpu.memory_space<vmem>>, vector<1x16xi32>,
    %swap3A_451 = vector.shape_cast %swap3A_450 : vector<1x16xi32> to vector<16xi32>
    %swap3A_452 = vector.shape_cast %add3A_446 : vector<16xi32> to vector<1x16xi32>
    tpu.vector_store %arg8[%swap3A_448, %swap3A_449], %swap3A_452 {strides = array<i32>} : memref<16x128xi32, #tpu.memory_space<vmem>>, vector<1x16xi32>,
    %get3A_453 = arith.constant 16 : index
    %get3A_454 = tpu.vector_load %arg6[%get3A_453] {strides = array<i32>} : memref<64xi32, #tpu.memory_space<vmem>>, vector<16xi32>,
    %get3A_455 = vector.shape_cast %get3A_454 : vector<16xi32> to vector<16xi32>
    %add3A_456 = arith.addi %add3A_442, %get3A_455 : vector<16xi32>
    %swap3A_457 = arith.constant 4 : i32
    %swap3A_458 = arith.index_cast %swap3A_457 : i32 to index
    %swap3A_459 = arith.constant 16 : index
    %swap3A_460 = tpu.vector_load %arg8[%swap3A_458, %swap3A_459] {strides = array<i32>} : memref<16x128xi32, #tpu.memory_space<vmem>>, vector<1x16xi32>,
    %swap3A_461 = vector.shape_cast %swap3A_460 : vector<1x16xi32> to vector<16xi32>
    %swap3A_462 = vector.shape_cast %add3A_456 : vector<16xi32> to vector<1x16xi32>
    tpu.vector_store %arg8[%swap3A_458, %swap3A_459], %swap3A_462 {strides = array<i32>} : memref<16x128xi32, #tpu.memory_space<vmem>>, vector<1x16xi32>,
    %get3A_463 = arith.constant 32 : index
    %get3A_464 = tpu.vector_load %arg6[%get3A_463] {strides = array<i32>} : memref<64xi32, #tpu.memory_space<vmem>>, vector<16xi32>,
    %get3A_465 = vector.shape_cast %get3A_464 : vector<16xi32> to vector<16xi32>
    %add3A_466 = arith.addi %add3A_442, %get3A_465 : vector<16xi32>
    %swap3A_467 = arith.constant 4 : i32
    %swap3A_468 = arith.index_cast %swap3A_467 : i32 to index
    %swap3A_469 = arith.constant 32 : index
    %swap3A_470 = tpu.vector_load %arg8[%swap3A_468, %swap3A_469] {strides = array<i32>} : memref<16x128xi32, #tpu.memory_space<vmem>>, vector<1x16xi32>,
    %swap3A_471 = vector.shape_cast %swap3A_470 : vector<1x16xi32> to vector<16xi32>
    %swap3A_472 = vector.shape_cast %add3A_466 : vector<16xi32> to vector<1x16xi32>
    tpu.vector_store %arg8[%swap3A_468, %swap3A_469], %swap3A_472 {strides = array<i32>} : memref<16x128xi32, #tpu.memory_space<vmem>>, vector<1x16xi32>,
    %get3A_473 = arith.constant 48 : index
    %get3A_474 = tpu.vector_load %arg6[%get3A_473] {strides = array<i32>} : memref<64xi32, #tpu.memory_space<vmem>>, vector<16xi32>,
    %get3A_475 = vector.shape_cast %get3A_474 : vector<16xi32> to vector<16xi32>
    %add3A_476 = arith.addi %add3A_442, %get3A_475 : vector<16xi32>
    %swap3A_477 = arith.constant 4 : i32
    %swap3A_478 = arith.index_cast %swap3A_477 : i32 to index
    %swap3A_479 = arith.constant 48 : index
    %swap3A_480 = tpu.vector_load %arg8[%swap3A_478, %swap3A_479] {strides = array<i32>} : memref<16x128xi32, #tpu.memory_space<vmem>>, vector<1x16xi32>,
    %swap3A_481 = vector.shape_cast %swap3A_480 : vector<1x16xi32> to vector<16xi32>
    %swap3A_482 = vector.shape_cast %add3A_476 : vector<16xi32> to vector<1x16xi32>
    tpu.vector_store %arg8[%swap3A_478, %swap3A_479], %swap3A_482 {strides = array<i32>} : memref<16x128xi32, #tpu.memory_space<vmem>>, vector<1x16xi32>,
    %add3A_483 = arith.constant 82944 : i32
    %add3A_484 = vector.broadcast %add3A_483 : i32 to vector<16xi32>
    %add3A_485 = arith.addi %get3A_95, %add3A_484 : vector<16xi32>
    %get3A_486 = arith.constant 0 : index
    %get3A_487 = tpu.vector_load %arg6[%get3A_486] {strides = array<i32>} : memref<64xi32, #tpu.memory_space<vmem>>, vector<16xi32>,
    %get3A_488 = vector.shape_cast %get3A_487 : vector<16xi32> to vector<16xi32>
    %add3A_489 = arith.addi %add3A_485, %get3A_488 : vector<16xi32>
    %swap3A_490 = arith.constant 4 : i32
    %swap3A_491 = arith.index_cast %swap3A_490 : i32 to index
    %swap3A_492 = arith.constant 64 : index
    %swap3A_493 = tpu.vector_load %arg8[%swap3A_491, %swap3A_492] {strides = array<i32>} : memref<16x128xi32, #tpu.memory_space<vmem>>, vector<1x16xi32>,
    %swap3A_494 = vector.shape_cast %swap3A_493 : vector<1x16xi32> to vector<16xi32>
    %swap3A_495 = vector.shape_cast %add3A_489 : vector<16xi32> to vector<1x16xi32>
    tpu.vector_store %arg8[%swap3A_491, %swap3A_492], %swap3A_495 {strides = array<i32>} : memref<16x128xi32, #tpu.memory_space<vmem>>, vector<1x16xi32>,
    %get3A_496 = arith.constant 16 : index
    %get3A_497 = tpu.vector_load %arg6[%get3A_496] {strides = array<i32>} : memref<64xi32, #tpu.memory_space<vmem>>, vector<16xi32>,
    %get3A_498 = vector.shape_cast %get3A_497 : vector<16xi32> to vector<16xi32>
    %add3A_499 = arith.addi %add3A_485, %get3A_498 : vector<16xi32>
    %swap3A_500 = arith.constant 4 : i32
    %swap3A_501 = arith.index_cast %swap3A_500 : i32 to index
    %swap3A_502 = arith.constant 80 : index
    %swap3A_503 = tpu.vector_load %arg8[%swap3A_501, %swap3A_502] {strides = array<i32>} : memref<16x128xi32, #tpu.memory_space<vmem>>, vector<1x16xi32>,
    %swap3A_504 = vector.shape_cast %swap3A_503 : vector<1x16xi32> to vector<16xi32>
    %swap3A_505 = vector.shape_cast %add3A_499 : vector<16xi32> to vector<1x16xi32>
    tpu.vector_store %arg8[%swap3A_501, %swap3A_502], %swap3A_505 {strides = array<i32>} : memref<16x128xi32, #tpu.memory_space<vmem>>, vector<1x16xi32>,
    %get3A_506 = arith.constant 32 : index
    %get3A_507 = tpu.vector_load %arg6[%get3A_506] {strides = array<i32>} : memref<64xi32, #tpu.memory_space<vmem>>, vector<16xi32>,
    %get3A_508 = vector.shape_cast %get3A_507 : vector<16xi32> to vector<16xi32>
    %add3A_509 = arith.addi %add3A_485, %get3A_508 : vector<16xi32>
    %swap3A_510 = arith.constant 4 : i32
    %swap3A_511 = arith.index_cast %swap3A_510 : i32 to index
    %swap3A_512 = arith.constant 96 : index
    %swap3A_513 = tpu.vector_load %arg8[%swap3A_511, %swap3A_512] {strides = array<i32>} : memref<16x128xi32, #tpu.memory_space<vmem>>, vector<1x16xi32>,
    %swap3A_514 = vector.shape_cast %swap3A_513 : vector<1x16xi32> to vector<16xi32>
    %swap3A_515 = vector.shape_cast %add3A_509 : vector<16xi32> to vector<1x16xi32>
    tpu.vector_store %arg8[%swap3A_511, %swap3A_512], %swap3A_515 {strides = array<i32>} : memref<16x128xi32, #tpu.memory_space<vmem>>, vector<1x16xi32>,
    %get3A_516 = arith.constant 48 : index
    %get3A_517 = tpu.vector_load %arg6[%get3A_516] {strides = array<i32>} : memref<64xi32, #tpu.memory_space<vmem>>, vector<16xi32>,
    %get3A_518 = vector.shape_cast %get3A_517 : vector<16xi32> to vector<16xi32>
    %add3A_519 = arith.addi %add3A_485, %get3A_518 : vector<16xi32>
    %swap3A_520 = arith.constant 4 : i32
    %swap3A_521 = arith.index_cast %swap3A_520 : i32 to index
    %swap3A_522 = arith.constant 112 : index
    %swap3A_523 = tpu.vector_load %arg8[%swap3A_521, %swap3A_522] {strides = array<i32>} : memref<16x128xi32, #tpu.memory_space<vmem>>, vector<1x16xi32>,
    %swap3A_524 = vector.shape_cast %swap3A_523 : vector<1x16xi32> to vector<16xi32>
    %swap3A_525 = vector.shape_cast %add3A_519 : vector<16xi32> to vector<1x16xi32>
    tpu.vector_store %arg8[%swap3A_521, %swap3A_522], %swap3A_525 {strides = array<i32>} : memref<16x128xi32, #tpu.memory_space<vmem>>, vector<1x16xi32>,
    %add3A_526 = arith.constant 92160 : i32
    %add3A_527 = vector.broadcast %add3A_526 : i32 to vector<16xi32>
    %add3A_528 = arith.addi %get3A_95, %add3A_527 : vector<16xi32>
    %get3A_529 = arith.constant 0 : index
    %get3A_530 = tpu.vector_load %arg6[%get3A_529] {strides = array<i32>} : memref<64xi32, #tpu.memory_space<vmem>>, vector<16xi32>,
    %get3A_531 = vector.shape_cast %get3A_530 : vector<16xi32> to vector<16xi32>
    %add3A_532 = arith.addi %add3A_528, %get3A_531 : vector<16xi32>
    %swap3A_533 = arith.constant 5 : i32
    %swap3A_534 = arith.index_cast %swap3A_533 : i32 to index
    %swap3A_535 = arith.constant 0 : index
    %swap3A_536 = tpu.vector_load %arg8[%swap3A_534, %swap3A_535] {strides = array<i32>} : memref<16x128xi32, #tpu.memory_space<vmem>>, vector<1x16xi32>,
    %swap3A_537 = vector.shape_cast %swap3A_536 : vector<1x16xi32> to vector<16xi32>
    %swap3A_538 = vector.shape_cast %add3A_532 : vector<16xi32> to vector<1x16xi32>
    tpu.vector_store %arg8[%swap3A_534, %swap3A_535], %swap3A_538 {strides = array<i32>} : memref<16x128xi32, #tpu.memory_space<vmem>>, vector<1x16xi32>,
    %get3A_539 = arith.constant 16 : index
    %get3A_540 = tpu.vector_load %arg6[%get3A_539] {strides = array<i32>} : memref<64xi32, #tpu.memory_space<vmem>>, vector<16xi32>,
    %get3A_541 = vector.shape_cast %get3A_540 : vector<16xi32> to vector<16xi32>
    %add3A_542 = arith.addi %add3A_528, %get3A_541 : vector<16xi32>
    %swap3A_543 = arith.constant 5 : i32
    %swap3A_544 = arith.index_cast %swap3A_543 : i32 to index
    %swap3A_545 = arith.constant 16 : index
    %swap3A_546 = tpu.vector_load %arg8[%swap3A_544, %swap3A_545] {strides = array<i32>} : memref<16x128xi32, #tpu.memory_space<vmem>>, vector<1x16xi32>,
    %swap3A_547 = vector.shape_cast %swap3A_546 : vector<1x16xi32> to vector<16xi32>
    %swap3A_548 = vector.shape_cast %add3A_542 : vector<16xi32> to vector<1x16xi32>
    tpu.vector_store %arg8[%swap3A_544, %swap3A_545], %swap3A_548 {strides = array<i32>} : memref<16x128xi32, #tpu.memory_space<vmem>>, vector<1x16xi32>,
    %get3A_549 = arith.constant 32 : index
    %get3A_550 = tpu.vector_load %arg6[%get3A_549] {strides = array<i32>} : memref<64xi32, #tpu.memory_space<vmem>>, vector<16xi32>,
    %get3A_551 = vector.shape_cast %get3A_550 : vector<16xi32> to vector<16xi32>
    %add3A_552 = arith.addi %add3A_528, %get3A_551 : vector<16xi32>
    %swap3A_553 = arith.constant 5 : i32
    %swap3A_554 = arith.index_cast %swap3A_553 : i32 to index
    %swap3A_555 = arith.constant 32 : index
    %swap3A_556 = tpu.vector_load %arg8[%swap3A_554, %swap3A_555] {strides = array<i32>} : memref<16x128xi32, #tpu.memory_space<vmem>>, vector<1x16xi32>,
    %swap3A_557 = vector.shape_cast %swap3A_556 : vector<1x16xi32> to vector<16xi32>
    %swap3A_558 = vector.shape_cast %add3A_552 : vector<16xi32> to vector<1x16xi32>
    tpu.vector_store %arg8[%swap3A_554, %swap3A_555], %swap3A_558 {strides = array<i32>} : memref<16x128xi32, #tpu.memory_space<vmem>>, vector<1x16xi32>,
    %get3A_559 = arith.constant 48 : index
    %get3A_560 = tpu.vector_load %arg6[%get3A_559] {strides = array<i32>} : memref<64xi32, #tpu.memory_space<vmem>>, vector<16xi32>,
    %get3A_561 = vector.shape_cast %get3A_560 : vector<16xi32> to vector<16xi32>
    %add3A_562 = arith.addi %add3A_528, %get3A_561 : vector<16xi32>
    %swap3A_563 = arith.constant 5 : i32
    %swap3A_564 = arith.index_cast %swap3A_563 : i32 to index
    %swap3A_565 = arith.constant 48 : index
    %swap3A_566 = tpu.vector_load %arg8[%swap3A_564, %swap3A_565] {strides = array<i32>} : memref<16x128xi32, #tpu.memory_space<vmem>>, vector<1x16xi32>,
    %swap3A_567 = vector.shape_cast %swap3A_566 : vector<1x16xi32> to vector<16xi32>
    %swap3A_568 = vector.shape_cast %add3A_562 : vector<16xi32> to vector<1x16xi32>
    tpu.vector_store %arg8[%swap3A_564, %swap3A_565], %swap3A_568 {strides = array<i32>} : memref<16x128xi32, #tpu.memory_space<vmem>>, vector<1x16xi32>,
    %add3A_569 = arith.constant 101376 : i32
    %add3A_570 = vector.broadcast %add3A_569 : i32 to vector<16xi32>
    %add3A_571 = arith.addi %get3A_95, %add3A_570 : vector<16xi32>
    %get3A_572 = arith.constant 0 : index
    %get3A_573 = tpu.vector_load %arg6[%get3A_572] {strides = array<i32>} : memref<64xi32, #tpu.memory_space<vmem>>, vector<16xi32>,
    %get3A_574 = vector.shape_cast %get3A_573 : vector<16xi32> to vector<16xi32>
    %add3A_575 = arith.addi %add3A_571, %get3A_574 : vector<16xi32>
    %swap3A_576 = arith.constant 5 : i32
    %swap3A_577 = arith.index_cast %swap3A_576 : i32 to index
    %swap3A_578 = arith.constant 64 : index
    %swap3A_579 = tpu.vector_load %arg8[%swap3A_577, %swap3A_578] {strides = array<i32>} : memref<16x128xi32, #tpu.memory_space<vmem>>, vector<1x16xi32>,
    %swap3A_580 = vector.shape_cast %swap3A_579 : vector<1x16xi32> to vector<16xi32>
    %swap3A_581 = vector.shape_cast %add3A_575 : vector<16xi32> to vector<1x16xi32>
    tpu.vector_store %arg8[%swap3A_577, %swap3A_578], %swap3A_581 {strides = array<i32>} : memref<16x128xi32, #tpu.memory_space<vmem>>, vector<1x16xi32>,
    %get3A_582 = arith.constant 16 : index
    %get3A_583 = tpu.vector_load %arg6[%get3A_582] {strides = array<i32>} : memref<64xi32, #tpu.memory_space<vmem>>, vector<16xi32>,
    %get3A_584 = vector.shape_cast %get3A_583 : vector<16xi32> to vector<16xi32>
    %add3A_585 = arith.addi %add3A_571, %get3A_584 : vector<16xi32>
    %swap3A_586 = arith.constant 5 : i32
    %swap3A_587 = arith.index_cast %swap3A_586 : i32 to index
    %swap3A_588 = arith.constant 80 : index
    %swap3A_589 = tpu.vector_load %arg8[%swap3A_587, %swap3A_588] {strides = array<i32>} : memref<16x128xi32, #tpu.memory_space<vmem>>, vector<1x16xi32>,
    %swap3A_590 = vector.shape_cast %swap3A_589 : vector<1x16xi32> to vector<16xi32>
    %swap3A_591 = vector.shape_cast %add3A_585 : vector<16xi32> to vector<1x16xi32>
    tpu.vector_store %arg8[%swap3A_587, %swap3A_588], %swap3A_591 {strides = array<i32>} : memref<16x128xi32, #tpu.memory_space<vmem>>, vector<1x16xi32>,
    %get3A_592 = arith.constant 32 : index
    %get3A_593 = tpu.vector_load %arg6[%get3A_592] {strides = array<i32>} : memref<64xi32, #tpu.memory_space<vmem>>, vector<16xi32>,
    %get3A_594 = vector.shape_cast %get3A_593 : vector<16xi32> to vector<16xi32>
    %add3A_595 = arith.addi %add3A_571, %get3A_594 : vector<16xi32>
    %swap3A_596 = arith.constant 5 : i32
    %swap3A_597 = arith.index_cast %swap3A_596 : i32 to index
    %swap3A_598 = arith.constant 96 : index
    %swap3A_599 = tpu.vector_load %arg8[%swap3A_597, %swap3A_598] {strides = array<i32>} : memref<16x128xi32, #tpu.memory_space<vmem>>, vector<1x16xi32>,
    %swap3A_600 = vector.shape_cast %swap3A_599 : vector<1x16xi32> to vector<16xi32>
    %swap3A_601 = vector.shape_cast %add3A_595 : vector<16xi32> to vector<1x16xi32>
    tpu.vector_store %arg8[%swap3A_597, %swap3A_598], %swap3A_601 {strides = array<i32>} : memref<16x128xi32, #tpu.memory_space<vmem>>, vector<1x16xi32>,
    %get3A_602 = arith.constant 48 : index
    %get3A_603 = tpu.vector_load %arg6[%get3A_602] {strides = array<i32>} : memref<64xi32, #tpu.memory_space<vmem>>, vector<16xi32>,
    %get3A_604 = vector.shape_cast %get3A_603 : vector<16xi32> to vector<16xi32>
    %add3A_605 = arith.addi %add3A_571, %get3A_604 : vector<16xi32>
    %swap3A_606 = arith.constant 5 : i32
    %swap3A_607 = arith.index_cast %swap3A_606 : i32 to index
    %swap3A_608 = arith.constant 112 : index
    %swap3A_609 = tpu.vector_load %arg8[%swap3A_607, %swap3A_608] {strides = array<i32>} : memref<16x128xi32, #tpu.memory_space<vmem>>, vector<1x16xi32>,
    %swap3A_610 = vector.shape_cast %swap3A_609 : vector<1x16xi32> to vector<16xi32>
    %swap3A_611 = vector.shape_cast %add3A_605 : vector<16xi32> to vector<1x16xi32>
    tpu.vector_store %arg8[%swap3A_607, %swap3A_608], %swap3A_611 {strides = array<i32>} : memref<16x128xi32, #tpu.memory_space<vmem>>, vector<1x16xi32>,
    %add3A_612 = arith.constant 110592 : i32
    %add3A_613 = vector.broadcast %add3A_612 : i32 to vector<16xi32>
    %add3A_614 = arith.addi %get3A_95, %add3A_613 : vector<16xi32>
    %get3A_615 = arith.constant 0 : index
    %get3A_616 = tpu.vector_load %arg6[%get3A_615] {strides = array<i32>} : memref<64xi32, #tpu.memory_space<vmem>>, vector<16xi32>,
    %get3A_617 = vector.shape_cast %get3A_616 : vector<16xi32> to vector<16xi32>
    %add3A_618 = arith.addi %add3A_614, %get3A_617 : vector<16xi32>
    %swap3A_619 = arith.constant 6 : i32
    %swap3A_620 = arith.index_cast %swap3A_619 : i32 to index
    %swap3A_621 = arith.constant 0 : index
    %swap3A_622 = tpu.vector_load %arg8[%swap3A_620, %swap3A_621] {strides = array<i32>} : memref<16x128xi32, #tpu.memory_space<vmem>>, vector<1x16xi32>,
    %swap3A_623 = vector.shape_cast %swap3A_622 : vector<1x16xi32> to vector<16xi32>
    %swap3A_624 = vector.shape_cast %add3A_618 : vector<16xi32> to vector<1x16xi32>
    tpu.vector_store %arg8[%swap3A_620, %swap3A_621], %swap3A_624 {strides = array<i32>} : memref<16x128xi32, #tpu.memory_space<vmem>>, vector<1x16xi32>,
    %get3A_625 = arith.constant 16 : index
    %get3A_626 = tpu.vector_load %arg6[%get3A_625] {strides = array<i32>} : memref<64xi32, #tpu.memory_space<vmem>>, vector<16xi32>,
    %get3A_627 = vector.shape_cast %get3A_626 : vector<16xi32> to vector<16xi32>
    %add3A_628 = arith.addi %add3A_614, %get3A_627 : vector<16xi32>
    %swap3A_629 = arith.constant 6 : i32
    %swap3A_630 = arith.index_cast %swap3A_629 : i32 to index
    %swap3A_631 = arith.constant 16 : index
    %swap3A_632 = tpu.vector_load %arg8[%swap3A_630, %swap3A_631] {strides = array<i32>} : memref<16x128xi32, #tpu.memory_space<vmem>>, vector<1x16xi32>,
    %swap3A_633 = vector.shape_cast %swap3A_632 : vector<1x16xi32> to vector<16xi32>
    %swap3A_634 = vector.shape_cast %add3A_628 : vector<16xi32> to vector<1x16xi32>
    tpu.vector_store %arg8[%swap3A_630, %swap3A_631], %swap3A_634 {strides = array<i32>} : memref<16x128xi32, #tpu.memory_space<vmem>>, vector<1x16xi32>,
    %get3A_635 = arith.constant 32 : index
    %get3A_636 = tpu.vector_load %arg6[%get3A_635] {strides = array<i32>} : memref<64xi32, #tpu.memory_space<vmem>>, vector<16xi32>,
    %get3A_637 = vector.shape_cast %get3A_636 : vector<16xi32> to vector<16xi32>
    %add3A_638 = arith.addi %add3A_614, %get3A_637 : vector<16xi32>
    %swap3A_639 = arith.constant 6 : i32
    %swap3A_640 = arith.index_cast %swap3A_639 : i32 to index
    %swap3A_641 = arith.constant 32 : index
    %swap3A_642 = tpu.vector_load %arg8[%swap3A_640, %swap3A_641] {strides = array<i32>} : memref<16x128xi32, #tpu.memory_space<vmem>>, vector<1x16xi32>,
    %swap3A_643 = vector.shape_cast %swap3A_642 : vector<1x16xi32> to vector<16xi32>
    %swap3A_644 = vector.shape_cast %add3A_638 : vector<16xi32> to vector<1x16xi32>
    tpu.vector_store %arg8[%swap3A_640, %swap3A_641], %swap3A_644 {strides = array<i32>} : memref<16x128xi32, #tpu.memory_space<vmem>>, vector<1x16xi32>,
    %get3A_645 = arith.constant 48 : index
    %get3A_646 = tpu.vector_load %arg6[%get3A_645] {strides = array<i32>} : memref<64xi32, #tpu.memory_space<vmem>>, vector<16xi32>,
    %get3A_647 = vector.shape_cast %get3A_646 : vector<16xi32> to vector<16xi32>
    %add3A_648 = arith.addi %add3A_614, %get3A_647 : vector<16xi32>
    %swap3A_649 = arith.constant 6 : i32
    %swap3A_650 = arith.index_cast %swap3A_649 : i32 to index
    %swap3A_651 = arith.constant 48 : index
    %swap3A_652 = tpu.vector_load %arg8[%swap3A_650, %swap3A_651] {strides = array<i32>} : memref<16x128xi32, #tpu.memory_space<vmem>>, vector<1x16xi32>,
    %swap3A_653 = vector.shape_cast %swap3A_652 : vector<1x16xi32> to vector<16xi32>
    %swap3A_654 = vector.shape_cast %add3A_648 : vector<16xi32> to vector<1x16xi32>
    tpu.vector_store %arg8[%swap3A_650, %swap3A_651], %swap3A_654 {strides = array<i32>} : memref<16x128xi32, #tpu.memory_space<vmem>>, vector<1x16xi32>,
    %add3A_655 = arith.constant 119808 : i32
    %add3A_656 = vector.broadcast %add3A_655 : i32 to vector<16xi32>
    %add3A_657 = arith.addi %get3A_95, %add3A_656 : vector<16xi32>
    %get3A_658 = arith.constant 0 : index
    %get3A_659 = tpu.vector_load %arg6[%get3A_658] {strides = array<i32>} : memref<64xi32, #tpu.memory_space<vmem>>, vector<16xi32>,
    %get3A_660 = vector.shape_cast %get3A_659 : vector<16xi32> to vector<16xi32>
    %add3A_661 = arith.addi %add3A_657, %get3A_660 : vector<16xi32>
    %swap3A_662 = arith.constant 6 : i32
    %swap3A_663 = arith.index_cast %swap3A_662 : i32 to index
    %swap3A_664 = arith.constant 64 : index
    %swap3A_665 = tpu.vector_load %arg8[%swap3A_663, %swap3A_664] {strides = array<i32>} : memref<16x128xi32, #tpu.memory_space<vmem>>, vector<1x16xi32>,
    %swap3A_666 = vector.shape_cast %swap3A_665 : vector<1x16xi32> to vector<16xi32>
    %swap3A_667 = vector.shape_cast %add3A_661 : vector<16xi32> to vector<1x16xi32>
    tpu.vector_store %arg8[%swap3A_663, %swap3A_664], %swap3A_667 {strides = array<i32>} : memref<16x128xi32, #tpu.memory_space<vmem>>, vector<1x16xi32>,
    %get3A_668 = arith.constant 16 : index
    %get3A_669 = tpu.vector_load %arg6[%get3A_668] {strides = array<i32>} : memref<64xi32, #tpu.memory_space<vmem>>, vector<16xi32>,
    %get3A_670 = vector.shape_cast %get3A_669 : vector<16xi32> to vector<16xi32>
    %add3A_671 = arith.addi %add3A_657, %get3A_670 : vector<16xi32>
    %swap3A_672 = arith.constant 6 : i32
    %swap3A_673 = arith.index_cast %swap3A_672 : i32 to index
    %swap3A_674 = arith.constant 80 : index
    %swap3A_675 = tpu.vector_load %arg8[%swap3A_673, %swap3A_674] {strides = array<i32>} : memref<16x128xi32, #tpu.memory_space<vmem>>, vector<1x16xi32>,
    %swap3A_676 = vector.shape_cast %swap3A_675 : vector<1x16xi32> to vector<16xi32>
    %swap3A_677 = vector.shape_cast %add3A_671 : vector<16xi32> to vector<1x16xi32>
    tpu.vector_store %arg8[%swap3A_673, %swap3A_674], %swap3A_677 {strides = array<i32>} : memref<16x128xi32, #tpu.memory_space<vmem>>, vector<1x16xi32>,
    %get3A_678 = arith.constant 32 : index
    %get3A_679 = tpu.vector_load %arg6[%get3A_678] {strides = array<i32>} : memref<64xi32, #tpu.memory_space<vmem>>, vector<16xi32>,
    %get3A_680 = vector.shape_cast %get3A_679 : vector<16xi32> to vector<16xi32>
    %add3A_681 = arith.addi %add3A_657, %get3A_680 : vector<16xi32>
    %swap3A_682 = arith.constant 6 : i32
    %swap3A_683 = arith.index_cast %swap3A_682 : i32 to index
    %swap3A_684 = arith.constant 96 : index
    %swap3A_685 = tpu.vector_load %arg8[%swap3A_683, %swap3A_684] {strides = array<i32>} : memref<16x128xi32, #tpu.memory_space<vmem>>, vector<1x16xi32>,
    %swap3A_686 = vector.shape_cast %swap3A_685 : vector<1x16xi32> to vector<16xi32>
    %swap3A_687 = vector.shape_cast %add3A_681 : vector<16xi32> to vector<1x16xi32>
    tpu.vector_store %arg8[%swap3A_683, %swap3A_684], %swap3A_687 {strides = array<i32>} : memref<16x128xi32, #tpu.memory_space<vmem>>, vector<1x16xi32>,
    %get3A_688 = arith.constant 48 : index
    %get3A_689 = tpu.vector_load %arg6[%get3A_688] {strides = array<i32>} : memref<64xi32, #tpu.memory_space<vmem>>, vector<16xi32>,
    %get3A_690 = vector.shape_cast %get3A_689 : vector<16xi32> to vector<16xi32>
    %add3A_691 = arith.addi %add3A_657, %get3A_690 : vector<16xi32>
    %swap3A_692 = arith.constant 6 : i32
    %swap3A_693 = arith.index_cast %swap3A_692 : i32 to index
    %swap3A_694 = arith.constant 112 : index
    %swap3A_695 = tpu.vector_load %arg8[%swap3A_693, %swap3A_694] {strides = array<i32>} : memref<16x128xi32, #tpu.memory_space<vmem>>, vector<1x16xi32>,
    %swap3A_696 = vector.shape_cast %swap3A_695 : vector<1x16xi32> to vector<16xi32>
    %swap3A_697 = vector.shape_cast %add3A_691 : vector<16xi32> to vector<1x16xi32>
    tpu.vector_store %arg8[%swap3A_693, %swap3A_694], %swap3A_697 {strides = array<i32>} : memref<16x128xi32, #tpu.memory_space<vmem>>, vector<1x16xi32>,
    %add3A_698 = arith.constant 129024 : i32
    %add3A_699 = vector.broadcast %add3A_698 : i32 to vector<16xi32>
    %add3A_700 = arith.addi %get3A_95, %add3A_699 : vector<16xi32>
    %get3A_701 = arith.constant 0 : index
    %get3A_702 = tpu.vector_load %arg6[%get3A_701] {strides = array<i32>} : memref<64xi32, #tpu.memory_space<vmem>>, vector<16xi32>,
    %get3A_703 = vector.shape_cast %get3A_702 : vector<16xi32> to vector<16xi32>
    %add3A_704 = arith.addi %add3A_700, %get3A_703 : vector<16xi32>
    %swap3A_705 = arith.constant 7 : i32
    %swap3A_706 = arith.index_cast %swap3A_705 : i32 to index
    %swap3A_707 = arith.constant 0 : index
    %swap3A_708 = tpu.vector_load %arg8[%swap3A_706, %swap3A_707] {strides = array<i32>} : memref<16x128xi32, #tpu.memory_space<vmem>>, vector<1x16xi32>,
    %swap3A_709 = vector.shape_cast %swap3A_708 : vector<1x16xi32> to vector<16xi32>
    %swap3A_710 = vector.shape_cast %add3A_704 : vector<16xi32> to vector<1x16xi32>
    tpu.vector_store %arg8[%swap3A_706, %swap3A_707], %swap3A_710 {strides = array<i32>} : memref<16x128xi32, #tpu.memory_space<vmem>>, vector<1x16xi32>,
    %get3A_711 = arith.constant 16 : index
    %get3A_712 = tpu.vector_load %arg6[%get3A_711] {strides = array<i32>} : memref<64xi32, #tpu.memory_space<vmem>>, vector<16xi32>,
    %get3A_713 = vector.shape_cast %get3A_712 : vector<16xi32> to vector<16xi32>
    %add3A_714 = arith.addi %add3A_700, %get3A_713 : vector<16xi32>
    %swap3A_715 = arith.constant 7 : i32
    %swap3A_716 = arith.index_cast %swap3A_715 : i32 to index
    %swap3A_717 = arith.constant 16 : index
    %swap3A_718 = tpu.vector_load %arg8[%swap3A_716, %swap3A_717] {strides = array<i32>} : memref<16x128xi32, #tpu.memory_space<vmem>>, vector<1x16xi32>,
    %swap3A_719 = vector.shape_cast %swap3A_718 : vector<1x16xi32> to vector<16xi32>
    %swap3A_720 = vector.shape_cast %add3A_714 : vector<16xi32> to vector<1x16xi32>
    tpu.vector_store %arg8[%swap3A_716, %swap3A_717], %swap3A_720 {strides = array<i32>} : memref<16x128xi32, #tpu.memory_space<vmem>>, vector<1x16xi32>,
    %get3A_721 = arith.constant 32 : index
    %get3A_722 = tpu.vector_load %arg6[%get3A_721] {strides = array<i32>} : memref<64xi32, #tpu.memory_space<vmem>>, vector<16xi32>,
    %get3A_723 = vector.shape_cast %get3A_722 : vector<16xi32> to vector<16xi32>
    %add3A_724 = arith.addi %add3A_700, %get3A_723 : vector<16xi32>
    %swap3A_725 = arith.constant 7 : i32
    %swap3A_726 = arith.index_cast %swap3A_725 : i32 to index
    %swap3A_727 = arith.constant 32 : index
    %swap3A_728 = tpu.vector_load %arg8[%swap3A_726, %swap3A_727] {strides = array<i32>} : memref<16x128xi32, #tpu.memory_space<vmem>>, vector<1x16xi32>,
    %swap3A_729 = vector.shape_cast %swap3A_728 : vector<1x16xi32> to vector<16xi32>
    %swap3A_730 = vector.shape_cast %add3A_724 : vector<16xi32> to vector<1x16xi32>
    tpu.vector_store %arg8[%swap3A_726, %swap3A_727], %swap3A_730 {strides = array<i32>} : memref<16x128xi32, #tpu.memory_space<vmem>>, vector<1x16xi32>,
    %get3A_731 = arith.constant 48 : index
    %get3A_732 = tpu.vector_load %arg6[%get3A_731] {strides = array<i32>} : memref<64xi32, #tpu.memory_space<vmem>>, vector<16xi32>,
    %get3A_733 = vector.shape_cast %get3A_732 : vector<16xi32> to vector<16xi32>
    %add3A_734 = arith.addi %add3A_700, %get3A_733 : vector<16xi32>
    %swap3A_735 = arith.constant 7 : i32
    %swap3A_736 = arith.index_cast %swap3A_735 : i32 to index
    %swap3A_737 = arith.constant 48 : index
    %swap3A_738 = tpu.vector_load %arg8[%swap3A_736, %swap3A_737] {strides = array<i32>} : memref<16x128xi32, #tpu.memory_space<vmem>>, vector<1x16xi32>,
    %swap3A_739 = vector.shape_cast %swap3A_738 : vector<1x16xi32> to vector<16xi32>
    %swap3A_740 = vector.shape_cast %add3A_734 : vector<16xi32> to vector<1x16xi32>
    tpu.vector_store %arg8[%swap3A_736, %swap3A_737], %swap3A_740 {strides = array<i32>} : memref<16x128xi32, #tpu.memory_space<vmem>>, vector<1x16xi32>,
    %add3A_741 = arith.constant 138240 : i32
    %add3A_742 = vector.broadcast %add3A_741 : i32 to vector<16xi32>
    %add3A_743 = arith.addi %get3A_95, %add3A_742 : vector<16xi32>
    %get3A_744 = arith.constant 0 : index
    %get3A_745 = tpu.vector_load %arg6[%get3A_744] {strides = array<i32>} : memref<64xi32, #tpu.memory_space<vmem>>, vector<16xi32>,
    %get3A_746 = vector.shape_cast %get3A_745 : vector<16xi32> to vector<16xi32>
    %add3A_747 = arith.addi %add3A_743, %get3A_746 : vector<16xi32>
    %swap3A_748 = arith.constant 7 : i32
    %swap3A_749 = arith.index_cast %swap3A_748 : i32 to index
    %swap3A_750 = arith.constant 64 : index
    %swap3A_751 = tpu.vector_load %arg8[%swap3A_749, %swap3A_750] {strides = array<i32>} : memref<16x128xi32, #tpu.memory_space<vmem>>, vector<1x16xi32>,
    %swap3A_752 = vector.shape_cast %swap3A_751 : vector<1x16xi32> to vector<16xi32>
    %swap3A_753 = vector.shape_cast %add3A_747 : vector<16xi32> to vector<1x16xi32>
    tpu.vector_store %arg8[%swap3A_749, %swap3A_750], %swap3A_753 {strides = array<i32>} : memref<16x128xi32, #tpu.memory_space<vmem>>, vector<1x16xi32>,
    %get3A_754 = arith.constant 16 : index
    %get3A_755 = tpu.vector_load %arg6[%get3A_754] {strides = array<i32>} : memref<64xi32, #tpu.memory_space<vmem>>, vector<16xi32>,
    %get3A_756 = vector.shape_cast %get3A_755 : vector<16xi32> to vector<16xi32>
    %add3A_757 = arith.addi %add3A_743, %get3A_756 : vector<16xi32>
    %swap3A_758 = arith.constant 7 : i32
    %swap3A_759 = arith.index_cast %swap3A_758 : i32 to index
    %swap3A_760 = arith.constant 80 : index
    %swap3A_761 = tpu.vector_load %arg8[%swap3A_759, %swap3A_760] {strides = array<i32>} : memref<16x128xi32, #tpu.memory_space<vmem>>, vector<1x16xi32>,
    %swap3A_762 = vector.shape_cast %swap3A_761 : vector<1x16xi32> to vector<16xi32>
    %swap3A_763 = vector.shape_cast %add3A_757 : vector<16xi32> to vector<1x16xi32>
    tpu.vector_store %arg8[%swap3A_759, %swap3A_760], %swap3A_763 {strides = array<i32>} : memref<16x128xi32, #tpu.memory_space<vmem>>, vector<1x16xi32>,
    %get3A_764 = arith.constant 32 : index
    %get3A_765 = tpu.vector_load %arg6[%get3A_764] {strides = array<i32>} : memref<64xi32, #tpu.memory_space<vmem>>, vector<16xi32>,
    %get3A_766 = vector.shape_cast %get3A_765 : vector<16xi32> to vector<16xi32>
    %add3A_767 = arith.addi %add3A_743, %get3A_766 : vector<16xi32>
    %swap3A_768 = arith.constant 7 : i32
    %swap3A_769 = arith.index_cast %swap3A_768 : i32 to index
    %swap3A_770 = arith.constant 96 : index
    %swap3A_771 = tpu.vector_load %arg8[%swap3A_769, %swap3A_770] {strides = array<i32>} : memref<16x128xi32, #tpu.memory_space<vmem>>, vector<1x16xi32>,
    %swap3A_772 = vector.shape_cast %swap3A_771 : vector<1x16xi32> to vector<16xi32>
    %swap3A_773 = vector.shape_cast %add3A_767 : vector<16xi32> to vector<1x16xi32>
    tpu.vector_store %arg8[%swap3A_769, %swap3A_770], %swap3A_773 {strides = array<i32>} : memref<16x128xi32, #tpu.memory_space<vmem>>, vector<1x16xi32>,
    %get3A_774 = arith.constant 48 : index
    %get3A_775 = tpu.vector_load %arg6[%get3A_774] {strides = array<i32>} : memref<64xi32, #tpu.memory_space<vmem>>, vector<16xi32>,
    %get3A_776 = vector.shape_cast %get3A_775 : vector<16xi32> to vector<16xi32>
    %add3A_777 = arith.addi %add3A_743, %get3A_776 : vector<16xi32>
    %swap3A_778 = arith.constant 7 : i32
    %swap3A_779 = arith.index_cast %swap3A_778 : i32 to index
    %swap3A_780 = arith.constant 112 : index
    %swap3A_781 = tpu.vector_load %arg8[%swap3A_779, %swap3A_780] {strides = array<i32>} : memref<16x128xi32, #tpu.memory_space<vmem>>, vector<1x16xi32>,
    %swap3A_782 = vector.shape_cast %swap3A_781 : vector<1x16xi32> to vector<16xi32>
    %swap3A_783 = vector.shape_cast %add3A_777 : vector<16xi32> to vector<1x16xi32>
    tpu.vector_store %arg8[%swap3A_779, %swap3A_780], %swap3A_783 {strides = array<i32>} : memref<16x128xi32, #tpu.memory_space<vmem>>, vector<1x16xi32>,
    %add3A_784 = arith.constant 147456 : i32
    %add3A_785 = vector.broadcast %add3A_784 : i32 to vector<16xi32>
    %add3A_786 = arith.addi %get3A_95, %add3A_785 : vector<16xi32>
    %get3A_787 = arith.constant 0 : index
    %get3A_788 = tpu.vector_load %arg6[%get3A_787] {strides = array<i32>} : memref<64xi32, #tpu.memory_space<vmem>>, vector<16xi32>,
    %get3A_789 = vector.shape_cast %get3A_788 : vector<16xi32> to vector<16xi32>
    %add3A_790 = arith.addi %add3A_786, %get3A_789 : vector<16xi32>
    %swap3A_791 = arith.constant 8 : i32
    %swap3A_792 = arith.index_cast %swap3A_791 : i32 to index
    %swap3A_793 = arith.constant 0 : index
    %swap3A_794 = tpu.vector_load %arg8[%swap3A_792, %swap3A_793] {strides = array<i32>} : memref<16x128xi32, #tpu.memory_space<vmem>>, vector<1x16xi32>,
    %swap3A_795 = vector.shape_cast %swap3A_794 : vector<1x16xi32> to vector<16xi32>
    %swap3A_796 = vector.shape_cast %add3A_790 : vector<16xi32> to vector<1x16xi32>
    tpu.vector_store %arg8[%swap3A_792, %swap3A_793], %swap3A_796 {strides = array<i32>} : memref<16x128xi32, #tpu.memory_space<vmem>>, vector<1x16xi32>,
    %get3A_797 = arith.constant 16 : index
    %get3A_798 = tpu.vector_load %arg6[%get3A_797] {strides = array<i32>} : memref<64xi32, #tpu.memory_space<vmem>>, vector<16xi32>,
    %get3A_799 = vector.shape_cast %get3A_798 : vector<16xi32> to vector<16xi32>
    %add3A_800 = arith.addi %add3A_786, %get3A_799 : vector<16xi32>
    %swap3A_801 = arith.constant 8 : i32
    %swap3A_802 = arith.index_cast %swap3A_801 : i32 to index
    %swap3A_803 = arith.constant 16 : index
    %swap3A_804 = tpu.vector_load %arg8[%swap3A_802, %swap3A_803] {strides = array<i32>} : memref<16x128xi32, #tpu.memory_space<vmem>>, vector<1x16xi32>,
    %swap3A_805 = vector.shape_cast %swap3A_804 : vector<1x16xi32> to vector<16xi32>
    %swap3A_806 = vector.shape_cast %add3A_800 : vector<16xi32> to vector<1x16xi32>
    tpu.vector_store %arg8[%swap3A_802, %swap3A_803], %swap3A_806 {strides = array<i32>} : memref<16x128xi32, #tpu.memory_space<vmem>>, vector<1x16xi32>,
    %get3A_807 = arith.constant 32 : index
    %get3A_808 = tpu.vector_load %arg6[%get3A_807] {strides = array<i32>} : memref<64xi32, #tpu.memory_space<vmem>>, vector<16xi32>,
    %get3A_809 = vector.shape_cast %get3A_808 : vector<16xi32> to vector<16xi32>
    %add3A_810 = arith.addi %add3A_786, %get3A_809 : vector<16xi32>
    %swap3A_811 = arith.constant 8 : i32
    %swap3A_812 = arith.index_cast %swap3A_811 : i32 to index
    %swap3A_813 = arith.constant 32 : index
    %swap3A_814 = tpu.vector_load %arg8[%swap3A_812, %swap3A_813] {strides = array<i32>} : memref<16x128xi32, #tpu.memory_space<vmem>>, vector<1x16xi32>,
    %swap3A_815 = vector.shape_cast %swap3A_814 : vector<1x16xi32> to vector<16xi32>
    %swap3A_816 = vector.shape_cast %add3A_810 : vector<16xi32> to vector<1x16xi32>
    tpu.vector_store %arg8[%swap3A_812, %swap3A_813], %swap3A_816 {strides = array<i32>} : memref<16x128xi32, #tpu.memory_space<vmem>>, vector<1x16xi32>,
    %get3A_817 = arith.constant 48 : index
    %get3A_818 = tpu.vector_load %arg6[%get3A_817] {strides = array<i32>} : memref<64xi32, #tpu.memory_space<vmem>>, vector<16xi32>,
    %get3A_819 = vector.shape_cast %get3A_818 : vector<16xi32> to vector<16xi32>
    %add3A_820 = arith.addi %add3A_786, %get3A_819 : vector<16xi32>
    %swap3A_821 = arith.constant 8 : i32
    %swap3A_822 = arith.index_cast %swap3A_821 : i32 to index
    %swap3A_823 = arith.constant 48 : index
    %swap3A_824 = tpu.vector_load %arg8[%swap3A_822, %swap3A_823] {strides = array<i32>} : memref<16x128xi32, #tpu.memory_space<vmem>>, vector<1x16xi32>,
    %swap3A_825 = vector.shape_cast %swap3A_824 : vector<1x16xi32> to vector<16xi32>
    %swap3A_826 = vector.shape_cast %add3A_820 : vector<16xi32> to vector<1x16xi32>
    tpu.vector_store %arg8[%swap3A_822, %swap3A_823], %swap3A_826 {strides = array<i32>} : memref<16x128xi32, #tpu.memory_space<vmem>>, vector<1x16xi32>,
    %add3A_827 = arith.constant 156672 : i32
    %add3A_828 = vector.broadcast %add3A_827 : i32 to vector<16xi32>
    %add3A_829 = arith.addi %get3A_95, %add3A_828 : vector<16xi32>
    %get3A_830 = arith.constant 0 : index
    %get3A_831 = tpu.vector_load %arg6[%get3A_830] {strides = array<i32>} : memref<64xi32, #tpu.memory_space<vmem>>, vector<16xi32>,
    %get3A_832 = vector.shape_cast %get3A_831 : vector<16xi32> to vector<16xi32>
    %add3A_833 = arith.addi %add3A_829, %get3A_832 : vector<16xi32>
    %swap3A_834 = arith.constant 8 : i32
    %swap3A_835 = arith.index_cast %swap3A_834 : i32 to index
    %swap3A_836 = arith.constant 64 : index
    %swap3A_837 = tpu.vector_load %arg8[%swap3A_835, %swap3A_836] {strides = array<i32>} : memref<16x128xi32, #tpu.memory_space<vmem>>, vector<1x16xi32>,
    %swap3A_838 = vector.shape_cast %swap3A_837 : vector<1x16xi32> to vector<16xi32>
    %swap3A_839 = vector.shape_cast %add3A_833 : vector<16xi32> to vector<1x16xi32>
    tpu.vector_store %arg8[%swap3A_835, %swap3A_836], %swap3A_839 {strides = array<i32>} : memref<16x128xi32, #tpu.memory_space<vmem>>, vector<1x16xi32>,
    %get3A_840 = arith.constant 16 : index
    %get3A_841 = tpu.vector_load %arg6[%get3A_840] {strides = array<i32>} : memref<64xi32, #tpu.memory_space<vmem>>, vector<16xi32>,
    %get3A_842 = vector.shape_cast %get3A_841 : vector<16xi32> to vector<16xi32>
    %add3A_843 = arith.addi %add3A_829, %get3A_842 : vector<16xi32>
    %swap3A_844 = arith.constant 8 : i32
    %swap3A_845 = arith.index_cast %swap3A_844 : i32 to index
    %swap3A_846 = arith.constant 80 : index
    %swap3A_847 = tpu.vector_load %arg8[%swap3A_845, %swap3A_846] {strides = array<i32>} : memref<16x128xi32, #tpu.memory_space<vmem>>, vector<1x16xi32>,
    %swap3A_848 = vector.shape_cast %swap3A_847 : vector<1x16xi32> to vector<16xi32>
    %swap3A_849 = vector.shape_cast %add3A_843 : vector<16xi32> to vector<1x16xi32>
    tpu.vector_store %arg8[%swap3A_845, %swap3A_846], %swap3A_849 {strides = array<i32>} : memref<16x128xi32, #tpu.memory_space<vmem>>, vector<1x16xi32>,
    %get3A_850 = arith.constant 32 : index
    %get3A_851 = tpu.vector_load %arg6[%get3A_850] {strides = array<i32>} : memref<64xi32, #tpu.memory_space<vmem>>, vector<16xi32>,
    %get3A_852 = vector.shape_cast %get3A_851 : vector<16xi32> to vector<16xi32>
    %add3A_853 = arith.addi %add3A_829, %get3A_852 : vector<16xi32>
    %swap3A_854 = arith.constant 8 : i32
    %swap3A_855 = arith.index_cast %swap3A_854 : i32 to index
    %swap3A_856 = arith.constant 96 : index
    %swap3A_857 = tpu.vector_load %arg8[%swap3A_855, %swap3A_856] {strides = array<i32>} : memref<16x128xi32, #tpu.memory_space<vmem>>, vector<1x16xi32>,
    %swap3A_858 = vector.shape_cast %swap3A_857 : vector<1x16xi32> to vector<16xi32>
    %swap3A_859 = vector.shape_cast %add3A_853 : vector<16xi32> to vector<1x16xi32>
    tpu.vector_store %arg8[%swap3A_855, %swap3A_856], %swap3A_859 {strides = array<i32>} : memref<16x128xi32, #tpu.memory_space<vmem>>, vector<1x16xi32>,
    %get3A_860 = arith.constant 48 : index
    %get3A_861 = tpu.vector_load %arg6[%get3A_860] {strides = array<i32>} : memref<64xi32, #tpu.memory_space<vmem>>, vector<16xi32>,
    %get3A_862 = vector.shape_cast %get3A_861 : vector<16xi32> to vector<16xi32>
    %add3A_863 = arith.addi %add3A_829, %get3A_862 : vector<16xi32>
    %swap3A_864 = arith.constant 8 : i32
    %swap3A_865 = arith.index_cast %swap3A_864 : i32 to index
    %swap3A_866 = arith.constant 112 : index
    %swap3A_867 = tpu.vector_load %arg8[%swap3A_865, %swap3A_866] {strides = array<i32>} : memref<16x128xi32, #tpu.memory_space<vmem>>, vector<1x16xi32>,
    %swap3A_868 = vector.shape_cast %swap3A_867 : vector<1x16xi32> to vector<16xi32>
    %swap3A_869 = vector.shape_cast %add3A_863 : vector<16xi32> to vector<1x16xi32>
    tpu.vector_store %arg8[%swap3A_865, %swap3A_866], %swap3A_869 {strides = array<i32>} : memref<16x128xi32, #tpu.memory_space<vmem>>, vector<1x16xi32>,
    %add3A_870 = arith.constant 165888 : i32
    %add3A_871 = vector.broadcast %add3A_870 : i32 to vector<16xi32>
    %add3A_872 = arith.addi %get3A_95, %add3A_871 : vector<16xi32>
    %get3A_873 = arith.constant 0 : index
    %get3A_874 = tpu.vector_load %arg6[%get3A_873] {strides = array<i32>} : memref<64xi32, #tpu.memory_space<vmem>>, vector<16xi32>,
    %get3A_875 = vector.shape_cast %get3A_874 : vector<16xi32> to vector<16xi32>
    %add3A_876 = arith.addi %add3A_872, %get3A_875 : vector<16xi32>
    %swap3A_877 = arith.constant 9 : i32
    %swap3A_878 = arith.index_cast %swap3A_877 : i32 to index
    %swap3A_879 = arith.constant 0 : index
    %swap3A_880 = tpu.vector_load %arg8[%swap3A_878, %swap3A_879] {strides = array<i32>} : memref<16x128xi32, #tpu.memory_space<vmem>>, vector<1x16xi32>,
    %swap3A_881 = vector.shape_cast %swap3A_880 : vector<1x16xi32> to vector<16xi32>
    %swap3A_882 = vector.shape_cast %add3A_876 : vector<16xi32> to vector<1x16xi32>
    tpu.vector_store %arg8[%swap3A_878, %swap3A_879], %swap3A_882 {strides = array<i32>} : memref<16x128xi32, #tpu.memory_space<vmem>>, vector<1x16xi32>,
    %get3A_883 = arith.constant 16 : index
    %get3A_884 = tpu.vector_load %arg6[%get3A_883] {strides = array<i32>} : memref<64xi32, #tpu.memory_space<vmem>>, vector<16xi32>,
    %get3A_885 = vector.shape_cast %get3A_884 : vector<16xi32> to vector<16xi32>
    %add3A_886 = arith.addi %add3A_872, %get3A_885 : vector<16xi32>
    %swap3A_887 = arith.constant 9 : i32
    %swap3A_888 = arith.index_cast %swap3A_887 : i32 to index
    %swap3A_889 = arith.constant 16 : index
    %swap3A_890 = tpu.vector_load %arg8[%swap3A_888, %swap3A_889] {strides = array<i32>} : memref<16x128xi32, #tpu.memory_space<vmem>>, vector<1x16xi32>,
    %swap3A_891 = vector.shape_cast %swap3A_890 : vector<1x16xi32> to vector<16xi32>
    %swap3A_892 = vector.shape_cast %add3A_886 : vector<16xi32> to vector<1x16xi32>
    tpu.vector_store %arg8[%swap3A_888, %swap3A_889], %swap3A_892 {strides = array<i32>} : memref<16x128xi32, #tpu.memory_space<vmem>>, vector<1x16xi32>,
    %get3A_893 = arith.constant 32 : index
    %get3A_894 = tpu.vector_load %arg6[%get3A_893] {strides = array<i32>} : memref<64xi32, #tpu.memory_space<vmem>>, vector<16xi32>,
    %get3A_895 = vector.shape_cast %get3A_894 : vector<16xi32> to vector<16xi32>
    %add3A_896 = arith.addi %add3A_872, %get3A_895 : vector<16xi32>
    %swap3A_897 = arith.constant 9 : i32
    %swap3A_898 = arith.index_cast %swap3A_897 : i32 to index
    %swap3A_899 = arith.constant 32 : index
    %swap3A_900 = tpu.vector_load %arg8[%swap3A_898, %swap3A_899] {strides = array<i32>} : memref<16x128xi32, #tpu.memory_space<vmem>>, vector<1x16xi32>,
    %swap3A_901 = vector.shape_cast %swap3A_900 : vector<1x16xi32> to vector<16xi32>
    %swap3A_902 = vector.shape_cast %add3A_896 : vector<16xi32> to vector<1x16xi32>
    tpu.vector_store %arg8[%swap3A_898, %swap3A_899], %swap3A_902 {strides = array<i32>} : memref<16x128xi32, #tpu.memory_space<vmem>>, vector<1x16xi32>,
    %get3A_903 = arith.constant 48 : index
    %get3A_904 = tpu.vector_load %arg6[%get3A_903] {strides = array<i32>} : memref<64xi32, #tpu.memory_space<vmem>>, vector<16xi32>,
    %get3A_905 = vector.shape_cast %get3A_904 : vector<16xi32> to vector<16xi32>
    %add3A_906 = arith.addi %add3A_872, %get3A_905 : vector<16xi32>
    %swap3A_907 = arith.constant 9 : i32
    %swap3A_908 = arith.index_cast %swap3A_907 : i32 to index
    %swap3A_909 = arith.constant 48 : index
    %swap3A_910 = tpu.vector_load %arg8[%swap3A_908, %swap3A_909] {strides = array<i32>} : memref<16x128xi32, #tpu.memory_space<vmem>>, vector<1x16xi32>,
    %swap3A_911 = vector.shape_cast %swap3A_910 : vector<1x16xi32> to vector<16xi32>
    %swap3A_912 = vector.shape_cast %add3A_906 : vector<16xi32> to vector<1x16xi32>
    tpu.vector_store %arg8[%swap3A_908, %swap3A_909], %swap3A_912 {strides = array<i32>} : memref<16x128xi32, #tpu.memory_space<vmem>>, vector<1x16xi32>,
    %add3A_913 = arith.constant 175104 : i32
    %add3A_914 = vector.broadcast %add3A_913 : i32 to vector<16xi32>
    %add3A_915 = arith.addi %get3A_95, %add3A_914 : vector<16xi32>
    %get3A_916 = arith.constant 0 : index
    %get3A_917 = tpu.vector_load %arg6[%get3A_916] {strides = array<i32>} : memref<64xi32, #tpu.memory_space<vmem>>, vector<16xi32>,
    %get3A_918 = vector.shape_cast %get3A_917 : vector<16xi32> to vector<16xi32>
    %add3A_919 = arith.addi %add3A_915, %get3A_918 : vector<16xi32>
    %swap3A_920 = arith.constant 9 : i32
    %swap3A_921 = arith.index_cast %swap3A_920 : i32 to index
    %swap3A_922 = arith.constant 64 : index
    %swap3A_923 = tpu.vector_load %arg8[%swap3A_921, %swap3A_922] {strides = array<i32>} : memref<16x128xi32, #tpu.memory_space<vmem>>, vector<1x16xi32>,
    %swap3A_924 = vector.shape_cast %swap3A_923 : vector<1x16xi32> to vector<16xi32>
    %swap3A_925 = vector.shape_cast %add3A_919 : vector<16xi32> to vector<1x16xi32>
    tpu.vector_store %arg8[%swap3A_921, %swap3A_922], %swap3A_925 {strides = array<i32>} : memref<16x128xi32, #tpu.memory_space<vmem>>, vector<1x16xi32>,
    %get3A_926 = arith.constant 16 : index
    %get3A_927 = tpu.vector_load %arg6[%get3A_926] {strides = array<i32>} : memref<64xi32, #tpu.memory_space<vmem>>, vector<16xi32>,
    %get3A_928 = vector.shape_cast %get3A_927 : vector<16xi32> to vector<16xi32>
    %add3A_929 = arith.addi %add3A_915, %get3A_928 : vector<16xi32>
    %swap3A_930 = arith.constant 9 : i32
    %swap3A_931 = arith.index_cast %swap3A_930 : i32 to index
    %swap3A_932 = arith.constant 80 : index
    %swap3A_933 = tpu.vector_load %arg8[%swap3A_931, %swap3A_932] {strides = array<i32>} : memref<16x128xi32, #tpu.memory_space<vmem>>, vector<1x16xi32>,
    %swap3A_934 = vector.shape_cast %swap3A_933 : vector<1x16xi32> to vector<16xi32>
    %swap3A_935 = vector.shape_cast %add3A_929 : vector<16xi32> to vector<1x16xi32>
    tpu.vector_store %arg8[%swap3A_931, %swap3A_932], %swap3A_935 {strides = array<i32>} : memref<16x128xi32, #tpu.memory_space<vmem>>, vector<1x16xi32>,
    %get3A_936 = arith.constant 32 : index
    %get3A_937 = tpu.vector_load %arg6[%get3A_936] {strides = array<i32>} : memref<64xi32, #tpu.memory_space<vmem>>, vector<16xi32>,
    %get3A_938 = vector.shape_cast %get3A_937 : vector<16xi32> to vector<16xi32>
    %add3A_939 = arith.addi %add3A_915, %get3A_938 : vector<16xi32>
    %swap3A_940 = arith.constant 9 : i32
    %swap3A_941 = arith.index_cast %swap3A_940 : i32 to index
    %swap3A_942 = arith.constant 96 : index
    %swap3A_943 = tpu.vector_load %arg8[%swap3A_941, %swap3A_942] {strides = array<i32>} : memref<16x128xi32, #tpu.memory_space<vmem>>, vector<1x16xi32>,
    %swap3A_944 = vector.shape_cast %swap3A_943 : vector<1x16xi32> to vector<16xi32>
    %swap3A_945 = vector.shape_cast %add3A_939 : vector<16xi32> to vector<1x16xi32>
    tpu.vector_store %arg8[%swap3A_941, %swap3A_942], %swap3A_945 {strides = array<i32>} : memref<16x128xi32, #tpu.memory_space<vmem>>, vector<1x16xi32>,
    %get3A_946 = arith.constant 48 : index
    %get3A_947 = tpu.vector_load %arg6[%get3A_946] {strides = array<i32>} : memref<64xi32, #tpu.memory_space<vmem>>, vector<16xi32>,
    %get3A_948 = vector.shape_cast %get3A_947 : vector<16xi32> to vector<16xi32>
    %add3A_949 = arith.addi %add3A_915, %get3A_948 : vector<16xi32>
    %swap3A_950 = arith.constant 9 : i32
    %swap3A_951 = arith.index_cast %swap3A_950 : i32 to index
    %swap3A_952 = arith.constant 112 : index
    %swap3A_953 = tpu.vector_load %arg8[%swap3A_951, %swap3A_952] {strides = array<i32>} : memref<16x128xi32, #tpu.memory_space<vmem>>, vector<1x16xi32>,
    %swap3A_954 = vector.shape_cast %swap3A_953 : vector<1x16xi32> to vector<16xi32>
    %swap3A_955 = vector.shape_cast %add3A_949 : vector<16xi32> to vector<1x16xi32>
    tpu.vector_store %arg8[%swap3A_951, %swap3A_952], %swap3A_955 {strides = array<i32>} : memref<16x128xi32, #tpu.memory_space<vmem>>, vector<1x16xi32>,
    %add3A_956 = arith.constant 184320 : i32
    %add3A_957 = vector.broadcast %add3A_956 : i32 to vector<16xi32>
    %add3A_958 = arith.addi %get3A_95, %add3A_957 : vector<16xi32>
    %get3A_959 = arith.constant 0 : index
    %get3A_960 = tpu.vector_load %arg6[%get3A_959] {strides = array<i32>} : memref<64xi32, #tpu.memory_space<vmem>>, vector<16xi32>,
    %get3A_961 = vector.shape_cast %get3A_960 : vector<16xi32> to vector<16xi32>
    %add3A_962 = arith.addi %add3A_958, %get3A_961 : vector<16xi32>
    %swap3A_963 = arith.constant 10 : i32
    %swap3A_964 = arith.index_cast %swap3A_963 : i32 to index
    %swap3A_965 = arith.constant 0 : index
    %swap3A_966 = tpu.vector_load %arg8[%swap3A_964, %swap3A_965] {strides = array<i32>} : memref<16x128xi32, #tpu.memory_space<vmem>>, vector<1x16xi32>,
    %swap3A_967 = vector.shape_cast %swap3A_966 : vector<1x16xi32> to vector<16xi32>
    %swap3A_968 = vector.shape_cast %add3A_962 : vector<16xi32> to vector<1x16xi32>
    tpu.vector_store %arg8[%swap3A_964, %swap3A_965], %swap3A_968 {strides = array<i32>} : memref<16x128xi32, #tpu.memory_space<vmem>>, vector<1x16xi32>,
    %get3A_969 = arith.constant 16 : index
    %get3A_970 = tpu.vector_load %arg6[%get3A_969] {strides = array<i32>} : memref<64xi32, #tpu.memory_space<vmem>>, vector<16xi32>,
    %get3A_971 = vector.shape_cast %get3A_970 : vector<16xi32> to vector<16xi32>
    %add3A_972 = arith.addi %add3A_958, %get3A_971 : vector<16xi32>
    %swap3A_973 = arith.constant 10 : i32
    %swap3A_974 = arith.index_cast %swap3A_973 : i32 to index
    %swap3A_975 = arith.constant 16 : index
    %swap3A_976 = tpu.vector_load %arg8[%swap3A_974, %swap3A_975] {strides = array<i32>} : memref<16x128xi32, #tpu.memory_space<vmem>>, vector<1x16xi32>,
    %swap3A_977 = vector.shape_cast %swap3A_976 : vector<1x16xi32> to vector<16xi32>
    %swap3A_978 = vector.shape_cast %add3A_972 : vector<16xi32> to vector<1x16xi32>
    tpu.vector_store %arg8[%swap3A_974, %swap3A_975], %swap3A_978 {strides = array<i32>} : memref<16x128xi32, #tpu.memory_space<vmem>>, vector<1x16xi32>,
    %get3A_979 = arith.constant 32 : index
    %get3A_980 = tpu.vector_load %arg6[%get3A_979] {strides = array<i32>} : memref<64xi32, #tpu.memory_space<vmem>>, vector<16xi32>,
    %get3A_981 = vector.shape_cast %get3A_980 : vector<16xi32> to vector<16xi32>
    %add3A_982 = arith.addi %add3A_958, %get3A_981 : vector<16xi32>
    %swap3A_983 = arith.constant 10 : i32
    %swap3A_984 = arith.index_cast %swap3A_983 : i32 to index
    %swap3A_985 = arith.constant 32 : index
    %swap3A_986 = tpu.vector_load %arg8[%swap3A_984, %swap3A_985] {strides = array<i32>} : memref<16x128xi32, #tpu.memory_space<vmem>>, vector<1x16xi32>,
    %swap3A_987 = vector.shape_cast %swap3A_986 : vector<1x16xi32> to vector<16xi32>
    %swap3A_988 = vector.shape_cast %add3A_982 : vector<16xi32> to vector<1x16xi32>
    tpu.vector_store %arg8[%swap3A_984, %swap3A_985], %swap3A_988 {strides = array<i32>} : memref<16x128xi32, #tpu.memory_space<vmem>>, vector<1x16xi32>,
    %get3A_989 = arith.constant 48 : index
    %get3A_990 = tpu.vector_load %arg6[%get3A_989] {strides = array<i32>} : memref<64xi32, #tpu.memory_space<vmem>>, vector<16xi32>,
    %get3A_991 = vector.shape_cast %get3A_990 : vector<16xi32> to vector<16xi32>
    %add3A_992 = arith.addi %add3A_958, %get3A_991 : vector<16xi32>
    %swap3A_993 = arith.constant 10 : i32
    %swap3A_994 = arith.index_cast %swap3A_993 : i32 to index
    %swap3A_995 = arith.constant 48 : index
    %swap3A_996 = tpu.vector_load %arg8[%swap3A_994, %swap3A_995] {strides = array<i32>} : memref<16x128xi32, #tpu.memory_space<vmem>>, vector<1x16xi32>,
    %swap3A_997 = vector.shape_cast %swap3A_996 : vector<1x16xi32> to vector<16xi32>
    %swap3A_998 = vector.shape_cast %add3A_992 : vector<16xi32> to vector<1x16xi32>
    tpu.vector_store %arg8[%swap3A_994, %swap3A_995], %swap3A_998 {strides = array<i32>} : memref<16x128xi32, #tpu.memory_space<vmem>>, vector<1x16xi32>,
    %add3A_999 = arith.constant 193536 : i32
    %add3A_1000 = vector.broadcast %add3A_999 : i32 to vector<16xi32>
    %add3A_1001 = arith.addi %get3A_95, %add3A_1000 : vector<16xi32>
    %get3A_1002 = arith.constant 0 : index
    %get3A_1003 = tpu.vector_load %arg6[%get3A_1002] {strides = array<i32>} : memref<64xi32, #tpu.memory_space<vmem>>, vector<16xi32>,
    %get3A_1004 = vector.shape_cast %get3A_1003 : vector<16xi32> to vector<16xi32>
    %add3A_1005 = arith.addi %add3A_1001, %get3A_1004 : vector<16xi32>
    %swap3A_1006 = arith.constant 10 : i32
    %swap3A_1007 = arith.index_cast %swap3A_1006 : i32 to index
    %swap3A_1008 = arith.constant 64 : index
    %swap3A_1009 = tpu.vector_load %arg8[%swap3A_1007, %swap3A_1008] {strides = array<i32>} : memref<16x128xi32, #tpu.memory_space<vmem>>, vector<1x16xi32>,
    %swap3A_1010 = vector.shape_cast %swap3A_1009 : vector<1x16xi32> to vector<16xi32>
    %swap3A_1011 = vector.shape_cast %add3A_1005 : vector<16xi32> to vector<1x16xi32>
    tpu.vector_store %arg8[%swap3A_1007, %swap3A_1008], %swap3A_1011 {strides = array<i32>} : memref<16x128xi32, #tpu.memory_space<vmem>>, vector<1x16xi32>,
    %get3A_1012 = arith.constant 16 : index
    %get3A_1013 = tpu.vector_load %arg6[%get3A_1012] {strides = array<i32>} : memref<64xi32, #tpu.memory_space<vmem>>, vector<16xi32>,
    %get3A_1014 = vector.shape_cast %get3A_1013 : vector<16xi32> to vector<16xi32>
    %add3A_1015 = arith.addi %add3A_1001, %get3A_1014 : vector<16xi32>
    %swap3A_1016 = arith.constant 10 : i32
    %swap3A_1017 = arith.index_cast %swap3A_1016 : i32 to index
    %swap3A_1018 = arith.constant 80 : index
    %swap3A_1019 = tpu.vector_load %arg8[%swap3A_1017, %swap3A_1018] {strides = array<i32>} : memref<16x128xi32, #tpu.memory_space<vmem>>, vector<1x16xi32>,
    %swap3A_1020 = vector.shape_cast %swap3A_1019 : vector<1x16xi32> to vector<16xi32>
    %swap3A_1021 = vector.shape_cast %add3A_1015 : vector<16xi32> to vector<1x16xi32>
    tpu.vector_store %arg8[%swap3A_1017, %swap3A_1018], %swap3A_1021 {strides = array<i32>} : memref<16x128xi32, #tpu.memory_space<vmem>>, vector<1x16xi32>,
    %get3A_1022 = arith.constant 32 : index
    %get3A_1023 = tpu.vector_load %arg6[%get3A_1022] {strides = array<i32>} : memref<64xi32, #tpu.memory_space<vmem>>, vector<16xi32>,
    %get3A_1024 = vector.shape_cast %get3A_1023 : vector<16xi32> to vector<16xi32>
    %add3A_1025 = arith.addi %add3A_1001, %get3A_1024 : vector<16xi32>
    %swap3A_1026 = arith.constant 10 : i32
    %swap3A_1027 = arith.index_cast %swap3A_1026 : i32 to index
    %swap3A_1028 = arith.constant 96 : index
    %swap3A_1029 = tpu.vector_load %arg8[%swap3A_1027, %swap3A_1028] {strides = array<i32>} : memref<16x128xi32, #tpu.memory_space<vmem>>, vector<1x16xi32>,
    %swap3A_1030 = vector.shape_cast %swap3A_1029 : vector<1x16xi32> to vector<16xi32>
    %swap3A_1031 = vector.shape_cast %add3A_1025 : vector<16xi32> to vector<1x16xi32>
    tpu.vector_store %arg8[%swap3A_1027, %swap3A_1028], %swap3A_1031 {strides = array<i32>} : memref<16x128xi32, #tpu.memory_space<vmem>>, vector<1x16xi32>,
    %get3A_1032 = arith.constant 48 : index
    %get3A_1033 = tpu.vector_load %arg6[%get3A_1032] {strides = array<i32>} : memref<64xi32, #tpu.memory_space<vmem>>, vector<16xi32>,
    %get3A_1034 = vector.shape_cast %get3A_1033 : vector<16xi32> to vector<16xi32>
    %add3A_1035 = arith.addi %add3A_1001, %get3A_1034 : vector<16xi32>
    %swap3A_1036 = arith.constant 10 : i32
    %swap3A_1037 = arith.index_cast %swap3A_1036 : i32 to index
    %swap3A_1038 = arith.constant 112 : index
    %swap3A_1039 = tpu.vector_load %arg8[%swap3A_1037, %swap3A_1038] {strides = array<i32>} : memref<16x128xi32, #tpu.memory_space<vmem>>, vector<1x16xi32>,
    %swap3A_1040 = vector.shape_cast %swap3A_1039 : vector<1x16xi32> to vector<16xi32>
    %swap3A_1041 = vector.shape_cast %add3A_1035 : vector<16xi32> to vector<1x16xi32>
    tpu.vector_store %arg8[%swap3A_1037, %swap3A_1038], %swap3A_1041 {strides = array<i32>} : memref<16x128xi32, #tpu.memory_space<vmem>>, vector<1x16xi32>,
    %add3A_1042 = arith.constant 202752 : i32
    %add3A_1043 = vector.broadcast %add3A_1042 : i32 to vector<16xi32>
    %add3A_1044 = arith.addi %get3A_95, %add3A_1043 : vector<16xi32>
    %get3A_1045 = arith.constant 0 : index
    %get3A_1046 = tpu.vector_load %arg6[%get3A_1045] {strides = array<i32>} : memref<64xi32, #tpu.memory_space<vmem>>, vector<16xi32>,
    %get3A_1047 = vector.shape_cast %get3A_1046 : vector<16xi32> to vector<16xi32>
    %add3A_1048 = arith.addi %add3A_1044, %get3A_1047 : vector<16xi32>
    %swap3A_1049 = arith.constant 11 : i32
    %swap3A_1050 = arith.index_cast %swap3A_1049 : i32 to index
    %swap3A_1051 = arith.constant 0 : index
    %swap3A_1052 = tpu.vector_load %arg8[%swap3A_1050, %swap3A_1051] {strides = array<i32>} : memref<16x128xi32, #tpu.memory_space<vmem>>, vector<1x16xi32>,
    %swap3A_1053 = vector.shape_cast %swap3A_1052 : vector<1x16xi32> to vector<16xi32>
    %swap3A_1054 = vector.shape_cast %add3A_1048 : vector<16xi32> to vector<1x16xi32>
    tpu.vector_store %arg8[%swap3A_1050, %swap3A_1051], %swap3A_1054 {strides = array<i32>} : memref<16x128xi32, #tpu.memory_space<vmem>>, vector<1x16xi32>,
    %get3A_1055 = arith.constant 16 : index
    %get3A_1056 = tpu.vector_load %arg6[%get3A_1055] {strides = array<i32>} : memref<64xi32, #tpu.memory_space<vmem>>, vector<16xi32>,
    %get3A_1057 = vector.shape_cast %get3A_1056 : vector<16xi32> to vector<16xi32>
    %add3A_1058 = arith.addi %add3A_1044, %get3A_1057 : vector<16xi32>
    %swap3A_1059 = arith.constant 11 : i32
    %swap3A_1060 = arith.index_cast %swap3A_1059 : i32 to index
    %swap3A_1061 = arith.constant 16 : index
    %swap3A_1062 = tpu.vector_load %arg8[%swap3A_1060, %swap3A_1061] {strides = array<i32>} : memref<16x128xi32, #tpu.memory_space<vmem>>, vector<1x16xi32>,
    %swap3A_1063 = vector.shape_cast %swap3A_1062 : vector<1x16xi32> to vector<16xi32>
    %swap3A_1064 = vector.shape_cast %add3A_1058 : vector<16xi32> to vector<1x16xi32>
    tpu.vector_store %arg8[%swap3A_1060, %swap3A_1061], %swap3A_1064 {strides = array<i32>} : memref<16x128xi32, #tpu.memory_space<vmem>>, vector<1x16xi32>,
    %get3A_1065 = arith.constant 32 : index
    %get3A_1066 = tpu.vector_load %arg6[%get3A_1065] {strides = array<i32>} : memref<64xi32, #tpu.memory_space<vmem>>, vector<16xi32>,
    %get3A_1067 = vector.shape_cast %get3A_1066 : vector<16xi32> to vector<16xi32>
    %add3A_1068 = arith.addi %add3A_1044, %get3A_1067 : vector<16xi32>
    %swap3A_1069 = arith.constant 11 : i32
    %swap3A_1070 = arith.index_cast %swap3A_1069 : i32 to index
    %swap3A_1071 = arith.constant 32 : index
    %swap3A_1072 = tpu.vector_load %arg8[%swap3A_1070, %swap3A_1071] {strides = array<i32>} : memref<16x128xi32, #tpu.memory_space<vmem>>, vector<1x16xi32>,
    %swap3A_1073 = vector.shape_cast %swap3A_1072 : vector<1x16xi32> to vector<16xi32>
    %swap3A_1074 = vector.shape_cast %add3A_1068 : vector<16xi32> to vector<1x16xi32>
    tpu.vector_store %arg8[%swap3A_1070, %swap3A_1071], %swap3A_1074 {strides = array<i32>} : memref<16x128xi32, #tpu.memory_space<vmem>>, vector<1x16xi32>,
    %get3A_1075 = arith.constant 48 : index
    %get3A_1076 = tpu.vector_load %arg6[%get3A_1075] {strides = array<i32>} : memref<64xi32, #tpu.memory_space<vmem>>, vector<16xi32>,
    %get3A_1077 = vector.shape_cast %get3A_1076 : vector<16xi32> to vector<16xi32>
    %add3A_1078 = arith.addi %add3A_1044, %get3A_1077 : vector<16xi32>
    %swap3A_1079 = arith.constant 11 : i32
    %swap3A_1080 = arith.index_cast %swap3A_1079 : i32 to index
    %swap3A_1081 = arith.constant 48 : index
    %swap3A_1082 = tpu.vector_load %arg8[%swap3A_1080, %swap3A_1081] {strides = array<i32>} : memref<16x128xi32, #tpu.memory_space<vmem>>, vector<1x16xi32>,
    %swap3A_1083 = vector.shape_cast %swap3A_1082 : vector<1x16xi32> to vector<16xi32>
    %swap3A_1084 = vector.shape_cast %add3A_1078 : vector<16xi32> to vector<1x16xi32>
    tpu.vector_store %arg8[%swap3A_1080, %swap3A_1081], %swap3A_1084 {strides = array<i32>} : memref<16x128xi32, #tpu.memory_space<vmem>>, vector<1x16xi32>,
    %add3A_1085 = arith.constant 211968 : i32
    %add3A_1086 = vector.broadcast %add3A_1085 : i32 to vector<16xi32>
    %add3A_1087 = arith.addi %get3A_95, %add3A_1086 : vector<16xi32>
    %get3A_1088 = arith.constant 0 : index
    %get3A_1089 = tpu.vector_load %arg6[%get3A_1088] {strides = array<i32>} : memref<64xi32, #tpu.memory_space<vmem>>, vector<16xi32>,
    %get3A_1090 = vector.shape_cast %get3A_1089 : vector<16xi32> to vector<16xi32>
    %add3A_1091 = arith.addi %add3A_1087, %get3A_1090 : vector<16xi32>
    %swap3A_1092 = arith.constant 11 : i32
    %swap3A_1093 = arith.index_cast %swap3A_1092 : i32 to index
    %swap3A_1094 = arith.constant 64 : index
    %swap3A_1095 = tpu.vector_load %arg8[%swap3A_1093, %swap3A_1094] {strides = array<i32>} : memref<16x128xi32, #tpu.memory_space<vmem>>, vector<1x16xi32>,
    %swap3A_1096 = vector.shape_cast %swap3A_1095 : vector<1x16xi32> to vector<16xi32>
    %swap3A_1097 = vector.shape_cast %add3A_1091 : vector<16xi32> to vector<1x16xi32>
    tpu.vector_store %arg8[%swap3A_1093, %swap3A_1094], %swap3A_1097 {strides = array<i32>} : memref<16x128xi32, #tpu.memory_space<vmem>>, vector<1x16xi32>,
    %get3A_1098 = arith.constant 16 : index
    %get3A_1099 = tpu.vector_load %arg6[%get3A_1098] {strides = array<i32>} : memref<64xi32, #tpu.memory_space<vmem>>, vector<16xi32>,
    %get3A_1100 = vector.shape_cast %get3A_1099 : vector<16xi32> to vector<16xi32>
    %add3A_1101 = arith.addi %add3A_1087, %get3A_1100 : vector<16xi32>
    %swap3A_1102 = arith.constant 11 : i32
    %swap3A_1103 = arith.index_cast %swap3A_1102 : i32 to index
    %swap3A_1104 = arith.constant 80 : index
    %swap3A_1105 = tpu.vector_load %arg8[%swap3A_1103, %swap3A_1104] {strides = array<i32>} : memref<16x128xi32, #tpu.memory_space<vmem>>, vector<1x16xi32>,
    %swap3A_1106 = vector.shape_cast %swap3A_1105 : vector<1x16xi32> to vector<16xi32>
    %swap3A_1107 = vector.shape_cast %add3A_1101 : vector<16xi32> to vector<1x16xi32>
    tpu.vector_store %arg8[%swap3A_1103, %swap3A_1104], %swap3A_1107 {strides = array<i32>} : memref<16x128xi32, #tpu.memory_space<vmem>>, vector<1x16xi32>,
    %get3A_1108 = arith.constant 32 : index
    %get3A_1109 = tpu.vector_load %arg6[%get3A_1108] {strides = array<i32>} : memref<64xi32, #tpu.memory_space<vmem>>, vector<16xi32>,
    %get3A_1110 = vector.shape_cast %get3A_1109 : vector<16xi32> to vector<16xi32>
    %add3A_1111 = arith.addi %add3A_1087, %get3A_1110 : vector<16xi32>
    %swap3A_1112 = arith.constant 11 : i32
    %swap3A_1113 = arith.index_cast %swap3A_1112 : i32 to index
    %swap3A_1114 = arith.constant 96 : index
    %swap3A_1115 = tpu.vector_load %arg8[%swap3A_1113, %swap3A_1114] {strides = array<i32>} : memref<16x128xi32, #tpu.memory_space<vmem>>, vector<1x16xi32>,
    %swap3A_1116 = vector.shape_cast %swap3A_1115 : vector<1x16xi32> to vector<16xi32>
    %swap3A_1117 = vector.shape_cast %add3A_1111 : vector<16xi32> to vector<1x16xi32>
    tpu.vector_store %arg8[%swap3A_1113, %swap3A_1114], %swap3A_1117 {strides = array<i32>} : memref<16x128xi32, #tpu.memory_space<vmem>>, vector<1x16xi32>,
    %get3A_1118 = arith.constant 48 : index
    %get3A_1119 = tpu.vector_load %arg6[%get3A_1118] {strides = array<i32>} : memref<64xi32, #tpu.memory_space<vmem>>, vector<16xi32>,
    %get3A_1120 = vector.shape_cast %get3A_1119 : vector<16xi32> to vector<16xi32>
    %add3A_1121 = arith.addi %add3A_1087, %get3A_1120 : vector<16xi32>
    %swap3A_1122 = arith.constant 11 : i32
    %swap3A_1123 = arith.index_cast %swap3A_1122 : i32 to index
    %swap3A_1124 = arith.constant 112 : index
    %swap3A_1125 = tpu.vector_load %arg8[%swap3A_1123, %swap3A_1124] {strides = array<i32>} : memref<16x128xi32, #tpu.memory_space<vmem>>, vector<1x16xi32>,
    %swap3A_1126 = vector.shape_cast %swap3A_1125 : vector<1x16xi32> to vector<16xi32>
    %swap3A_1127 = vector.shape_cast %add3A_1121 : vector<16xi32> to vector<1x16xi32>
    tpu.vector_store %arg8[%swap3A_1123, %swap3A_1124], %swap3A_1127 {strides = array<i32>} : memref<16x128xi32, #tpu.memory_space<vmem>>, vector<1x16xi32>,
    %add3A_1128 = arith.constant 221184 : i32
    %add3A_1129 = vector.broadcast %add3A_1128 : i32 to vector<16xi32>
    %add3A_1130 = arith.addi %get3A_95, %add3A_1129 : vector<16xi32>
    %get3A_1131 = arith.constant 0 : index
    %get3A_1132 = tpu.vector_load %arg6[%get3A_1131] {strides = array<i32>} : memref<64xi32, #tpu.memory_space<vmem>>, vector<16xi32>,
    %get3A_1133 = vector.shape_cast %get3A_1132 : vector<16xi32> to vector<16xi32>
    %add3A_1134 = arith.addi %add3A_1130, %get3A_1133 : vector<16xi32>
    %swap3A_1135 = arith.constant 12 : i32
    %swap3A_1136 = arith.index_cast %swap3A_1135 : i32 to index
    %swap3A_1137 = arith.constant 0 : index
    %swap3A_1138 = tpu.vector_load %arg8[%swap3A_1136, %swap3A_1137] {strides = array<i32>} : memref<16x128xi32, #tpu.memory_space<vmem>>, vector<1x16xi32>,
    %swap3A_1139 = vector.shape_cast %swap3A_1138 : vector<1x16xi32> to vector<16xi32>
    %swap3A_1140 = vector.shape_cast %add3A_1134 : vector<16xi32> to vector<1x16xi32>
    tpu.vector_store %arg8[%swap3A_1136, %swap3A_1137], %swap3A_1140 {strides = array<i32>} : memref<16x128xi32, #tpu.memory_space<vmem>>, vector<1x16xi32>,
    %get3A_1141 = arith.constant 16 : index
    %get3A_1142 = tpu.vector_load %arg6[%get3A_1141] {strides = array<i32>} : memref<64xi32, #tpu.memory_space<vmem>>, vector<16xi32>,
    %get3A_1143 = vector.shape_cast %get3A_1142 : vector<16xi32> to vector<16xi32>
    %add3A_1144 = arith.addi %add3A_1130, %get3A_1143 : vector<16xi32>
    %swap3A_1145 = arith.constant 12 : i32
    %swap3A_1146 = arith.index_cast %swap3A_1145 : i32 to index
    %swap3A_1147 = arith.constant 16 : index
    %swap3A_1148 = tpu.vector_load %arg8[%swap3A_1146, %swap3A_1147] {strides = array<i32>} : memref<16x128xi32, #tpu.memory_space<vmem>>, vector<1x16xi32>,
    %swap3A_1149 = vector.shape_cast %swap3A_1148 : vector<1x16xi32> to vector<16xi32>
    %swap3A_1150 = vector.shape_cast %add3A_1144 : vector<16xi32> to vector<1x16xi32>
    tpu.vector_store %arg8[%swap3A_1146, %swap3A_1147], %swap3A_1150 {strides = array<i32>} : memref<16x128xi32, #tpu.memory_space<vmem>>, vector<1x16xi32>,
    %get3A_1151 = arith.constant 32 : index
    %get3A_1152 = tpu.vector_load %arg6[%get3A_1151] {strides = array<i32>} : memref<64xi32, #tpu.memory_space<vmem>>, vector<16xi32>,
    %get3A_1153 = vector.shape_cast %get3A_1152 : vector<16xi32> to vector<16xi32>
    %add3A_1154 = arith.addi %add3A_1130, %get3A_1153 : vector<16xi32>
    %swap3A_1155 = arith.constant 12 : i32
    %swap3A_1156 = arith.index_cast %swap3A_1155 : i32 to index
    %swap3A_1157 = arith.constant 32 : index
    %swap3A_1158 = tpu.vector_load %arg8[%swap3A_1156, %swap3A_1157] {strides = array<i32>} : memref<16x128xi32, #tpu.memory_space<vmem>>, vector<1x16xi32>,
    %swap3A_1159 = vector.shape_cast %swap3A_1158 : vector<1x16xi32> to vector<16xi32>
    %swap3A_1160 = vector.shape_cast %add3A_1154 : vector<16xi32> to vector<1x16xi32>
    tpu.vector_store %arg8[%swap3A_1156, %swap3A_1157], %swap3A_1160 {strides = array<i32>} : memref<16x128xi32, #tpu.memory_space<vmem>>, vector<1x16xi32>,
    %get3A_1161 = arith.constant 48 : index
    %get3A_1162 = tpu.vector_load %arg6[%get3A_1161] {strides = array<i32>} : memref<64xi32, #tpu.memory_space<vmem>>, vector<16xi32>,
    %get3A_1163 = vector.shape_cast %get3A_1162 : vector<16xi32> to vector<16xi32>
    %add3A_1164 = arith.addi %add3A_1130, %get3A_1163 : vector<16xi32>
    %swap3A_1165 = arith.constant 12 : i32
    %swap3A_1166 = arith.index_cast %swap3A_1165 : i32 to index
    %swap3A_1167 = arith.constant 48 : index
    %swap3A_1168 = tpu.vector_load %arg8[%swap3A_1166, %swap3A_1167] {strides = array<i32>} : memref<16x128xi32, #tpu.memory_space<vmem>>, vector<1x16xi32>,
    %swap3A_1169 = vector.shape_cast %swap3A_1168 : vector<1x16xi32> to vector<16xi32>
    %swap3A_1170 = vector.shape_cast %add3A_1164 : vector<16xi32> to vector<1x16xi32>
    tpu.vector_store %arg8[%swap3A_1166, %swap3A_1167], %swap3A_1170 {strides = array<i32>} : memref<16x128xi32, #tpu.memory_space<vmem>>, vector<1x16xi32>,
    %add3A_1171 = arith.constant 230400 : i32
    %add3A_1172 = vector.broadcast %add3A_1171 : i32 to vector<16xi32>
    %add3A_1173 = arith.addi %get3A_95, %add3A_1172 : vector<16xi32>
    %get3A_1174 = arith.constant 0 : index
    %get3A_1175 = tpu.vector_load %arg6[%get3A_1174] {strides = array<i32>} : memref<64xi32, #tpu.memory_space<vmem>>, vector<16xi32>,
    %get3A_1176 = vector.shape_cast %get3A_1175 : vector<16xi32> to vector<16xi32>
    %add3A_1177 = arith.addi %add3A_1173, %get3A_1176 : vector<16xi32>
    %swap3A_1178 = arith.constant 12 : i32
    %swap3A_1179 = arith.index_cast %swap3A_1178 : i32 to index
    %swap3A_1180 = arith.constant 64 : index
    %swap3A_1181 = tpu.vector_load %arg8[%swap3A_1179, %swap3A_1180] {strides = array<i32>} : memref<16x128xi32, #tpu.memory_space<vmem>>, vector<1x16xi32>,
    %swap3A_1182 = vector.shape_cast %swap3A_1181 : vector<1x16xi32> to vector<16xi32>
    %swap3A_1183 = vector.shape_cast %add3A_1177 : vector<16xi32> to vector<1x16xi32>
    tpu.vector_store %arg8[%swap3A_1179, %swap3A_1180], %swap3A_1183 {strides = array<i32>} : memref<16x128xi32, #tpu.memory_space<vmem>>, vector<1x16xi32>,
    %get3A_1184 = arith.constant 16 : index
    %get3A_1185 = tpu.vector_load %arg6[%get3A_1184] {strides = array<i32>} : memref<64xi32, #tpu.memory_space<vmem>>, vector<16xi32>,
    %get3A_1186 = vector.shape_cast %get3A_1185 : vector<16xi32> to vector<16xi32>
    %add3A_1187 = arith.addi %add3A_1173, %get3A_1186 : vector<16xi32>
    %swap3A_1188 = arith.constant 12 : i32
    %swap3A_1189 = arith.index_cast %swap3A_1188 : i32 to index
    %swap3A_1190 = arith.constant 80 : index
    %swap3A_1191 = tpu.vector_load %arg8[%swap3A_1189, %swap3A_1190] {strides = array<i32>} : memref<16x128xi32, #tpu.memory_space<vmem>>, vector<1x16xi32>,
    %swap3A_1192 = vector.shape_cast %swap3A_1191 : vector<1x16xi32> to vector<16xi32>
    %swap3A_1193 = vector.shape_cast %add3A_1187 : vector<16xi32> to vector<1x16xi32>
    tpu.vector_store %arg8[%swap3A_1189, %swap3A_1190], %swap3A_1193 {strides = array<i32>} : memref<16x128xi32, #tpu.memory_space<vmem>>, vector<1x16xi32>,
    %get3A_1194 = arith.constant 32 : index
    %get3A_1195 = tpu.vector_load %arg6[%get3A_1194] {strides = array<i32>} : memref<64xi32, #tpu.memory_space<vmem>>, vector<16xi32>,
    %get3A_1196 = vector.shape_cast %get3A_1195 : vector<16xi32> to vector<16xi32>
    %add3A_1197 = arith.addi %add3A_1173, %get3A_1196 : vector<16xi32>
    %swap3A_1198 = arith.constant 12 : i32
    %swap3A_1199 = arith.index_cast %swap3A_1198 : i32 to index
    %swap3A_1200 = arith.constant 96 : index
    %swap3A_1201 = tpu.vector_load %arg8[%swap3A_1199, %swap3A_1200] {strides = array<i32>} : memref<16x128xi32, #tpu.memory_space<vmem>>, vector<1x16xi32>,
    %swap3A_1202 = vector.shape_cast %swap3A_1201 : vector<1x16xi32> to vector<16xi32>
    %swap3A_1203 = vector.shape_cast %add3A_1197 : vector<16xi32> to vector<1x16xi32>
    tpu.vector_store %arg8[%swap3A_1199, %swap3A_1200], %swap3A_1203 {strides = array<i32>} : memref<16x128xi32, #tpu.memory_space<vmem>>, vector<1x16xi32>,
    %get3A_1204 = arith.constant 48 : index
    %get3A_1205 = tpu.vector_load %arg6[%get3A_1204] {strides = array<i32>} : memref<64xi32, #tpu.memory_space<vmem>>, vector<16xi32>,
    %get3A_1206 = vector.shape_cast %get3A_1205 : vector<16xi32> to vector<16xi32>
    %add3A_1207 = arith.addi %add3A_1173, %get3A_1206 : vector<16xi32>
    %swap3A_1208 = arith.constant 12 : i32
    %swap3A_1209 = arith.index_cast %swap3A_1208 : i32 to index
    %swap3A_1210 = arith.constant 112 : index
    %swap3A_1211 = tpu.vector_load %arg8[%swap3A_1209, %swap3A_1210] {strides = array<i32>} : memref<16x128xi32, #tpu.memory_space<vmem>>, vector<1x16xi32>,
    %swap3A_1212 = vector.shape_cast %swap3A_1211 : vector<1x16xi32> to vector<16xi32>
    %swap3A_1213 = vector.shape_cast %add3A_1207 : vector<16xi32> to vector<1x16xi32>
    tpu.vector_store %arg8[%swap3A_1209, %swap3A_1210], %swap3A_1213 {strides = array<i32>} : memref<16x128xi32, #tpu.memory_space<vmem>>, vector<1x16xi32>,
    %add3A_1214 = arith.constant 239616 : i32
    %add3A_1215 = vector.broadcast %add3A_1214 : i32 to vector<16xi32>
    %add3A_1216 = arith.addi %get3A_95, %add3A_1215 : vector<16xi32>
    %get3A_1217 = arith.constant 0 : index
    %get3A_1218 = tpu.vector_load %arg6[%get3A_1217] {strides = array<i32>} : memref<64xi32, #tpu.memory_space<vmem>>, vector<16xi32>,
    %get3A_1219 = vector.shape_cast %get3A_1218 : vector<16xi32> to vector<16xi32>
    %add3A_1220 = arith.addi %add3A_1216, %get3A_1219 : vector<16xi32>
    %swap3A_1221 = arith.constant 13 : i32
    %swap3A_1222 = arith.index_cast %swap3A_1221 : i32 to index
    %swap3A_1223 = arith.constant 0 : index
    %swap3A_1224 = tpu.vector_load %arg8[%swap3A_1222, %swap3A_1223] {strides = array<i32>} : memref<16x128xi32, #tpu.memory_space<vmem>>, vector<1x16xi32>,
    %swap3A_1225 = vector.shape_cast %swap3A_1224 : vector<1x16xi32> to vector<16xi32>
    %swap3A_1226 = vector.shape_cast %add3A_1220 : vector<16xi32> to vector<1x16xi32>
    tpu.vector_store %arg8[%swap3A_1222, %swap3A_1223], %swap3A_1226 {strides = array<i32>} : memref<16x128xi32, #tpu.memory_space<vmem>>, vector<1x16xi32>,
    %get3A_1227 = arith.constant 16 : index
    %get3A_1228 = tpu.vector_load %arg6[%get3A_1227] {strides = array<i32>} : memref<64xi32, #tpu.memory_space<vmem>>, vector<16xi32>,
    %get3A_1229 = vector.shape_cast %get3A_1228 : vector<16xi32> to vector<16xi32>
    %add3A_1230 = arith.addi %add3A_1216, %get3A_1229 : vector<16xi32>
    %swap3A_1231 = arith.constant 13 : i32
    %swap3A_1232 = arith.index_cast %swap3A_1231 : i32 to index
    %swap3A_1233 = arith.constant 16 : index
    %swap3A_1234 = tpu.vector_load %arg8[%swap3A_1232, %swap3A_1233] {strides = array<i32>} : memref<16x128xi32, #tpu.memory_space<vmem>>, vector<1x16xi32>,
    %swap3A_1235 = vector.shape_cast %swap3A_1234 : vector<1x16xi32> to vector<16xi32>
    %swap3A_1236 = vector.shape_cast %add3A_1230 : vector<16xi32> to vector<1x16xi32>
    tpu.vector_store %arg8[%swap3A_1232, %swap3A_1233], %swap3A_1236 {strides = array<i32>} : memref<16x128xi32, #tpu.memory_space<vmem>>, vector<1x16xi32>,
    %get3A_1237 = arith.constant 32 : index
    %get3A_1238 = tpu.vector_load %arg6[%get3A_1237] {strides = array<i32>} : memref<64xi32, #tpu.memory_space<vmem>>, vector<16xi32>,
    %get3A_1239 = vector.shape_cast %get3A_1238 : vector<16xi32> to vector<16xi32>
    %add3A_1240 = arith.addi %add3A_1216, %get3A_1239 : vector<16xi32>
    %swap3A_1241 = arith.constant 13 : i32
    %swap3A_1242 = arith.index_cast %swap3A_1241 : i32 to index
    %swap3A_1243 = arith.constant 32 : index
    %swap3A_1244 = tpu.vector_load %arg8[%swap3A_1242, %swap3A_1243] {strides = array<i32>} : memref<16x128xi32, #tpu.memory_space<vmem>>, vector<1x16xi32>,
    %swap3A_1245 = vector.shape_cast %swap3A_1244 : vector<1x16xi32> to vector<16xi32>
    %swap3A_1246 = vector.shape_cast %add3A_1240 : vector<16xi32> to vector<1x16xi32>
    tpu.vector_store %arg8[%swap3A_1242, %swap3A_1243], %swap3A_1246 {strides = array<i32>} : memref<16x128xi32, #tpu.memory_space<vmem>>, vector<1x16xi32>,
    %get3A_1247 = arith.constant 48 : index
    %get3A_1248 = tpu.vector_load %arg6[%get3A_1247] {strides = array<i32>} : memref<64xi32, #tpu.memory_space<vmem>>, vector<16xi32>,
    %get3A_1249 = vector.shape_cast %get3A_1248 : vector<16xi32> to vector<16xi32>
    %add3A_1250 = arith.addi %add3A_1216, %get3A_1249 : vector<16xi32>
    %swap3A_1251 = arith.constant 13 : i32
    %swap3A_1252 = arith.index_cast %swap3A_1251 : i32 to index
    %swap3A_1253 = arith.constant 48 : index
    %swap3A_1254 = tpu.vector_load %arg8[%swap3A_1252, %swap3A_1253] {strides = array<i32>} : memref<16x128xi32, #tpu.memory_space<vmem>>, vector<1x16xi32>,
    %swap3A_1255 = vector.shape_cast %swap3A_1254 : vector<1x16xi32> to vector<16xi32>
    %swap3A_1256 = vector.shape_cast %add3A_1250 : vector<16xi32> to vector<1x16xi32>
    tpu.vector_store %arg8[%swap3A_1252, %swap3A_1253], %swap3A_1256 {strides = array<i32>} : memref<16x128xi32, #tpu.memory_space<vmem>>, vector<1x16xi32>,
    %add3A_1257 = arith.constant 248832 : i32
    %add3A_1258 = vector.broadcast %add3A_1257 : i32 to vector<16xi32>
    %add3A_1259 = arith.addi %get3A_95, %add3A_1258 : vector<16xi32>
    %get3A_1260 = arith.constant 0 : index
    %get3A_1261 = tpu.vector_load %arg6[%get3A_1260] {strides = array<i32>} : memref<64xi32, #tpu.memory_space<vmem>>, vector<16xi32>,
    %get3A_1262 = vector.shape_cast %get3A_1261 : vector<16xi32> to vector<16xi32>
    %add3A_1263 = arith.addi %add3A_1259, %get3A_1262 : vector<16xi32>
    %swap3A_1264 = arith.constant 13 : i32
    %swap3A_1265 = arith.index_cast %swap3A_1264 : i32 to index
    %swap3A_1266 = arith.constant 64 : index
    %swap3A_1267 = tpu.vector_load %arg8[%swap3A_1265, %swap3A_1266] {strides = array<i32>} : memref<16x128xi32, #tpu.memory_space<vmem>>, vector<1x16xi32>,
    %swap3A_1268 = vector.shape_cast %swap3A_1267 : vector<1x16xi32> to vector<16xi32>
    %swap3A_1269 = vector.shape_cast %add3A_1263 : vector<16xi32> to vector<1x16xi32>
    tpu.vector_store %arg8[%swap3A_1265, %swap3A_1266], %swap3A_1269 {strides = array<i32>} : memref<16x128xi32, #tpu.memory_space<vmem>>, vector<1x16xi32>,
    %get3A_1270 = arith.constant 16 : index
    %get3A_1271 = tpu.vector_load %arg6[%get3A_1270] {strides = array<i32>} : memref<64xi32, #tpu.memory_space<vmem>>, vector<16xi32>,
    %get3A_1272 = vector.shape_cast %get3A_1271 : vector<16xi32> to vector<16xi32>
    %add3A_1273 = arith.addi %add3A_1259, %get3A_1272 : vector<16xi32>
    %swap3A_1274 = arith.constant 13 : i32
    %swap3A_1275 = arith.index_cast %swap3A_1274 : i32 to index
    %swap3A_1276 = arith.constant 80 : index
    %swap3A_1277 = tpu.vector_load %arg8[%swap3A_1275, %swap3A_1276] {strides = array<i32>} : memref<16x128xi32, #tpu.memory_space<vmem>>, vector<1x16xi32>,
    %swap3A_1278 = vector.shape_cast %swap3A_1277 : vector<1x16xi32> to vector<16xi32>
    %swap3A_1279 = vector.shape_cast %add3A_1273 : vector<16xi32> to vector<1x16xi32>
    tpu.vector_store %arg8[%swap3A_1275, %swap3A_1276], %swap3A_1279 {strides = array<i32>} : memref<16x128xi32, #tpu.memory_space<vmem>>, vector<1x16xi32>,
    %get3A_1280 = arith.constant 32 : index
    %get3A_1281 = tpu.vector_load %arg6[%get3A_1280] {strides = array<i32>} : memref<64xi32, #tpu.memory_space<vmem>>, vector<16xi32>,
    %get3A_1282 = vector.shape_cast %get3A_1281 : vector<16xi32> to vector<16xi32>
    %add3A_1283 = arith.addi %add3A_1259, %get3A_1282 : vector<16xi32>
    %swap3A_1284 = arith.constant 13 : i32
    %swap3A_1285 = arith.index_cast %swap3A_1284 : i32 to index
    %swap3A_1286 = arith.constant 96 : index
    %swap3A_1287 = tpu.vector_load %arg8[%swap3A_1285, %swap3A_1286] {strides = array<i32>} : memref<16x128xi32, #tpu.memory_space<vmem>>, vector<1x16xi32>,
    %swap3A_1288 = vector.shape_cast %swap3A_1287 : vector<1x16xi32> to vector<16xi32>
    %swap3A_1289 = vector.shape_cast %add3A_1283 : vector<16xi32> to vector<1x16xi32>
    tpu.vector_store %arg8[%swap3A_1285, %swap3A_1286], %swap3A_1289 {strides = array<i32>} : memref<16x128xi32, #tpu.memory_space<vmem>>, vector<1x16xi32>,
    %get3A_1290 = arith.constant 48 : index
    %get3A_1291 = tpu.vector_load %arg6[%get3A_1290] {strides = array<i32>} : memref<64xi32, #tpu.memory_space<vmem>>, vector<16xi32>,
    %get3A_1292 = vector.shape_cast %get3A_1291 : vector<16xi32> to vector<16xi32>
    %add3A_1293 = arith.addi %add3A_1259, %get3A_1292 : vector<16xi32>
    %swap3A_1294 = arith.constant 13 : i32
    %swap3A_1295 = arith.index_cast %swap3A_1294 : i32 to index
    %swap3A_1296 = arith.constant 112 : index
    %swap3A_1297 = tpu.vector_load %arg8[%swap3A_1295, %swap3A_1296] {strides = array<i32>} : memref<16x128xi32, #tpu.memory_space<vmem>>, vector<1x16xi32>,
    %swap3A_1298 = vector.shape_cast %swap3A_1297 : vector<1x16xi32> to vector<16xi32>
    %swap3A_1299 = vector.shape_cast %add3A_1293 : vector<16xi32> to vector<1x16xi32>
    tpu.vector_store %arg8[%swap3A_1295, %swap3A_1296], %swap3A_1299 {strides = array<i32>} : memref<16x128xi32, #tpu.memory_space<vmem>>, vector<1x16xi32>,
    %add3A_1300 = arith.constant 258048 : i32
    %add3A_1301 = vector.broadcast %add3A_1300 : i32 to vector<16xi32>
    %add3A_1302 = arith.addi %get3A_95, %add3A_1301 : vector<16xi32>
    %get3A_1303 = arith.constant 0 : index
    %get3A_1304 = tpu.vector_load %arg6[%get3A_1303] {strides = array<i32>} : memref<64xi32, #tpu.memory_space<vmem>>, vector<16xi32>,
    %get3A_1305 = vector.shape_cast %get3A_1304 : vector<16xi32> to vector<16xi32>
    %add3A_1306 = arith.addi %add3A_1302, %get3A_1305 : vector<16xi32>
    %swap3A_1307 = arith.constant 14 : i32
    %swap3A_1308 = arith.index_cast %swap3A_1307 : i32 to index
    %swap3A_1309 = arith.constant 0 : index
    %swap3A_1310 = tpu.vector_load %arg8[%swap3A_1308, %swap3A_1309] {strides = array<i32>} : memref<16x128xi32, #tpu.memory_space<vmem>>, vector<1x16xi32>,
    %swap3A_1311 = vector.shape_cast %swap3A_1310 : vector<1x16xi32> to vector<16xi32>
    %swap3A_1312 = vector.shape_cast %add3A_1306 : vector<16xi32> to vector<1x16xi32>
    tpu.vector_store %arg8[%swap3A_1308, %swap3A_1309], %swap3A_1312 {strides = array<i32>} : memref<16x128xi32, #tpu.memory_space<vmem>>, vector<1x16xi32>,
    %get3A_1313 = arith.constant 16 : index
    %get3A_1314 = tpu.vector_load %arg6[%get3A_1313] {strides = array<i32>} : memref<64xi32, #tpu.memory_space<vmem>>, vector<16xi32>,
    %get3A_1315 = vector.shape_cast %get3A_1314 : vector<16xi32> to vector<16xi32>
    %add3A_1316 = arith.addi %add3A_1302, %get3A_1315 : vector<16xi32>
    %swap3A_1317 = arith.constant 14 : i32
    %swap3A_1318 = arith.index_cast %swap3A_1317 : i32 to index
    %swap3A_1319 = arith.constant 16 : index
    %swap3A_1320 = tpu.vector_load %arg8[%swap3A_1318, %swap3A_1319] {strides = array<i32>} : memref<16x128xi32, #tpu.memory_space<vmem>>, vector<1x16xi32>,
    %swap3A_1321 = vector.shape_cast %swap3A_1320 : vector<1x16xi32> to vector<16xi32>
    %swap3A_1322 = vector.shape_cast %add3A_1316 : vector<16xi32> to vector<1x16xi32>
    tpu.vector_store %arg8[%swap3A_1318, %swap3A_1319], %swap3A_1322 {strides = array<i32>} : memref<16x128xi32, #tpu.memory_space<vmem>>, vector<1x16xi32>,
    %get3A_1323 = arith.constant 32 : index
    %get3A_1324 = tpu.vector_load %arg6[%get3A_1323] {strides = array<i32>} : memref<64xi32, #tpu.memory_space<vmem>>, vector<16xi32>,
    %get3A_1325 = vector.shape_cast %get3A_1324 : vector<16xi32> to vector<16xi32>
    %add3A_1326 = arith.addi %add3A_1302, %get3A_1325 : vector<16xi32>
    %swap3A_1327 = arith.constant 14 : i32
    %swap3A_1328 = arith.index_cast %swap3A_1327 : i32 to index
    %swap3A_1329 = arith.constant 32 : index
    %swap3A_1330 = tpu.vector_load %arg8[%swap3A_1328, %swap3A_1329] {strides = array<i32>} : memref<16x128xi32, #tpu.memory_space<vmem>>, vector<1x16xi32>,
    %swap3A_1331 = vector.shape_cast %swap3A_1330 : vector<1x16xi32> to vector<16xi32>
    %swap3A_1332 = vector.shape_cast %add3A_1326 : vector<16xi32> to vector<1x16xi32>
    tpu.vector_store %arg8[%swap3A_1328, %swap3A_1329], %swap3A_1332 {strides = array<i32>} : memref<16x128xi32, #tpu.memory_space<vmem>>, vector<1x16xi32>,
    %get3A_1333 = arith.constant 48 : index
    %get3A_1334 = tpu.vector_load %arg6[%get3A_1333] {strides = array<i32>} : memref<64xi32, #tpu.memory_space<vmem>>, vector<16xi32>,
    %get3A_1335 = vector.shape_cast %get3A_1334 : vector<16xi32> to vector<16xi32>
    %add3A_1336 = arith.addi %add3A_1302, %get3A_1335 : vector<16xi32>
    %swap3A_1337 = arith.constant 14 : i32
    %swap3A_1338 = arith.index_cast %swap3A_1337 : i32 to index
    %swap3A_1339 = arith.constant 48 : index
    %swap3A_1340 = tpu.vector_load %arg8[%swap3A_1338, %swap3A_1339] {strides = array<i32>} : memref<16x128xi32, #tpu.memory_space<vmem>>, vector<1x16xi32>,
    %swap3A_1341 = vector.shape_cast %swap3A_1340 : vector<1x16xi32> to vector<16xi32>
    %swap3A_1342 = vector.shape_cast %add3A_1336 : vector<16xi32> to vector<1x16xi32>
    tpu.vector_store %arg8[%swap3A_1338, %swap3A_1339], %swap3A_1342 {strides = array<i32>} : memref<16x128xi32, #tpu.memory_space<vmem>>, vector<1x16xi32>,
    %add3A_1343 = arith.constant 267264 : i32
    %add3A_1344 = vector.broadcast %add3A_1343 : i32 to vector<16xi32>
    %add3A_1345 = arith.addi %get3A_95, %add3A_1344 : vector<16xi32>
    %get3A_1346 = arith.constant 0 : index
    %get3A_1347 = tpu.vector_load %arg6[%get3A_1346] {strides = array<i32>} : memref<64xi32, #tpu.memory_space<vmem>>, vector<16xi32>,
    %get3A_1348 = vector.shape_cast %get3A_1347 : vector<16xi32> to vector<16xi32>
    %add3A_1349 = arith.addi %add3A_1345, %get3A_1348 : vector<16xi32>
    %swap3A_1350 = arith.constant 14 : i32
    %swap3A_1351 = arith.index_cast %swap3A_1350 : i32 to index
    %swap3A_1352 = arith.constant 64 : index
    %swap3A_1353 = tpu.vector_load %arg8[%swap3A_1351, %swap3A_1352] {strides = array<i32>} : memref<16x128xi32, #tpu.memory_space<vmem>>, vector<1x16xi32>,
    %swap3A_1354 = vector.shape_cast %swap3A_1353 : vector<1x16xi32> to vector<16xi32>
    %swap3A_1355 = vector.shape_cast %add3A_1349 : vector<16xi32> to vector<1x16xi32>
    tpu.vector_store %arg8[%swap3A_1351, %swap3A_1352], %swap3A_1355 {strides = array<i32>} : memref<16x128xi32, #tpu.memory_space<vmem>>, vector<1x16xi32>,
    %get3A_1356 = arith.constant 16 : index
    %get3A_1357 = tpu.vector_load %arg6[%get3A_1356] {strides = array<i32>} : memref<64xi32, #tpu.memory_space<vmem>>, vector<16xi32>,
    %get3A_1358 = vector.shape_cast %get3A_1357 : vector<16xi32> to vector<16xi32>
    %add3A_1359 = arith.addi %add3A_1345, %get3A_1358 : vector<16xi32>
    %swap3A_1360 = arith.constant 14 : i32
    %swap3A_1361 = arith.index_cast %swap3A_1360 : i32 to index
    %swap3A_1362 = arith.constant 80 : index
    %swap3A_1363 = tpu.vector_load %arg8[%swap3A_1361, %swap3A_1362] {strides = array<i32>} : memref<16x128xi32, #tpu.memory_space<vmem>>, vector<1x16xi32>,
    %swap3A_1364 = vector.shape_cast %swap3A_1363 : vector<1x16xi32> to vector<16xi32>
    %swap3A_1365 = vector.shape_cast %add3A_1359 : vector<16xi32> to vector<1x16xi32>
    tpu.vector_store %arg8[%swap3A_1361, %swap3A_1362], %swap3A_1365 {strides = array<i32>} : memref<16x128xi32, #tpu.memory_space<vmem>>, vector<1x16xi32>,
    %get3A_1366 = arith.constant 32 : index
    %get3A_1367 = tpu.vector_load %arg6[%get3A_1366] {strides = array<i32>} : memref<64xi32, #tpu.memory_space<vmem>>, vector<16xi32>,
    %get3A_1368 = vector.shape_cast %get3A_1367 : vector<16xi32> to vector<16xi32>
    %add3A_1369 = arith.addi %add3A_1345, %get3A_1368 : vector<16xi32>
    %swap3A_1370 = arith.constant 14 : i32
    %swap3A_1371 = arith.index_cast %swap3A_1370 : i32 to index
    %swap3A_1372 = arith.constant 96 : index
    %swap3A_1373 = tpu.vector_load %arg8[%swap3A_1371, %swap3A_1372] {strides = array<i32>} : memref<16x128xi32, #tpu.memory_space<vmem>>, vector<1x16xi32>,
    %swap3A_1374 = vector.shape_cast %swap3A_1373 : vector<1x16xi32> to vector<16xi32>
    %swap3A_1375 = vector.shape_cast %add3A_1369 : vector<16xi32> to vector<1x16xi32>
    tpu.vector_store %arg8[%swap3A_1371, %swap3A_1372], %swap3A_1375 {strides = array<i32>} : memref<16x128xi32, #tpu.memory_space<vmem>>, vector<1x16xi32>,
    %get3A_1376 = arith.constant 48 : index
    %get3A_1377 = tpu.vector_load %arg6[%get3A_1376] {strides = array<i32>} : memref<64xi32, #tpu.memory_space<vmem>>, vector<16xi32>,
    %get3A_1378 = vector.shape_cast %get3A_1377 : vector<16xi32> to vector<16xi32>
    %add3A_1379 = arith.addi %add3A_1345, %get3A_1378 : vector<16xi32>
    %swap3A_1380 = arith.constant 14 : i32
    %swap3A_1381 = arith.index_cast %swap3A_1380 : i32 to index
    %swap3A_1382 = arith.constant 112 : index
    %swap3A_1383 = tpu.vector_load %arg8[%swap3A_1381, %swap3A_1382] {strides = array<i32>} : memref<16x128xi32, #tpu.memory_space<vmem>>, vector<1x16xi32>,
    %swap3A_1384 = vector.shape_cast %swap3A_1383 : vector<1x16xi32> to vector<16xi32>
    %swap3A_1385 = vector.shape_cast %add3A_1379 : vector<16xi32> to vector<1x16xi32>
    tpu.vector_store %arg8[%swap3A_1381, %swap3A_1382], %swap3A_1385 {strides = array<i32>} : memref<16x128xi32, #tpu.memory_space<vmem>>, vector<1x16xi32>,
    %add3A_1386 = arith.constant 276480 : i32
    %add3A_1387 = vector.broadcast %add3A_1386 : i32 to vector<16xi32>
    %add3A_1388 = arith.addi %get3A_95, %add3A_1387 : vector<16xi32>
    %get3A_1389 = arith.constant 0 : index
    %get3A_1390 = tpu.vector_load %arg6[%get3A_1389] {strides = array<i32>} : memref<64xi32, #tpu.memory_space<vmem>>, vector<16xi32>,
    %get3A_1391 = vector.shape_cast %get3A_1390 : vector<16xi32> to vector<16xi32>
    %add3A_1392 = arith.addi %add3A_1388, %get3A_1391 : vector<16xi32>
    %swap3A_1393 = arith.constant 15 : i32
    %swap3A_1394 = arith.index_cast %swap3A_1393 : i32 to index
    %swap3A_1395 = arith.constant 0 : index
    %swap3A_1396 = tpu.vector_load %arg8[%swap3A_1394, %swap3A_1395] {strides = array<i32>} : memref<16x128xi32, #tpu.memory_space<vmem>>, vector<1x16xi32>,
    %swap3A_1397 = vector.shape_cast %swap3A_1396 : vector<1x16xi32> to vector<16xi32>
    %swap3A_1398 = vector.shape_cast %add3A_1392 : vector<16xi32> to vector<1x16xi32>
    tpu.vector_store %arg8[%swap3A_1394, %swap3A_1395], %swap3A_1398 {strides = array<i32>} : memref<16x128xi32, #tpu.memory_space<vmem>>, vector<1x16xi32>,
    %get3A_1399 = arith.constant 16 : index
    %get3A_1400 = tpu.vector_load %arg6[%get3A_1399] {strides = array<i32>} : memref<64xi32, #tpu.memory_space<vmem>>, vector<16xi32>,
    %get3A_1401 = vector.shape_cast %get3A_1400 : vector<16xi32> to vector<16xi32>
    %add3A_1402 = arith.addi %add3A_1388, %get3A_1401 : vector<16xi32>
    %swap3A_1403 = arith.constant 15 : i32
    %swap3A_1404 = arith.index_cast %swap3A_1403 : i32 to index
    %swap3A_1405 = arith.constant 16 : index
    %swap3A_1406 = tpu.vector_load %arg8[%swap3A_1404, %swap3A_1405] {strides = array<i32>} : memref<16x128xi32, #tpu.memory_space<vmem>>, vector<1x16xi32>,
    %swap3A_1407 = vector.shape_cast %swap3A_1406 : vector<1x16xi32> to vector<16xi32>
    %swap3A_1408 = vector.shape_cast %add3A_1402 : vector<16xi32> to vector<1x16xi32>
    tpu.vector_store %arg8[%swap3A_1404, %swap3A_1405], %swap3A_1408 {strides = array<i32>} : memref<16x128xi32, #tpu.memory_space<vmem>>, vector<1x16xi32>,
    %get3A_1409 = arith.constant 32 : index
    %get3A_1410 = tpu.vector_load %arg6[%get3A_1409] {strides = array<i32>} : memref<64xi32, #tpu.memory_space<vmem>>, vector<16xi32>,
    %get3A_1411 = vector.shape_cast %get3A_1410 : vector<16xi32> to vector<16xi32>
    %add3A_1412 = arith.addi %add3A_1388, %get3A_1411 : vector<16xi32>
    %swap3A_1413 = arith.constant 15 : i32
    %swap3A_1414 = arith.index_cast %swap3A_1413 : i32 to index
    %swap3A_1415 = arith.constant 32 : index
    %swap3A_1416 = tpu.vector_load %arg8[%swap3A_1414, %swap3A_1415] {strides = array<i32>} : memref<16x128xi32, #tpu.memory_space<vmem>>, vector<1x16xi32>,
    %swap3A_1417 = vector.shape_cast %swap3A_1416 : vector<1x16xi32> to vector<16xi32>
    %swap3A_1418 = vector.shape_cast %add3A_1412 : vector<16xi32> to vector<1x16xi32>
    tpu.vector_store %arg8[%swap3A_1414, %swap3A_1415], %swap3A_1418 {strides = array<i32>} : memref<16x128xi32, #tpu.memory_space<vmem>>, vector<1x16xi32>,
    %get3A_1419 = arith.constant 48 : index
    %get3A_1420 = tpu.vector_load %arg6[%get3A_1419] {strides = array<i32>} : memref<64xi32, #tpu.memory_space<vmem>>, vector<16xi32>,
    %get3A_1421 = vector.shape_cast %get3A_1420 : vector<16xi32> to vector<16xi32>
    %add3A_1422 = arith.addi %add3A_1388, %get3A_1421 : vector<16xi32>
    %swap3A_1423 = arith.constant 15 : i32
    %swap3A_1424 = arith.index_cast %swap3A_1423 : i32 to index
    %swap3A_1425 = arith.constant 48 : index
    %swap3A_1426 = tpu.vector_load %arg8[%swap3A_1424, %swap3A_1425] {strides = array<i32>} : memref<16x128xi32, #tpu.memory_space<vmem>>, vector<1x16xi32>,
    %swap3A_1427 = vector.shape_cast %swap3A_1426 : vector<1x16xi32> to vector<16xi32>
    %swap3A_1428 = vector.shape_cast %add3A_1422 : vector<16xi32> to vector<1x16xi32>
    tpu.vector_store %arg8[%swap3A_1424, %swap3A_1425], %swap3A_1428 {strides = array<i32>} : memref<16x128xi32, #tpu.memory_space<vmem>>, vector<1x16xi32>,
    %add3A_1429 = arith.constant 285696 : i32
    %add3A_1430 = vector.broadcast %add3A_1429 : i32 to vector<16xi32>
    %add3A_1431 = arith.addi %get3A_95, %add3A_1430 : vector<16xi32>
    %get3A_1432 = arith.constant 0 : index
    %get3A_1433 = tpu.vector_load %arg6[%get3A_1432] {strides = array<i32>} : memref<64xi32, #tpu.memory_space<vmem>>, vector<16xi32>,
    %get3A_1434 = vector.shape_cast %get3A_1433 : vector<16xi32> to vector<16xi32>
    %add3A_1435 = arith.addi %add3A_1431, %get3A_1434 : vector<16xi32>
    %swap3A_1436 = arith.constant 15 : i32
    %swap3A_1437 = arith.index_cast %swap3A_1436 : i32 to index
    %swap3A_1438 = arith.constant 64 : index
    %swap3A_1439 = tpu.vector_load %arg8[%swap3A_1437, %swap3A_1438] {strides = array<i32>} : memref<16x128xi32, #tpu.memory_space<vmem>>, vector<1x16xi32>,
    %swap3A_1440 = vector.shape_cast %swap3A_1439 : vector<1x16xi32> to vector<16xi32>
    %swap3A_1441 = vector.shape_cast %add3A_1435 : vector<16xi32> to vector<1x16xi32>
    tpu.vector_store %arg8[%swap3A_1437, %swap3A_1438], %swap3A_1441 {strides = array<i32>} : memref<16x128xi32, #tpu.memory_space<vmem>>, vector<1x16xi32>,
    %get3A_1442 = arith.constant 16 : index
    %get3A_1443 = tpu.vector_load %arg6[%get3A_1442] {strides = array<i32>} : memref<64xi32, #tpu.memory_space<vmem>>, vector<16xi32>,
    %get3A_1444 = vector.shape_cast %get3A_1443 : vector<16xi32> to vector<16xi32>
    %add3A_1445 = arith.addi %add3A_1431, %get3A_1444 : vector<16xi32>
    %swap3A_1446 = arith.constant 15 : i32
    %swap3A_1447 = arith.index_cast %swap3A_1446 : i32 to index
    %swap3A_1448 = arith.constant 80 : index
    %swap3A_1449 = tpu.vector_load %arg8[%swap3A_1447, %swap3A_1448] {strides = array<i32>} : memref<16x128xi32, #tpu.memory_space<vmem>>, vector<1x16xi32>,
    %swap3A_1450 = vector.shape_cast %swap3A_1449 : vector<1x16xi32> to vector<16xi32>
    %swap3A_1451 = vector.shape_cast %add3A_1445 : vector<16xi32> to vector<1x16xi32>
    tpu.vector_store %arg8[%swap3A_1447, %swap3A_1448], %swap3A_1451 {strides = array<i32>} : memref<16x128xi32, #tpu.memory_space<vmem>>, vector<1x16xi32>,
    %get3A_1452 = arith.constant 32 : index
    %get3A_1453 = tpu.vector_load %arg6[%get3A_1452] {strides = array<i32>} : memref<64xi32, #tpu.memory_space<vmem>>, vector<16xi32>,
    %get3A_1454 = vector.shape_cast %get3A_1453 : vector<16xi32> to vector<16xi32>
    %add3A_1455 = arith.addi %add3A_1431, %get3A_1454 : vector<16xi32>
    %swap3A_1456 = arith.constant 15 : i32
    %swap3A_1457 = arith.index_cast %swap3A_1456 : i32 to index
    %swap3A_1458 = arith.constant 96 : index
    %swap3A_1459 = tpu.vector_load %arg8[%swap3A_1457, %swap3A_1458] {strides = array<i32>} : memref<16x128xi32, #tpu.memory_space<vmem>>, vector<1x16xi32>,
    %swap3A_1460 = vector.shape_cast %swap3A_1459 : vector<1x16xi32> to vector<16xi32>
    %swap3A_1461 = vector.shape_cast %add3A_1455 : vector<16xi32> to vector<1x16xi32>
    tpu.vector_store %arg8[%swap3A_1457, %swap3A_1458], %swap3A_1461 {strides = array<i32>} : memref<16x128xi32, #tpu.memory_space<vmem>>, vector<1x16xi32>,
    %get3A_1462 = arith.constant 48 : index
    %get3A_1463 = tpu.vector_load %arg6[%get3A_1462] {strides = array<i32>} : memref<64xi32, #tpu.memory_space<vmem>>, vector<16xi32>,
    %get3A_1464 = vector.shape_cast %get3A_1463 : vector<16xi32> to vector<16xi32>
    %add3A_1465 = arith.addi %add3A_1431, %get3A_1464 : vector<16xi32>
    %swap3A_1466 = arith.constant 15 : i32
    %swap3A_1467 = arith.index_cast %swap3A_1466 : i32 to index
    %swap3A_1468 = arith.constant 112 : index
    %swap3A_1469 = tpu.vector_load %arg8[%swap3A_1467, %swap3A_1468] {strides = array<i32>} : memref<16x128xi32, #tpu.memory_space<vmem>>, vector<1x16xi32>,
    %swap3A_1470 = vector.shape_cast %swap3A_1469 : vector<1x16xi32> to vector<16xi32>
    %swap3A_1471 = vector.shape_cast %add3A_1465 : vector<16xi32> to vector<1x16xi32>
    tpu.vector_store %arg8[%swap3A_1467, %swap3A_1468], %swap3A_1471 {strides = array<i32>} : memref<16x128xi32, #tpu.memory_space<vmem>>, vector<1x16xi32>,
    %dma_start3A = arith.constant 0 : i32
    %dma_start3A_1472 = arith.constant 0 : i32
    %dma_start3A_1473 = arith.constant 0 : i32
    %dma_start3A_1474 = tpu.memref_slice %arg9[%dma_start3A_1472, %dma_start3A_1473] : memref<16x128xf32, #tpu.memory_space<vmem>> -> memref<1x128xf32, #tpu.memory_space<vmem>>
    %dma_start3A_1475 = tpu.memref_squeeze %dma_start3A_1474 : memref<1x128xf32, #tpu.memory_space<vmem>> -> memref<128xf32, #tpu.memory_space<vmem>>
    %dma_start3A_1476 = arith.constant 0 : i32
    %dma_start3A_1477 = tpu.memref_slice %arg8[%dma_start3A, %dma_start3A_1476] : memref<16x128xi32, #tpu.memory_space<vmem>> -> memref<1x128xi32, #tpu.memory_space<vmem>>
    %dma_start3A_1478 = tpu.memref_squeeze %dma_start3A_1477 : memref<1x128xi32, #tpu.memory_space<vmem>> -> memref<128xi32, #tpu.memory_space<vmem>>
    %dma_start3A_1479 = arith.constant 0 : i32
    %dma_start3A_1480 = tpu.memref_slice %arg2[%dma_start3A_1479] : memref<9437184xf32, #tpu.memory_space<hbm>> -> memref<9437184xf32, #tpu.memory_space<hbm>>
    tpu.enqueue_indirect_dma source(%dma_start3A_1480 : memref<9437184xf32, #tpu.memory_space<hbm>>) target(%dma_start3A_1475 : memref<128xf32, #tpu.memory_space<vmem>>) offsets(%dma_start3A_1478 : memref<128xi32, #tpu.memory_space<vmem>>) semaphore(%arg10 : memref<!tpu.dma_semaphore, #tpu.memory_space<semaphore_mem>>)
    %dma_start3A_1481 = arith.constant 1 : i32
    %dma_start3A_1482 = arith.constant 1 : i32
    %dma_start3A_1483 = arith.constant 0 : i32
    %dma_start3A_1484 = tpu.memref_slice %arg9[%dma_start3A_1482, %dma_start3A_1483] : memref<16x128xf32, #tpu.memory_space<vmem>> -> memref<1x128xf32, #tpu.memory_space<vmem>>
    %dma_start3A_1485 = tpu.memref_squeeze %dma_start3A_1484 : memref<1x128xf32, #tpu.memory_space<vmem>> -> memref<128xf32, #tpu.memory_space<vmem>>
    %dma_start3A_1486 = arith.constant 0 : i32
    %dma_start3A_1487 = tpu.memref_slice %arg8[%dma_start3A_1481, %dma_start3A_1486] : memref<16x128xi32, #tpu.memory_space<vmem>> -> memref<1x128xi32, #tpu.memory_space<vmem>>
    %dma_start3A_1488 = tpu.memref_squeeze %dma_start3A_1487 : memref<1x128xi32, #tpu.memory_space<vmem>> -> memref<128xi32, #tpu.memory_space<vmem>>
    %dma_start3A_1489 = arith.constant 0 : i32
    %dma_start3A_1490 = tpu.memref_slice %arg2[%dma_start3A_1489] : memref<9437184xf32, #tpu.memory_space<hbm>> -> memref<9437184xf32, #tpu.memory_space<hbm>>
    tpu.enqueue_indirect_dma source(%dma_start3A_1490 : memref<9437184xf32, #tpu.memory_space<hbm>>) target(%dma_start3A_1485 : memref<128xf32, #tpu.memory_space<vmem>>) offsets(%dma_start3A_1488 : memref<128xi32, #tpu.memory_space<vmem>>) semaphore(%arg10 : memref<!tpu.dma_semaphore, #tpu.memory_space<semaphore_mem>>)
    %dma_start3A_1491 = arith.constant 2 : i32
    %dma_start3A_1492 = arith.constant 2 : i32
    %dma_start3A_1493 = arith.constant 0 : i32
    %dma_start3A_1494 = tpu.memref_slice %arg9[%dma_start3A_1492, %dma_start3A_1493] : memref<16x128xf32, #tpu.memory_space<vmem>> -> memref<1x128xf32, #tpu.memory_space<vmem>>
    %dma_start3A_1495 = tpu.memref_squeeze %dma_start3A_1494 : memref<1x128xf32, #tpu.memory_space<vmem>> -> memref<128xf32, #tpu.memory_space<vmem>>
    %dma_start3A_1496 = arith.constant 0 : i32
    %dma_start3A_1497 = tpu.memref_slice %arg8[%dma_start3A_1491, %dma_start3A_1496] : memref<16x128xi32, #tpu.memory_space<vmem>> -> memref<1x128xi32, #tpu.memory_space<vmem>>
    %dma_start3A_1498 = tpu.memref_squeeze %dma_start3A_1497 : memref<1x128xi32, #tpu.memory_space<vmem>> -> memref<128xi32, #tpu.memory_space<vmem>>
    %dma_start3A_1499 = arith.constant 0 : i32
    %dma_start3A_1500 = tpu.memref_slice %arg2[%dma_start3A_1499] : memref<9437184xf32, #tpu.memory_space<hbm>> -> memref<9437184xf32, #tpu.memory_space<hbm>>
    tpu.enqueue_indirect_dma source(%dma_start3A_1500 : memref<9437184xf32, #tpu.memory_space<hbm>>) target(%dma_start3A_1495 : memref<128xf32, #tpu.memory_space<vmem>>) offsets(%dma_start3A_1498 : memref<128xi32, #tpu.memory_space<vmem>>) semaphore(%arg10 : memref<!tpu.dma_semaphore, #tpu.memory_space<semaphore_mem>>)
    %dma_start3A_1501 = arith.constant 3 : i32
    %dma_start3A_1502 = arith.constant 3 : i32
    %dma_start3A_1503 = arith.constant 0 : i32
    %dma_start3A_1504 = tpu.memref_slice %arg9[%dma_start3A_1502, %dma_start3A_1503] : memref<16x128xf32, #tpu.memory_space<vmem>> -> memref<1x128xf32, #tpu.memory_space<vmem>>
    %dma_start3A_1505 = tpu.memref_squeeze %dma_start3A_1504 : memref<1x128xf32, #tpu.memory_space<vmem>> -> memref<128xf32, #tpu.memory_space<vmem>>
    %dma_start3A_1506 = arith.constant 0 : i32
    %dma_start3A_1507 = tpu.memref_slice %arg8[%dma_start3A_1501, %dma_start3A_1506] : memref<16x128xi32, #tpu.memory_space<vmem>> -> memref<1x128xi32, #tpu.memory_space<vmem>>
    %dma_start3A_1508 = tpu.memref_squeeze %dma_start3A_1507 : memref<1x128xi32, #tpu.memory_space<vmem>> -> memref<128xi32, #tpu.memory_space<vmem>>
    %dma_start3A_1509 = arith.constant 0 : i32
    %dma_start3A_1510 = tpu.memref_slice %arg2[%dma_start3A_1509] : memref<9437184xf32, #tpu.memory_space<hbm>> -> memref<9437184xf32, #tpu.memory_space<hbm>>
    tpu.enqueue_indirect_dma source(%dma_start3A_1510 : memref<9437184xf32, #tpu.memory_space<hbm>>) target(%dma_start3A_1505 : memref<128xf32, #tpu.memory_space<vmem>>) offsets(%dma_start3A_1508 : memref<128xi32, #tpu.memory_space<vmem>>) semaphore(%arg10 : memref<!tpu.dma_semaphore, #tpu.memory_space<semaphore_mem>>)
    %dma_start3A_1511 = arith.constant 4 : i32
    %dma_start3A_1512 = arith.constant 4 : i32
    %dma_start3A_1513 = arith.constant 0 : i32
    %dma_start3A_1514 = tpu.memref_slice %arg9[%dma_start3A_1512, %dma_start3A_1513] : memref<16x128xf32, #tpu.memory_space<vmem>> -> memref<1x128xf32, #tpu.memory_space<vmem>>
    %dma_start3A_1515 = tpu.memref_squeeze %dma_start3A_1514 : memref<1x128xf32, #tpu.memory_space<vmem>> -> memref<128xf32, #tpu.memory_space<vmem>>
    %dma_start3A_1516 = arith.constant 0 : i32
    %dma_start3A_1517 = tpu.memref_slice %arg8[%dma_start3A_1511, %dma_start3A_1516] : memref<16x128xi32, #tpu.memory_space<vmem>> -> memref<1x128xi32, #tpu.memory_space<vmem>>
    %dma_start3A_1518 = tpu.memref_squeeze %dma_start3A_1517 : memref<1x128xi32, #tpu.memory_space<vmem>> -> memref<128xi32, #tpu.memory_space<vmem>>
    %dma_start3A_1519 = arith.constant 0 : i32
    %dma_start3A_1520 = tpu.memref_slice %arg2[%dma_start3A_1519] : memref<9437184xf32, #tpu.memory_space<hbm>> -> memref<9437184xf32, #tpu.memory_space<hbm>>
    tpu.enqueue_indirect_dma source(%dma_start3A_1520 : memref<9437184xf32, #tpu.memory_space<hbm>>) target(%dma_start3A_1515 : memref<128xf32, #tpu.memory_space<vmem>>) offsets(%dma_start3A_1518 : memref<128xi32, #tpu.memory_space<vmem>>) semaphore(%arg10 : memref<!tpu.dma_semaphore, #tpu.memory_space<semaphore_mem>>)
    %dma_start3A_1521 = arith.constant 5 : i32
    %dma_start3A_1522 = arith.constant 5 : i32
    %dma_start3A_1523 = arith.constant 0 : i32
    %dma_start3A_1524 = tpu.memref_slice %arg9[%dma_start3A_1522, %dma_start3A_1523] : memref<16x128xf32, #tpu.memory_space<vmem>> -> memref<1x128xf32, #tpu.memory_space<vmem>>
    %dma_start3A_1525 = tpu.memref_squeeze %dma_start3A_1524 : memref<1x128xf32, #tpu.memory_space<vmem>> -> memref<128xf32, #tpu.memory_space<vmem>>
    %dma_start3A_1526 = arith.constant 0 : i32
    %dma_start3A_1527 = tpu.memref_slice %arg8[%dma_start3A_1521, %dma_start3A_1526] : memref<16x128xi32, #tpu.memory_space<vmem>> -> memref<1x128xi32, #tpu.memory_space<vmem>>
    %dma_start3A_1528 = tpu.memref_squeeze %dma_start3A_1527 : memref<1x128xi32, #tpu.memory_space<vmem>> -> memref<128xi32, #tpu.memory_space<vmem>>
    %dma_start3A_1529 = arith.constant 0 : i32
    %dma_start3A_1530 = tpu.memref_slice %arg2[%dma_start3A_1529] : memref<9437184xf32, #tpu.memory_space<hbm>> -> memref<9437184xf32, #tpu.memory_space<hbm>>
    tpu.enqueue_indirect_dma source(%dma_start3A_1530 : memref<9437184xf32, #tpu.memory_space<hbm>>) target(%dma_start3A_1525 : memref<128xf32, #tpu.memory_space<vmem>>) offsets(%dma_start3A_1528 : memref<128xi32, #tpu.memory_space<vmem>>) semaphore(%arg10 : memref<!tpu.dma_semaphore, #tpu.memory_space<semaphore_mem>>)
    %dma_start3A_1531 = arith.constant 6 : i32
    %dma_start3A_1532 = arith.constant 6 : i32
    %dma_start3A_1533 = arith.constant 0 : i32
    %dma_start3A_1534 = tpu.memref_slice %arg9[%dma_start3A_1532, %dma_start3A_1533] : memref<16x128xf32, #tpu.memory_space<vmem>> -> memref<1x128xf32, #tpu.memory_space<vmem>>
    %dma_start3A_1535 = tpu.memref_squeeze %dma_start3A_1534 : memref<1x128xf32, #tpu.memory_space<vmem>> -> memref<128xf32, #tpu.memory_space<vmem>>
    %dma_start3A_1536 = arith.constant 0 : i32
    %dma_start3A_1537 = tpu.memref_slice %arg8[%dma_start3A_1531, %dma_start3A_1536] : memref<16x128xi32, #tpu.memory_space<vmem>> -> memref<1x128xi32, #tpu.memory_space<vmem>>
    %dma_start3A_1538 = tpu.memref_squeeze %dma_start3A_1537 : memref<1x128xi32, #tpu.memory_space<vmem>> -> memref<128xi32, #tpu.memory_space<vmem>>
    %dma_start3A_1539 = arith.constant 0 : i32
    %dma_start3A_1540 = tpu.memref_slice %arg2[%dma_start3A_1539] : memref<9437184xf32, #tpu.memory_space<hbm>> -> memref<9437184xf32, #tpu.memory_space<hbm>>
    tpu.enqueue_indirect_dma source(%dma_start3A_1540 : memref<9437184xf32, #tpu.memory_space<hbm>>) target(%dma_start3A_1535 : memref<128xf32, #tpu.memory_space<vmem>>) offsets(%dma_start3A_1538 : memref<128xi32, #tpu.memory_space<vmem>>) semaphore(%arg10 : memref<!tpu.dma_semaphore, #tpu.memory_space<semaphore_mem>>)
    %dma_start3A_1541 = arith.constant 7 : i32
    %dma_start3A_1542 = arith.constant 7 : i32
    %dma_start3A_1543 = arith.constant 0 : i32
    %dma_start3A_1544 = tpu.memref_slice %arg9[%dma_start3A_1542, %dma_start3A_1543] : memref<16x128xf32, #tpu.memory_space<vmem>> -> memref<1x128xf32, #tpu.memory_space<vmem>>
    %dma_start3A_1545 = tpu.memref_squeeze %dma_start3A_1544 : memref<1x128xf32, #tpu.memory_space<vmem>> -> memref<128xf32, #tpu.memory_space<vmem>>
    %dma_start3A_1546 = arith.constant 0 : i32
    %dma_start3A_1547 = tpu.memref_slice %arg8[%dma_start3A_1541, %dma_start3A_1546] : memref<16x128xi32, #tpu.memory_space<vmem>> -> memref<1x128xi32, #tpu.memory_space<vmem>>
    %dma_start3A_1548 = tpu.memref_squeeze %dma_start3A_1547 : memref<1x128xi32, #tpu.memory_space<vmem>> -> memref<128xi32, #tpu.memory_space<vmem>>
    %dma_start3A_1549 = arith.constant 0 : i32
    %dma_start3A_1550 = tpu.memref_slice %arg2[%dma_start3A_1549] : memref<9437184xf32, #tpu.memory_space<hbm>> -> memref<9437184xf32, #tpu.memory_space<hbm>>
    tpu.enqueue_indirect_dma source(%dma_start3A_1550 : memref<9437184xf32, #tpu.memory_space<hbm>>) target(%dma_start3A_1545 : memref<128xf32, #tpu.memory_space<vmem>>) offsets(%dma_start3A_1548 : memref<128xi32, #tpu.memory_space<vmem>>) semaphore(%arg10 : memref<!tpu.dma_semaphore, #tpu.memory_space<semaphore_mem>>)
    %dma_start3A_1551 = arith.constant 8 : i32
    %dma_start3A_1552 = arith.constant 8 : i32
    %dma_start3A_1553 = arith.constant 0 : i32
    %dma_start3A_1554 = tpu.memref_slice %arg9[%dma_start3A_1552, %dma_start3A_1553] : memref<16x128xf32, #tpu.memory_space<vmem>> -> memref<1x128xf32, #tpu.memory_space<vmem>>
    %dma_start3A_1555 = tpu.memref_squeeze %dma_start3A_1554 : memref<1x128xf32, #tpu.memory_space<vmem>> -> memref<128xf32, #tpu.memory_space<vmem>>
    %dma_start3A_1556 = arith.constant 0 : i32
    %dma_start3A_1557 = tpu.memref_slice %arg8[%dma_start3A_1551, %dma_start3A_1556] : memref<16x128xi32, #tpu.memory_space<vmem>> -> memref<1x128xi32, #tpu.memory_space<vmem>>
    %dma_start3A_1558 = tpu.memref_squeeze %dma_start3A_1557 : memref<1x128xi32, #tpu.memory_space<vmem>> -> memref<128xi32, #tpu.memory_space<vmem>>
    %dma_start3A_1559 = arith.constant 0 : i32
    %dma_start3A_1560 = tpu.memref_slice %arg2[%dma_start3A_1559] : memref<9437184xf32, #tpu.memory_space<hbm>> -> memref<9437184xf32, #tpu.memory_space<hbm>>
    tpu.enqueue_indirect_dma source(%dma_start3A_1560 : memref<9437184xf32, #tpu.memory_space<hbm>>) target(%dma_start3A_1555 : memref<128xf32, #tpu.memory_space<vmem>>) offsets(%dma_start3A_1558 : memref<128xi32, #tpu.memory_space<vmem>>) semaphore(%arg10 : memref<!tpu.dma_semaphore, #tpu.memory_space<semaphore_mem>>)
    %dma_start3A_1561 = arith.constant 9 : i32
    %dma_start3A_1562 = arith.constant 9 : i32
    %dma_start3A_1563 = arith.constant 0 : i32
    %dma_start3A_1564 = tpu.memref_slice %arg9[%dma_start3A_1562, %dma_start3A_1563] : memref<16x128xf32, #tpu.memory_space<vmem>> -> memref<1x128xf32, #tpu.memory_space<vmem>>
    %dma_start3A_1565 = tpu.memref_squeeze %dma_start3A_1564 : memref<1x128xf32, #tpu.memory_space<vmem>> -> memref<128xf32, #tpu.memory_space<vmem>>
    %dma_start3A_1566 = arith.constant 0 : i32
    %dma_start3A_1567 = tpu.memref_slice %arg8[%dma_start3A_1561, %dma_start3A_1566] : memref<16x128xi32, #tpu.memory_space<vmem>> -> memref<1x128xi32, #tpu.memory_space<vmem>>
    %dma_start3A_1568 = tpu.memref_squeeze %dma_start3A_1567 : memref<1x128xi32, #tpu.memory_space<vmem>> -> memref<128xi32, #tpu.memory_space<vmem>>
    %dma_start3A_1569 = arith.constant 0 : i32
    %dma_start3A_1570 = tpu.memref_slice %arg2[%dma_start3A_1569] : memref<9437184xf32, #tpu.memory_space<hbm>> -> memref<9437184xf32, #tpu.memory_space<hbm>>
    tpu.enqueue_indirect_dma source(%dma_start3A_1570 : memref<9437184xf32, #tpu.memory_space<hbm>>) target(%dma_start3A_1565 : memref<128xf32, #tpu.memory_space<vmem>>) offsets(%dma_start3A_1568 : memref<128xi32, #tpu.memory_space<vmem>>) semaphore(%arg10 : memref<!tpu.dma_semaphore, #tpu.memory_space<semaphore_mem>>)
    %dma_start3A_1571 = arith.constant 10 : i32
    %dma_start3A_1572 = arith.constant 10 : i32
    %dma_start3A_1573 = arith.constant 0 : i32
    %dma_start3A_1574 = tpu.memref_slice %arg9[%dma_start3A_1572, %dma_start3A_1573] : memref<16x128xf32, #tpu.memory_space<vmem>> -> memref<1x128xf32, #tpu.memory_space<vmem>>
    %dma_start3A_1575 = tpu.memref_squeeze %dma_start3A_1574 : memref<1x128xf32, #tpu.memory_space<vmem>> -> memref<128xf32, #tpu.memory_space<vmem>>
    %dma_start3A_1576 = arith.constant 0 : i32
    %dma_start3A_1577 = tpu.memref_slice %arg8[%dma_start3A_1571, %dma_start3A_1576] : memref<16x128xi32, #tpu.memory_space<vmem>> -> memref<1x128xi32, #tpu.memory_space<vmem>>
    %dma_start3A_1578 = tpu.memref_squeeze %dma_start3A_1577 : memref<1x128xi32, #tpu.memory_space<vmem>> -> memref<128xi32, #tpu.memory_space<vmem>>
    %dma_start3A_1579 = arith.constant 0 : i32
    %dma_start3A_1580 = tpu.memref_slice %arg2[%dma_start3A_1579] : memref<9437184xf32, #tpu.memory_space<hbm>> -> memref<9437184xf32, #tpu.memory_space<hbm>>
    tpu.enqueue_indirect_dma source(%dma_start3A_1580 : memref<9437184xf32, #tpu.memory_space<hbm>>) target(%dma_start3A_1575 : memref<128xf32, #tpu.memory_space<vmem>>) offsets(%dma_start3A_1578 : memref<128xi32, #tpu.memory_space<vmem>>) semaphore(%arg10 : memref<!tpu.dma_semaphore, #tpu.memory_space<semaphore_mem>>)
    %dma_start3A_1581 = arith.constant 11 : i32
    %dma_start3A_1582 = arith.constant 11 : i32
    %dma_start3A_1583 = arith.constant 0 : i32
    %dma_start3A_1584 = tpu.memref_slice %arg9[%dma_start3A_1582, %dma_start3A_1583] : memref<16x128xf32, #tpu.memory_space<vmem>> -> memref<1x128xf32, #tpu.memory_space<vmem>>
    %dma_start3A_1585 = tpu.memref_squeeze %dma_start3A_1584 : memref<1x128xf32, #tpu.memory_space<vmem>> -> memref<128xf32, #tpu.memory_space<vmem>>
    %dma_start3A_1586 = arith.constant 0 : i32
    %dma_start3A_1587 = tpu.memref_slice %arg8[%dma_start3A_1581, %dma_start3A_1586] : memref<16x128xi32, #tpu.memory_space<vmem>> -> memref<1x128xi32, #tpu.memory_space<vmem>>
    %dma_start3A_1588 = tpu.memref_squeeze %dma_start3A_1587 : memref<1x128xi32, #tpu.memory_space<vmem>> -> memref<128xi32, #tpu.memory_space<vmem>>
    %dma_start3A_1589 = arith.constant 0 : i32
    %dma_start3A_1590 = tpu.memref_slice %arg2[%dma_start3A_1589] : memref<9437184xf32, #tpu.memory_space<hbm>> -> memref<9437184xf32, #tpu.memory_space<hbm>>
    tpu.enqueue_indirect_dma source(%dma_start3A_1590 : memref<9437184xf32, #tpu.memory_space<hbm>>) target(%dma_start3A_1585 : memref<128xf32, #tpu.memory_space<vmem>>) offsets(%dma_start3A_1588 : memref<128xi32, #tpu.memory_space<vmem>>) semaphore(%arg10 : memref<!tpu.dma_semaphore, #tpu.memory_space<semaphore_mem>>)
    %dma_start3A_1591 = arith.constant 12 : i32
    %dma_start3A_1592 = arith.constant 12 : i32
    %dma_start3A_1593 = arith.constant 0 : i32
    %dma_start3A_1594 = tpu.memref_slice %arg9[%dma_start3A_1592, %dma_start3A_1593] : memref<16x128xf32, #tpu.memory_space<vmem>> -> memref<1x128xf32, #tpu.memory_space<vmem>>
    %dma_start3A_1595 = tpu.memref_squeeze %dma_start3A_1594 : memref<1x128xf32, #tpu.memory_space<vmem>> -> memref<128xf32, #tpu.memory_space<vmem>>
    %dma_start3A_1596 = arith.constant 0 : i32
    %dma_start3A_1597 = tpu.memref_slice %arg8[%dma_start3A_1591, %dma_start3A_1596] : memref<16x128xi32, #tpu.memory_space<vmem>> -> memref<1x128xi32, #tpu.memory_space<vmem>>
    %dma_start3A_1598 = tpu.memref_squeeze %dma_start3A_1597 : memref<1x128xi32, #tpu.memory_space<vmem>> -> memref<128xi32, #tpu.memory_space<vmem>>
    %dma_start3A_1599 = arith.constant 0 : i32
    %dma_start3A_1600 = tpu.memref_slice %arg2[%dma_start3A_1599] : memref<9437184xf32, #tpu.memory_space<hbm>> -> memref<9437184xf32, #tpu.memory_space<hbm>>
    tpu.enqueue_indirect_dma source(%dma_start3A_1600 : memref<9437184xf32, #tpu.memory_space<hbm>>) target(%dma_start3A_1595 : memref<128xf32, #tpu.memory_space<vmem>>) offsets(%dma_start3A_1598 : memref<128xi32, #tpu.memory_space<vmem>>) semaphore(%arg10 : memref<!tpu.dma_semaphore, #tpu.memory_space<semaphore_mem>>)
    %dma_start3A_1601 = arith.constant 13 : i32
    %dma_start3A_1602 = arith.constant 13 : i32
    %dma_start3A_1603 = arith.constant 0 : i32
    %dma_start3A_1604 = tpu.memref_slice %arg9[%dma_start3A_1602, %dma_start3A_1603] : memref<16x128xf32, #tpu.memory_space<vmem>> -> memref<1x128xf32, #tpu.memory_space<vmem>>
    %dma_start3A_1605 = tpu.memref_squeeze %dma_start3A_1604 : memref<1x128xf32, #tpu.memory_space<vmem>> -> memref<128xf32, #tpu.memory_space<vmem>>
    %dma_start3A_1606 = arith.constant 0 : i32
    %dma_start3A_1607 = tpu.memref_slice %arg8[%dma_start3A_1601, %dma_start3A_1606] : memref<16x128xi32, #tpu.memory_space<vmem>> -> memref<1x128xi32, #tpu.memory_space<vmem>>
    %dma_start3A_1608 = tpu.memref_squeeze %dma_start3A_1607 : memref<1x128xi32, #tpu.memory_space<vmem>> -> memref<128xi32, #tpu.memory_space<vmem>>
    %dma_start3A_1609 = arith.constant 0 : i32
    %dma_start3A_1610 = tpu.memref_slice %arg2[%dma_start3A_1609] : memref<9437184xf32, #tpu.memory_space<hbm>> -> memref<9437184xf32, #tpu.memory_space<hbm>>
    tpu.enqueue_indirect_dma source(%dma_start3A_1610 : memref<9437184xf32, #tpu.memory_space<hbm>>) target(%dma_start3A_1605 : memref<128xf32, #tpu.memory_space<vmem>>) offsets(%dma_start3A_1608 : memref<128xi32, #tpu.memory_space<vmem>>) semaphore(%arg10 : memref<!tpu.dma_semaphore, #tpu.memory_space<semaphore_mem>>)
    %dma_start3A_1611 = arith.constant 14 : i32
    %dma_start3A_1612 = arith.constant 14 : i32
    %dma_start3A_1613 = arith.constant 0 : i32
    %dma_start3A_1614 = tpu.memref_slice %arg9[%dma_start3A_1612, %dma_start3A_1613] : memref<16x128xf32, #tpu.memory_space<vmem>> -> memref<1x128xf32, #tpu.memory_space<vmem>>
    %dma_start3A_1615 = tpu.memref_squeeze %dma_start3A_1614 : memref<1x128xf32, #tpu.memory_space<vmem>> -> memref<128xf32, #tpu.memory_space<vmem>>
    %dma_start3A_1616 = arith.constant 0 : i32
    %dma_start3A_1617 = tpu.memref_slice %arg8[%dma_start3A_1611, %dma_start3A_1616] : memref<16x128xi32, #tpu.memory_space<vmem>> -> memref<1x128xi32, #tpu.memory_space<vmem>>
    %dma_start3A_1618 = tpu.memref_squeeze %dma_start3A_1617 : memref<1x128xi32, #tpu.memory_space<vmem>> -> memref<128xi32, #tpu.memory_space<vmem>>
    %dma_start3A_1619 = arith.constant 0 : i32
    %dma_start3A_1620 = tpu.memref_slice %arg2[%dma_start3A_1619] : memref<9437184xf32, #tpu.memory_space<hbm>> -> memref<9437184xf32, #tpu.memory_space<hbm>>
    tpu.enqueue_indirect_dma source(%dma_start3A_1620 : memref<9437184xf32, #tpu.memory_space<hbm>>) target(%dma_start3A_1615 : memref<128xf32, #tpu.memory_space<vmem>>) offsets(%dma_start3A_1618 : memref<128xi32, #tpu.memory_space<vmem>>) semaphore(%arg10 : memref<!tpu.dma_semaphore, #tpu.memory_space<semaphore_mem>>)
    %dma_start3A_1621 = arith.constant 15 : i32
    %dma_start3A_1622 = arith.constant 15 : i32
    %dma_start3A_1623 = arith.constant 0 : i32
    %dma_start3A_1624 = tpu.memref_slice %arg9[%dma_start3A_1622, %dma_start3A_1623] : memref<16x128xf32, #tpu.memory_space<vmem>> -> memref<1x128xf32, #tpu.memory_space<vmem>>
    %dma_start3A_1625 = tpu.memref_squeeze %dma_start3A_1624 : memref<1x128xf32, #tpu.memory_space<vmem>> -> memref<128xf32, #tpu.memory_space<vmem>>
    %dma_start3A_1626 = arith.constant 0 : i32
    %dma_start3A_1627 = tpu.memref_slice %arg8[%dma_start3A_1621, %dma_start3A_1626] : memref<16x128xi32, #tpu.memory_space<vmem>> -> memref<1x128xi32, #tpu.memory_space<vmem>>
    %dma_start3A_1628 = tpu.memref_squeeze %dma_start3A_1627 : memref<1x128xi32, #tpu.memory_space<vmem>> -> memref<128xi32, #tpu.memory_space<vmem>>
    %dma_start3A_1629 = arith.constant 0 : i32
    %dma_start3A_1630 = tpu.memref_slice %arg2[%dma_start3A_1629] : memref<9437184xf32, #tpu.memory_space<hbm>> -> memref<9437184xf32, #tpu.memory_space<hbm>>
    tpu.enqueue_indirect_dma source(%dma_start3A_1630 : memref<9437184xf32, #tpu.memory_space<hbm>>) target(%dma_start3A_1625 : memref<128xf32, #tpu.memory_space<vmem>>) offsets(%dma_start3A_1628 : memref<128xi32, #tpu.memory_space<vmem>>) semaphore(%arg10 : memref<!tpu.dma_semaphore, #tpu.memory_space<semaphore_mem>>)
    %dma_wait3A = arith.constant 0 : i32
    %dma_wait3A_1631 = arith.constant 0 : i32
    %dma_wait3A_1632 = arith.constant 0 : i32
    %dma_wait3A_1633 = tpu.memref_slice %arg9[%dma_wait3A_1631, %dma_wait3A_1632] : memref<16x128xf32, #tpu.memory_space<vmem>> -> memref<1x128xf32, #tpu.memory_space<vmem>>
    %dma_wait3A_1634 = tpu.memref_squeeze %dma_wait3A_1633 : memref<1x128xf32, #tpu.memory_space<vmem>> -> memref<128xf32, #tpu.memory_space<vmem>>
    %dma_wait3A_1635 = arith.constant 0 : i32
    %dma_wait3A_1636 = tpu.memref_slice %arg8[%dma_wait3A, %dma_wait3A_1635] : memref<16x128xi32, #tpu.memory_space<vmem>> -> memref<1x128xi32, #tpu.memory_space<vmem>>
    %dma_wait3A_1637 = tpu.memref_squeeze %dma_wait3A_1636 : memref<1x128xi32, #tpu.memory_space<vmem>> -> memref<128xi32, #tpu.memory_space<vmem>>
    %dma_wait3A_1638 = arith.constant 0 : i32
    %dma_wait3A_1639 = tpu.memref_slice %arg2[%dma_wait3A_1638] : memref<9437184xf32, #tpu.memory_space<hbm>> -> memref<9437184xf32, #tpu.memory_space<hbm>>
    tpu.wait_indirect_dma semaphore(%arg10 : memref<!tpu.dma_semaphore, #tpu.memory_space<semaphore_mem>>) src(%dma_wait3A_1639 : memref<9437184xf32, #tpu.memory_space<hbm>>) dst(%dma_wait3A_1634 : memref<128xf32, #tpu.memory_space<vmem>>)
    %dma_wait3A_1640 = arith.constant 1 : i32
    %dma_wait3A_1641 = arith.constant 1 : i32
    %dma_wait3A_1642 = arith.constant 0 : i32
    %dma_wait3A_1643 = tpu.memref_slice %arg9[%dma_wait3A_1641, %dma_wait3A_1642] : memref<16x128xf32, #tpu.memory_space<vmem>> -> memref<1x128xf32, #tpu.memory_space<vmem>>
    %dma_wait3A_1644 = tpu.memref_squeeze %dma_wait3A_1643 : memref<1x128xf32, #tpu.memory_space<vmem>> -> memref<128xf32, #tpu.memory_space<vmem>>
    %dma_wait3A_1645 = arith.constant 0 : i32
    %dma_wait3A_1646 = tpu.memref_slice %arg8[%dma_wait3A_1640, %dma_wait3A_1645] : memref<16x128xi32, #tpu.memory_space<vmem>> -> memref<1x128xi32, #tpu.memory_space<vmem>>
    %dma_wait3A_1647 = tpu.memref_squeeze %dma_wait3A_1646 : memref<1x128xi32, #tpu.memory_space<vmem>> -> memref<128xi32, #tpu.memory_space<vmem>>
    %dma_wait3A_1648 = arith.constant 0 : i32
    %dma_wait3A_1649 = tpu.memref_slice %arg2[%dma_wait3A_1648] : memref<9437184xf32, #tpu.memory_space<hbm>> -> memref<9437184xf32, #tpu.memory_space<hbm>>
    tpu.wait_indirect_dma semaphore(%arg10 : memref<!tpu.dma_semaphore, #tpu.memory_space<semaphore_mem>>) src(%dma_wait3A_1649 : memref<9437184xf32, #tpu.memory_space<hbm>>) dst(%dma_wait3A_1644 : memref<128xf32, #tpu.memory_space<vmem>>)
    %dma_wait3A_1650 = arith.constant 2 : i32
    %dma_wait3A_1651 = arith.constant 2 : i32
    %dma_wait3A_1652 = arith.constant 0 : i32
    %dma_wait3A_1653 = tpu.memref_slice %arg9[%dma_wait3A_1651, %dma_wait3A_1652] : memref<16x128xf32, #tpu.memory_space<vmem>> -> memref<1x128xf32, #tpu.memory_space<vmem>>
    %dma_wait3A_1654 = tpu.memref_squeeze %dma_wait3A_1653 : memref<1x128xf32, #tpu.memory_space<vmem>> -> memref<128xf32, #tpu.memory_space<vmem>>
    %dma_wait3A_1655 = arith.constant 0 : i32
    %dma_wait3A_1656 = tpu.memref_slice %arg8[%dma_wait3A_1650, %dma_wait3A_1655] : memref<16x128xi32, #tpu.memory_space<vmem>> -> memref<1x128xi32, #tpu.memory_space<vmem>>
    %dma_wait3A_1657 = tpu.memref_squeeze %dma_wait3A_1656 : memref<1x128xi32, #tpu.memory_space<vmem>> -> memref<128xi32, #tpu.memory_space<vmem>>
    %dma_wait3A_1658 = arith.constant 0 : i32
    %dma_wait3A_1659 = tpu.memref_slice %arg2[%dma_wait3A_1658] : memref<9437184xf32, #tpu.memory_space<hbm>> -> memref<9437184xf32, #tpu.memory_space<hbm>>
    tpu.wait_indirect_dma semaphore(%arg10 : memref<!tpu.dma_semaphore, #tpu.memory_space<semaphore_mem>>) src(%dma_wait3A_1659 : memref<9437184xf32, #tpu.memory_space<hbm>>) dst(%dma_wait3A_1654 : memref<128xf32, #tpu.memory_space<vmem>>)
    %dma_wait3A_1660 = arith.constant 3 : i32
    %dma_wait3A_1661 = arith.constant 3 : i32
    %dma_wait3A_1662 = arith.constant 0 : i32
    %dma_wait3A_1663 = tpu.memref_slice %arg9[%dma_wait3A_1661, %dma_wait3A_1662] : memref<16x128xf32, #tpu.memory_space<vmem>> -> memref<1x128xf32, #tpu.memory_space<vmem>>
    %dma_wait3A_1664 = tpu.memref_squeeze %dma_wait3A_1663 : memref<1x128xf32, #tpu.memory_space<vmem>> -> memref<128xf32, #tpu.memory_space<vmem>>
    %dma_wait3A_1665 = arith.constant 0 : i32
    %dma_wait3A_1666 = tpu.memref_slice %arg8[%dma_wait3A_1660, %dma_wait3A_1665] : memref<16x128xi32, #tpu.memory_space<vmem>> -> memref<1x128xi32, #tpu.memory_space<vmem>>
    %dma_wait3A_1667 = tpu.memref_squeeze %dma_wait3A_1666 : memref<1x128xi32, #tpu.memory_space<vmem>> -> memref<128xi32, #tpu.memory_space<vmem>>
    %dma_wait3A_1668 = arith.constant 0 : i32
    %dma_wait3A_1669 = tpu.memref_slice %arg2[%dma_wait3A_1668] : memref<9437184xf32, #tpu.memory_space<hbm>> -> memref<9437184xf32, #tpu.memory_space<hbm>>
    tpu.wait_indirect_dma semaphore(%arg10 : memref<!tpu.dma_semaphore, #tpu.memory_space<semaphore_mem>>) src(%dma_wait3A_1669 : memref<9437184xf32, #tpu.memory_space<hbm>>) dst(%dma_wait3A_1664 : memref<128xf32, #tpu.memory_space<vmem>>)
    %dma_wait3A_1670 = arith.constant 4 : i32
    %dma_wait3A_1671 = arith.constant 4 : i32
    %dma_wait3A_1672 = arith.constant 0 : i32
    %dma_wait3A_1673 = tpu.memref_slice %arg9[%dma_wait3A_1671, %dma_wait3A_1672] : memref<16x128xf32, #tpu.memory_space<vmem>> -> memref<1x128xf32, #tpu.memory_space<vmem>>
    %dma_wait3A_1674 = tpu.memref_squeeze %dma_wait3A_1673 : memref<1x128xf32, #tpu.memory_space<vmem>> -> memref<128xf32, #tpu.memory_space<vmem>>
    %dma_wait3A_1675 = arith.constant 0 : i32
    %dma_wait3A_1676 = tpu.memref_slice %arg8[%dma_wait3A_1670, %dma_wait3A_1675] : memref<16x128xi32, #tpu.memory_space<vmem>> -> memref<1x128xi32, #tpu.memory_space<vmem>>
    %dma_wait3A_1677 = tpu.memref_squeeze %dma_wait3A_1676 : memref<1x128xi32, #tpu.memory_space<vmem>> -> memref<128xi32, #tpu.memory_space<vmem>>
    %dma_wait3A_1678 = arith.constant 0 : i32
    %dma_wait3A_1679 = tpu.memref_slice %arg2[%dma_wait3A_1678] : memref<9437184xf32, #tpu.memory_space<hbm>> -> memref<9437184xf32, #tpu.memory_space<hbm>>
    tpu.wait_indirect_dma semaphore(%arg10 : memref<!tpu.dma_semaphore, #tpu.memory_space<semaphore_mem>>) src(%dma_wait3A_1679 : memref<9437184xf32, #tpu.memory_space<hbm>>) dst(%dma_wait3A_1674 : memref<128xf32, #tpu.memory_space<vmem>>)
    %dma_wait3A_1680 = arith.constant 5 : i32
    %dma_wait3A_1681 = arith.constant 5 : i32
    %dma_wait3A_1682 = arith.constant 0 : i32
    %dma_wait3A_1683 = tpu.memref_slice %arg9[%dma_wait3A_1681, %dma_wait3A_1682] : memref<16x128xf32, #tpu.memory_space<vmem>> -> memref<1x128xf32, #tpu.memory_space<vmem>>
    %dma_wait3A_1684 = tpu.memref_squeeze %dma_wait3A_1683 : memref<1x128xf32, #tpu.memory_space<vmem>> -> memref<128xf32, #tpu.memory_space<vmem>>
    %dma_wait3A_1685 = arith.constant 0 : i32
    %dma_wait3A_1686 = tpu.memref_slice %arg8[%dma_wait3A_1680, %dma_wait3A_1685] : memref<16x128xi32, #tpu.memory_space<vmem>> -> memref<1x128xi32, #tpu.memory_space<vmem>>
    %dma_wait3A_1687 = tpu.memref_squeeze %dma_wait3A_1686 : memref<1x128xi32, #tpu.memory_space<vmem>> -> memref<128xi32, #tpu.memory_space<vmem>>
    %dma_wait3A_1688 = arith.constant 0 : i32
    %dma_wait3A_1689 = tpu.memref_slice %arg2[%dma_wait3A_1688] : memref<9437184xf32, #tpu.memory_space<hbm>> -> memref<9437184xf32, #tpu.memory_space<hbm>>
    tpu.wait_indirect_dma semaphore(%arg10 : memref<!tpu.dma_semaphore, #tpu.memory_space<semaphore_mem>>) src(%dma_wait3A_1689 : memref<9437184xf32, #tpu.memory_space<hbm>>) dst(%dma_wait3A_1684 : memref<128xf32, #tpu.memory_space<vmem>>)
    %dma_wait3A_1690 = arith.constant 6 : i32
    %dma_wait3A_1691 = arith.constant 6 : i32
    %dma_wait3A_1692 = arith.constant 0 : i32
    %dma_wait3A_1693 = tpu.memref_slice %arg9[%dma_wait3A_1691, %dma_wait3A_1692] : memref<16x128xf32, #tpu.memory_space<vmem>> -> memref<1x128xf32, #tpu.memory_space<vmem>>
    %dma_wait3A_1694 = tpu.memref_squeeze %dma_wait3A_1693 : memref<1x128xf32, #tpu.memory_space<vmem>> -> memref<128xf32, #tpu.memory_space<vmem>>
    %dma_wait3A_1695 = arith.constant 0 : i32
    %dma_wait3A_1696 = tpu.memref_slice %arg8[%dma_wait3A_1690, %dma_wait3A_1695] : memref<16x128xi32, #tpu.memory_space<vmem>> -> memref<1x128xi32, #tpu.memory_space<vmem>>
    %dma_wait3A_1697 = tpu.memref_squeeze %dma_wait3A_1696 : memref<1x128xi32, #tpu.memory_space<vmem>> -> memref<128xi32, #tpu.memory_space<vmem>>
    %dma_wait3A_1698 = arith.constant 0 : i32
    %dma_wait3A_1699 = tpu.memref_slice %arg2[%dma_wait3A_1698] : memref<9437184xf32, #tpu.memory_space<hbm>> -> memref<9437184xf32, #tpu.memory_space<hbm>>
    tpu.wait_indirect_dma semaphore(%arg10 : memref<!tpu.dma_semaphore, #tpu.memory_space<semaphore_mem>>) src(%dma_wait3A_1699 : memref<9437184xf32, #tpu.memory_space<hbm>>) dst(%dma_wait3A_1694 : memref<128xf32, #tpu.memory_space<vmem>>)
    %dma_wait3A_1700 = arith.constant 7 : i32
    %dma_wait3A_1701 = arith.constant 7 : i32
    %dma_wait3A_1702 = arith.constant 0 : i32
    %dma_wait3A_1703 = tpu.memref_slice %arg9[%dma_wait3A_1701, %dma_wait3A_1702] : memref<16x128xf32, #tpu.memory_space<vmem>> -> memref<1x128xf32, #tpu.memory_space<vmem>>
    %dma_wait3A_1704 = tpu.memref_squeeze %dma_wait3A_1703 : memref<1x128xf32, #tpu.memory_space<vmem>> -> memref<128xf32, #tpu.memory_space<vmem>>
    %dma_wait3A_1705 = arith.constant 0 : i32
    %dma_wait3A_1706 = tpu.memref_slice %arg8[%dma_wait3A_1700, %dma_wait3A_1705] : memref<16x128xi32, #tpu.memory_space<vmem>> -> memref<1x128xi32, #tpu.memory_space<vmem>>
    %dma_wait3A_1707 = tpu.memref_squeeze %dma_wait3A_1706 : memref<1x128xi32, #tpu.memory_space<vmem>> -> memref<128xi32, #tpu.memory_space<vmem>>
    %dma_wait3A_1708 = arith.constant 0 : i32
    %dma_wait3A_1709 = tpu.memref_slice %arg2[%dma_wait3A_1708] : memref<9437184xf32, #tpu.memory_space<hbm>> -> memref<9437184xf32, #tpu.memory_space<hbm>>
    tpu.wait_indirect_dma semaphore(%arg10 : memref<!tpu.dma_semaphore, #tpu.memory_space<semaphore_mem>>) src(%dma_wait3A_1709 : memref<9437184xf32, #tpu.memory_space<hbm>>) dst(%dma_wait3A_1704 : memref<128xf32, #tpu.memory_space<vmem>>)
    %dma_wait3A_1710 = arith.constant 8 : i32
    %dma_wait3A_1711 = arith.constant 8 : i32
    %dma_wait3A_1712 = arith.constant 0 : i32
    %dma_wait3A_1713 = tpu.memref_slice %arg9[%dma_wait3A_1711, %dma_wait3A_1712] : memref<16x128xf32, #tpu.memory_space<vmem>> -> memref<1x128xf32, #tpu.memory_space<vmem>>
    %dma_wait3A_1714 = tpu.memref_squeeze %dma_wait3A_1713 : memref<1x128xf32, #tpu.memory_space<vmem>> -> memref<128xf32, #tpu.memory_space<vmem>>
    %dma_wait3A_1715 = arith.constant 0 : i32
    %dma_wait3A_1716 = tpu.memref_slice %arg8[%dma_wait3A_1710, %dma_wait3A_1715] : memref<16x128xi32, #tpu.memory_space<vmem>> -> memref<1x128xi32, #tpu.memory_space<vmem>>
    %dma_wait3A_1717 = tpu.memref_squeeze %dma_wait3A_1716 : memref<1x128xi32, #tpu.memory_space<vmem>> -> memref<128xi32, #tpu.memory_space<vmem>>
    %dma_wait3A_1718 = arith.constant 0 : i32
    %dma_wait3A_1719 = tpu.memref_slice %arg2[%dma_wait3A_1718] : memref<9437184xf32, #tpu.memory_space<hbm>> -> memref<9437184xf32, #tpu.memory_space<hbm>>
    tpu.wait_indirect_dma semaphore(%arg10 : memref<!tpu.dma_semaphore, #tpu.memory_space<semaphore_mem>>) src(%dma_wait3A_1719 : memref<9437184xf32, #tpu.memory_space<hbm>>) dst(%dma_wait3A_1714 : memref<128xf32, #tpu.memory_space<vmem>>)
    %dma_wait3A_1720 = arith.constant 9 : i32
    %dma_wait3A_1721 = arith.constant 9 : i32
    %dma_wait3A_1722 = arith.constant 0 : i32
    %dma_wait3A_1723 = tpu.memref_slice %arg9[%dma_wait3A_1721, %dma_wait3A_1722] : memref<16x128xf32, #tpu.memory_space<vmem>> -> memref<1x128xf32, #tpu.memory_space<vmem>>
    %dma_wait3A_1724 = tpu.memref_squeeze %dma_wait3A_1723 : memref<1x128xf32, #tpu.memory_space<vmem>> -> memref<128xf32, #tpu.memory_space<vmem>>
    %dma_wait3A_1725 = arith.constant 0 : i32
    %dma_wait3A_1726 = tpu.memref_slice %arg8[%dma_wait3A_1720, %dma_wait3A_1725] : memref<16x128xi32, #tpu.memory_space<vmem>> -> memref<1x128xi32, #tpu.memory_space<vmem>>
    %dma_wait3A_1727 = tpu.memref_squeeze %dma_wait3A_1726 : memref<1x128xi32, #tpu.memory_space<vmem>> -> memref<128xi32, #tpu.memory_space<vmem>>
    %dma_wait3A_1728 = arith.constant 0 : i32
    %dma_wait3A_1729 = tpu.memref_slice %arg2[%dma_wait3A_1728] : memref<9437184xf32, #tpu.memory_space<hbm>> -> memref<9437184xf32, #tpu.memory_space<hbm>>
    tpu.wait_indirect_dma semaphore(%arg10 : memref<!tpu.dma_semaphore, #tpu.memory_space<semaphore_mem>>) src(%dma_wait3A_1729 : memref<9437184xf32, #tpu.memory_space<hbm>>) dst(%dma_wait3A_1724 : memref<128xf32, #tpu.memory_space<vmem>>)
    %dma_wait3A_1730 = arith.constant 10 : i32
    %dma_wait3A_1731 = arith.constant 10 : i32
    %dma_wait3A_1732 = arith.constant 0 : i32
    %dma_wait3A_1733 = tpu.memref_slice %arg9[%dma_wait3A_1731, %dma_wait3A_1732] : memref<16x128xf32, #tpu.memory_space<vmem>> -> memref<1x128xf32, #tpu.memory_space<vmem>>
    %dma_wait3A_1734 = tpu.memref_squeeze %dma_wait3A_1733 : memref<1x128xf32, #tpu.memory_space<vmem>> -> memref<128xf32, #tpu.memory_space<vmem>>
    %dma_wait3A_1735 = arith.constant 0 : i32
    %dma_wait3A_1736 = tpu.memref_slice %arg8[%dma_wait3A_1730, %dma_wait3A_1735] : memref<16x128xi32, #tpu.memory_space<vmem>> -> memref<1x128xi32, #tpu.memory_space<vmem>>
    %dma_wait3A_1737 = tpu.memref_squeeze %dma_wait3A_1736 : memref<1x128xi32, #tpu.memory_space<vmem>> -> memref<128xi32, #tpu.memory_space<vmem>>
    %dma_wait3A_1738 = arith.constant 0 : i32
    %dma_wait3A_1739 = tpu.memref_slice %arg2[%dma_wait3A_1738] : memref<9437184xf32, #tpu.memory_space<hbm>> -> memref<9437184xf32, #tpu.memory_space<hbm>>
    tpu.wait_indirect_dma semaphore(%arg10 : memref<!tpu.dma_semaphore, #tpu.memory_space<semaphore_mem>>) src(%dma_wait3A_1739 : memref<9437184xf32, #tpu.memory_space<hbm>>) dst(%dma_wait3A_1734 : memref<128xf32, #tpu.memory_space<vmem>>)
    %dma_wait3A_1740 = arith.constant 11 : i32
    %dma_wait3A_1741 = arith.constant 11 : i32
    %dma_wait3A_1742 = arith.constant 0 : i32
    %dma_wait3A_1743 = tpu.memref_slice %arg9[%dma_wait3A_1741, %dma_wait3A_1742] : memref<16x128xf32, #tpu.memory_space<vmem>> -> memref<1x128xf32, #tpu.memory_space<vmem>>
    %dma_wait3A_1744 = tpu.memref_squeeze %dma_wait3A_1743 : memref<1x128xf32, #tpu.memory_space<vmem>> -> memref<128xf32, #tpu.memory_space<vmem>>
    %dma_wait3A_1745 = arith.constant 0 : i32
    %dma_wait3A_1746 = tpu.memref_slice %arg8[%dma_wait3A_1740, %dma_wait3A_1745] : memref<16x128xi32, #tpu.memory_space<vmem>> -> memref<1x128xi32, #tpu.memory_space<vmem>>
    %dma_wait3A_1747 = tpu.memref_squeeze %dma_wait3A_1746 : memref<1x128xi32, #tpu.memory_space<vmem>> -> memref<128xi32, #tpu.memory_space<vmem>>
    %dma_wait3A_1748 = arith.constant 0 : i32
    %dma_wait3A_1749 = tpu.memref_slice %arg2[%dma_wait3A_1748] : memref<9437184xf32, #tpu.memory_space<hbm>> -> memref<9437184xf32, #tpu.memory_space<hbm>>
    tpu.wait_indirect_dma semaphore(%arg10 : memref<!tpu.dma_semaphore, #tpu.memory_space<semaphore_mem>>) src(%dma_wait3A_1749 : memref<9437184xf32, #tpu.memory_space<hbm>>) dst(%dma_wait3A_1744 : memref<128xf32, #tpu.memory_space<vmem>>)
    %dma_wait3A_1750 = arith.constant 12 : i32
    %dma_wait3A_1751 = arith.constant 12 : i32
    %dma_wait3A_1752 = arith.constant 0 : i32
    %dma_wait3A_1753 = tpu.memref_slice %arg9[%dma_wait3A_1751, %dma_wait3A_1752] : memref<16x128xf32, #tpu.memory_space<vmem>> -> memref<1x128xf32, #tpu.memory_space<vmem>>
    %dma_wait3A_1754 = tpu.memref_squeeze %dma_wait3A_1753 : memref<1x128xf32, #tpu.memory_space<vmem>> -> memref<128xf32, #tpu.memory_space<vmem>>
    %dma_wait3A_1755 = arith.constant 0 : i32
    %dma_wait3A_1756 = tpu.memref_slice %arg8[%dma_wait3A_1750, %dma_wait3A_1755] : memref<16x128xi32, #tpu.memory_space<vmem>> -> memref<1x128xi32, #tpu.memory_space<vmem>>
    %dma_wait3A_1757 = tpu.memref_squeeze %dma_wait3A_1756 : memref<1x128xi32, #tpu.memory_space<vmem>> -> memref<128xi32, #tpu.memory_space<vmem>>
    %dma_wait3A_1758 = arith.constant 0 : i32
    %dma_wait3A_1759 = tpu.memref_slice %arg2[%dma_wait3A_1758] : memref<9437184xf32, #tpu.memory_space<hbm>> -> memref<9437184xf32, #tpu.memory_space<hbm>>
    tpu.wait_indirect_dma semaphore(%arg10 : memref<!tpu.dma_semaphore, #tpu.memory_space<semaphore_mem>>) src(%dma_wait3A_1759 : memref<9437184xf32, #tpu.memory_space<hbm>>) dst(%dma_wait3A_1754 : memref<128xf32, #tpu.memory_space<vmem>>)
    %dma_wait3A_1760 = arith.constant 13 : i32
    %dma_wait3A_1761 = arith.constant 13 : i32
    %dma_wait3A_1762 = arith.constant 0 : i32
    %dma_wait3A_1763 = tpu.memref_slice %arg9[%dma_wait3A_1761, %dma_wait3A_1762] : memref<16x128xf32, #tpu.memory_space<vmem>> -> memref<1x128xf32, #tpu.memory_space<vmem>>
    %dma_wait3A_1764 = tpu.memref_squeeze %dma_wait3A_1763 : memref<1x128xf32, #tpu.memory_space<vmem>> -> memref<128xf32, #tpu.memory_space<vmem>>
    %dma_wait3A_1765 = arith.constant 0 : i32
    %dma_wait3A_1766 = tpu.memref_slice %arg8[%dma_wait3A_1760, %dma_wait3A_1765] : memref<16x128xi32, #tpu.memory_space<vmem>> -> memref<1x128xi32, #tpu.memory_space<vmem>>
    %dma_wait3A_1767 = tpu.memref_squeeze %dma_wait3A_1766 : memref<1x128xi32, #tpu.memory_space<vmem>> -> memref<128xi32, #tpu.memory_space<vmem>>
    %dma_wait3A_1768 = arith.constant 0 : i32
    %dma_wait3A_1769 = tpu.memref_slice %arg2[%dma_wait3A_1768] : memref<9437184xf32, #tpu.memory_space<hbm>> -> memref<9437184xf32, #tpu.memory_space<hbm>>
    tpu.wait_indirect_dma semaphore(%arg10 : memref<!tpu.dma_semaphore, #tpu.memory_space<semaphore_mem>>) src(%dma_wait3A_1769 : memref<9437184xf32, #tpu.memory_space<hbm>>) dst(%dma_wait3A_1764 : memref<128xf32, #tpu.memory_space<vmem>>)
    %dma_wait3A_1770 = arith.constant 14 : i32
    %dma_wait3A_1771 = arith.constant 14 : i32
    %dma_wait3A_1772 = arith.constant 0 : i32
    %dma_wait3A_1773 = tpu.memref_slice %arg9[%dma_wait3A_1771, %dma_wait3A_1772] : memref<16x128xf32, #tpu.memory_space<vmem>> -> memref<1x128xf32, #tpu.memory_space<vmem>>
    %dma_wait3A_1774 = tpu.memref_squeeze %dma_wait3A_1773 : memref<1x128xf32, #tpu.memory_space<vmem>> -> memref<128xf32, #tpu.memory_space<vmem>>
    %dma_wait3A_1775 = arith.constant 0 : i32
    %dma_wait3A_1776 = tpu.memref_slice %arg8[%dma_wait3A_1770, %dma_wait3A_1775] : memref<16x128xi32, #tpu.memory_space<vmem>> -> memref<1x128xi32, #tpu.memory_space<vmem>>
    %dma_wait3A_1777 = tpu.memref_squeeze %dma_wait3A_1776 : memref<1x128xi32, #tpu.memory_space<vmem>> -> memref<128xi32, #tpu.memory_space<vmem>>
    %dma_wait3A_1778 = arith.constant 0 : i32
    %dma_wait3A_1779 = tpu.memref_slice %arg2[%dma_wait3A_1778] : memref<9437184xf32, #tpu.memory_space<hbm>> -> memref<9437184xf32, #tpu.memory_space<hbm>>
    tpu.wait_indirect_dma semaphore(%arg10 : memref<!tpu.dma_semaphore, #tpu.memory_space<semaphore_mem>>) src(%dma_wait3A_1779 : memref<9437184xf32, #tpu.memory_space<hbm>>) dst(%dma_wait3A_1774 : memref<128xf32, #tpu.memory_space<vmem>>)
    %dma_wait3A_1780 = arith.constant 15 : i32
    %dma_wait3A_1781 = arith.constant 15 : i32
    %dma_wait3A_1782 = arith.constant 0 : i32
    %dma_wait3A_1783 = tpu.memref_slice %arg9[%dma_wait3A_1781, %dma_wait3A_1782] : memref<16x128xf32, #tpu.memory_space<vmem>> -> memref<1x128xf32, #tpu.memory_space<vmem>>
    %dma_wait3A_1784 = tpu.memref_squeeze %dma_wait3A_1783 : memref<1x128xf32, #tpu.memory_space<vmem>> -> memref<128xf32, #tpu.memory_space<vmem>>
    %dma_wait3A_1785 = arith.constant 0 : i32
    %dma_wait3A_1786 = tpu.memref_slice %arg8[%dma_wait3A_1780, %dma_wait3A_1785] : memref<16x128xi32, #tpu.memory_space<vmem>> -> memref<1x128xi32, #tpu.memory_space<vmem>>
    %dma_wait3A_1787 = tpu.memref_squeeze %dma_wait3A_1786 : memref<1x128xi32, #tpu.memory_space<vmem>> -> memref<128xi32, #tpu.memory_space<vmem>>
    %dma_wait3A_1788 = arith.constant 0 : i32
    %dma_wait3A_1789 = tpu.memref_slice %arg2[%dma_wait3A_1788] : memref<9437184xf32, #tpu.memory_space<hbm>> -> memref<9437184xf32, #tpu.memory_space<hbm>>
    tpu.wait_indirect_dma semaphore(%arg10 : memref<!tpu.dma_semaphore, #tpu.memory_space<semaphore_mem>>) src(%dma_wait3A_1789 : memref<9437184xf32, #tpu.memory_space<hbm>>) dst(%dma_wait3A_1784 : memref<128xf32, #tpu.memory_space<vmem>>)
    "tpu.region"() ({
      %run_scoped3A_1790 = tpu.sem_alloc : memref<!tpu.dma_semaphore, #tpu.memory_space<semaphore_mem>>
      %dma_start3A_1791 = arith.constant 0 : i32
      %dma_start3A_1792 = arith.constant 0 : i32
      %dma_start3A_1793 = tpu.memref_slice %arg5[%select_n3A, %sub3A_19, %dma_start3A_1791, %dma_start3A_1792] : memref<8x4x16x128xf32, #tpu.memory_space<hbm>> -> memref<1x1x16x128xf32, #tpu.memory_space<hbm>>
      %dma_start3A_1794 = tpu.memref_squeeze %dma_start3A_1793 : memref<1x1x16x128xf32, #tpu.memory_space<hbm>> -> memref<16x128xf32, #tpu.memory_space<hbm>>
      %dma_start3A_1795 = arith.constant 0 : i32
      %dma_start3A_1796 = arith.constant 0 : i32
      %dma_start3A_1797 = tpu.memref_slice %arg5[%select_n3A, %sub3A_19, %dma_start3A_1795, %dma_start3A_1796] : memref<8x4x16x128xf32, #tpu.memory_space<hbm>> -> memref<1x1x16x128xf32, #tpu.memory_space<hbm>>
      %dma_start3A_1798 = tpu.memref_squeeze %dma_start3A_1797 : memref<1x1x16x128xf32, #tpu.memory_space<hbm>> -> memref<16x128xf32, #tpu.memory_space<hbm>>
      tpu.enqueue_dma source(%arg9 : memref<16x128xf32, #tpu.memory_space<vmem>>) target(%dma_start3A_1798 : memref<16x128xf32, #tpu.memory_space<hbm>>) target_semaphore(%run_scoped3A_1790 : memref<!tpu.dma_semaphore, #tpu.memory_space<semaphore_mem>>)
      %dma_wait3A_1799 = arith.constant 0 : i32
      %dma_wait3A_1800 = arith.constant 0 : i32
      %dma_wait3A_1801 = tpu.memref_slice %arg5[%select_n3A, %sub3A_19, %dma_wait3A_1799, %dma_wait3A_1800] : memref<8x4x16x128xf32, #tpu.memory_space<hbm>> -> memref<1x1x16x128xf32, #tpu.memory_space<hbm>>
      %dma_wait3A_1802 = tpu.memref_squeeze %dma_wait3A_1801 : memref<1x1x16x128xf32, #tpu.memory_space<hbm>> -> memref<16x128xf32, #tpu.memory_space<hbm>>
      %dma_wait3A_1803 = arith.constant 0 : i32
      %dma_wait3A_1804 = arith.constant 0 : i32
      %dma_wait3A_1805 = tpu.memref_slice %arg5[%select_n3A, %sub3A_19, %dma_wait3A_1803, %dma_wait3A_1804] : memref<8x4x16x128xf32, #tpu.memory_space<hbm>> -> memref<1x1x16x128xf32, #tpu.memory_space<hbm>>
      %dma_wait3A_1806 = tpu.memref_squeeze %dma_wait3A_1805 : memref<1x1x16x128xf32, #tpu.memory_space<hbm>> -> memref<16x128xf32, #tpu.memory_space<hbm>>
      tpu.wait_dma2 semaphore(%run_scoped3A_1790 : memref<!tpu.dma_semaphore, #tpu.memory_space<semaphore_mem>>) src(%arg9 : memref<16x128xf32, #tpu.memory_space<vmem>>) dst(%dma_wait3A_1806 : memref<16x128xf32, #tpu.memory_space<hbm>>)
      tpu.yield
    }) : () -> ()
    return
  }
}

module attributes {stable_mosaic.version = 14 : i64} {
  func.func @_detect_select_body(%arg0: i32, %arg1: memref<1x1x384x384xf32, #tpu.memory_space<vmem>>, %arg2: memref<8x1x128xi32, #tpu.memory_space<vmem>>, %arg3: memref<8x384x384xf32, #tpu.memory_space<vmem>>, %arg4: memref<8x1152xf32, #tpu.memory_space<vmem>>) attributes {dimension_semantics = [#tpu.dimension_semantics<arbitrary>], iteration_bounds = array<i64: 9>, scalar_prefetch = 0 : i64, scratch_operands = 2 : i64, tpu.core_type = #tpu.core_type<tc>, window_params = [{transform_indices = @transform_0, window_bounds = array<i64: 1, 1, 384, 384>}, {pipeline_mode = #tpu.pipeline_mode<synchronous>, transform_indices = @transform_1, window_bounds = array<i64: 8, 1, 128>}]} {
    %lt3A = arith.constant 8 : i32
    %lt3A_0 = arith.cmpi slt, %arg0, %lt3A : i32
    %convert_element_type3A = arith.extui %lt3A_0 : i1 to i32
    %cond3A = arith.constant 0 : i32
    %cond3A_1 = arith.cmpi ne, %convert_element_type3A, %cond3A : i32
    scf.if %cond3A_1 {
      %get3A = arith.constant 0 : index
      %get3A_6 = arith.constant 0 : index
      %get3A_7 = arith.constant 0 : index
      %get3A_8 = arith.constant 0 : index
      %get3A_9 = vector.load %arg1[%get3A, %get3A_6, %get3A_7, %get3A_8] : memref<1x1x384x384xf32, #tpu.memory_space<vmem>>, vector<1x1x384x384xf32>
      %get3A_10 = vector.shape_cast %get3A_9 : vector<1x1x384x384xf32> to vector<384x384xf32>
      %broadcast_in_dim3A = arith.constant 0xFF800000 : f32
      %broadcast_in_dim3A_11 = vector.broadcast %broadcast_in_dim3A : f32 to vector<384x4xf32>
      %broadcast_in_dim3A_12 = arith.constant 0xFF800000 : f32
      %broadcast_in_dim3A_13 = vector.broadcast %broadcast_in_dim3A_12 : f32 to vector<384x3xf32>
      %concatenate3A = tpu.concatenate %broadcast_in_dim3A_11, %get3A_10, %broadcast_in_dim3A_13 in 1 : vector<384x4xf32>, vector<384x384xf32>, vector<384x3xf32> -> vector<384x391xf32>
      %slice3A = vector.extract_strided_slice %concatenate3A {offsets = [0, 0], sizes = [384, 390], strides = [1, 1]} : vector<384x391xf32> to vector<384x390xf32>
      %slice3A_14 = vector.extract_strided_slice %concatenate3A {offsets = [0, 1], sizes = [384, 390], strides = [1, 1]} : vector<384x391xf32> to vector<384x390xf32>
      %max3A = arith.maximumf %slice3A, %slice3A_14 : vector<384x390xf32>
      %slice3A_15 = vector.extract_strided_slice %max3A {offsets = [0, 0], sizes = [384, 388], strides = [1, 1]} : vector<384x390xf32> to vector<384x388xf32>
      %slice3A_16 = vector.extract_strided_slice %max3A {offsets = [0, 2], sizes = [384, 388], strides = [1, 1]} : vector<384x390xf32> to vector<384x388xf32>
      %max3A_17 = arith.maximumf %slice3A_15, %slice3A_16 : vector<384x388xf32>
      %slice3A_18 = vector.extract_strided_slice %max3A_17 {offsets = [0, 0], sizes = [384, 384], strides = [1, 1]} : vector<384x388xf32> to vector<384x384xf32>
      %slice3A_19 = vector.extract_strided_slice %max3A_17 {offsets = [0, 4], sizes = [384, 384], strides = [1, 1]} : vector<384x388xf32> to vector<384x384xf32>
      %max3A_20 = arith.maximumf %slice3A_18, %slice3A_19 : vector<384x384xf32>
      %broadcast_in_dim3A_21 = arith.constant 0xFF800000 : f32
      %broadcast_in_dim3A_22 = vector.broadcast %broadcast_in_dim3A_21 : f32 to vector<4x384xf32>
      %broadcast_in_dim3A_23 = arith.constant 0xFF800000 : f32
      %broadcast_in_dim3A_24 = vector.broadcast %broadcast_in_dim3A_23 : f32 to vector<3x384xf32>
      %concatenate3A_25 = tpu.concatenate %broadcast_in_dim3A_22, %max3A_20, %broadcast_in_dim3A_24 in 0 : vector<4x384xf32>, vector<384x384xf32>, vector<3x384xf32> -> vector<391x384xf32>
      %slice3A_26 = vector.extract_strided_slice %concatenate3A_25 {offsets = [0, 0], sizes = [390, 384], strides = [1, 1]} : vector<391x384xf32> to vector<390x384xf32>
      %slice3A_27 = vector.extract_strided_slice %concatenate3A_25 {offsets = [1, 0], sizes = [390, 384], strides = [1, 1]} : vector<391x384xf32> to vector<390x384xf32>
      %max3A_28 = arith.maximumf %slice3A_26, %slice3A_27 : vector<390x384xf32>
      %slice3A_29 = vector.extract_strided_slice %max3A_28 {offsets = [0, 0], sizes = [388, 384], strides = [1, 1]} : vector<390x384xf32> to vector<388x384xf32>
      %slice3A_30 = vector.extract_strided_slice %max3A_28 {offsets = [2, 0], sizes = [388, 384], strides = [1, 1]} : vector<390x384xf32> to vector<388x384xf32>
      %max3A_31 = arith.maximumf %slice3A_29, %slice3A_30 : vector<388x384xf32>
      %slice3A_32 = vector.extract_strided_slice %max3A_31 {offsets = [0, 0], sizes = [384, 384], strides = [1, 1]} : vector<388x384xf32> to vector<384x384xf32>
      %slice3A_33 = vector.extract_strided_slice %max3A_31 {offsets = [4, 0], sizes = [384, 384], strides = [1, 1]} : vector<388x384xf32> to vector<384x384xf32>
      %max3A_34 = arith.maximumf %slice3A_32, %slice3A_33 : vector<384x384xf32>
      %gt3A = arith.constant 3.000000e-01 : f32
      %gt3A_35 = vector.broadcast %gt3A : f32 to vector<384x384xf32>
      %gt3A_36 = arith.cmpf ogt, %get3A_10, %gt3A_35 : vector<384x384xf32>
      %eq3A_37 = arith.cmpf oeq, %max3A_34, %get3A_10 : vector<384x384xf32>
      %and3A = arith.andi %gt3A_36, %eq3A_37 : vector<384x384xi1>
      %jit3A = arith.constant -9.99999968E+37 : f32
      %broadcast_in_dim3A_38 = vector.broadcast %jit3A : f32 to vector<384x384xf32>
      %select_n3A = arith.select %and3A, %get3A_10, %broadcast_in_dim3A_38 : vector<384x384xi1>, vector<384x384xf32>
      %reshape3A = vector.shape_cast %select_n3A : vector<384x384xf32> to vector<1x384x384xf32>
      %swap3A = arith.index_cast %arg0 : i32 to index
      %swap3A_39 = arith.constant 0 : index
      %swap3A_40 = arith.constant 0 : index
      %swap3A_41 = vector.load %arg3[%swap3A, %swap3A_39, %swap3A_40] : memref<8x384x384xf32, #tpu.memory_space<vmem>>, vector<1x384x384xf32>
      tpu.vector_store %arg3[%swap3A, %swap3A_39, %swap3A_40], %reshape3A {strides = array<i32>} : memref<8x384x384xf32, #tpu.memory_space<vmem>>, vector<1x384x384xf32>,
      %reshape3A_42 = vector.shape_cast %select_n3A : vector<384x384xf32> to vector<1152x128xf32>
      %reduce_max3A = arith.constant dense<0xFF800000> : vector<1152xf32>
      %reduce_max3A_43 = vector.multi_reduction <maximumf>, %reshape3A_42, %reduce_max3A [1] : vector<1152x128xf32> to vector<1152xf32>
      %reshape3A_44 = vector.shape_cast %reduce_max3A_43 : vector<1152xf32> to vector<1x1152xf32>
      %swap3A_45 = arith.index_cast %arg0 : i32 to index
      %swap3A_46 = arith.constant 0 : index
      %swap3A_47 = vector.load %arg4[%swap3A_45, %swap3A_46] : memref<8x1152xf32, #tpu.memory_space<vmem>>, vector<1x1152xf32>
      tpu.vector_store %arg4[%swap3A_45, %swap3A_46], %reshape3A_44 {strides = array<i32>} : memref<8x1152xf32, #tpu.memory_space<vmem>>, vector<1x1152xf32>,
    } else {
    }
    %eq3A = arith.constant 8 : i32
    %eq3A_2 = arith.cmpi eq, %arg0, %eq3A : i32
    %convert_element_type3A_3 = arith.extui %eq3A_2 : i1 to i32
    %cond3A_4 = arith.constant 0 : i32
    %cond3A_5 = arith.cmpi ne, %convert_element_type3A_3, %cond3A_4 : i32
    scf.if %cond3A_5 {
      %get3A = arith.constant 0 : index
      %get3A_6 = arith.constant 0 : index
      %get3A_7 = vector.load %arg4[%get3A, %get3A_6] : memref<8x1152xf32, #tpu.memory_space<vmem>>, vector<8x1152xf32>
      %iota3A = tpu.iota {dimensions = array<i32: 1>} : vector<8x1152xi32>
      %iota3A_8 = tpu.iota {dimensions = array<i32: 1>} : vector<8x384xi32>
      %iota3A_9 = tpu.iota {dimensions = array<i32: 1>} : vector<1x128xi32>
      %broadcast_in_dim3A = arith.constant 0 : i32
      %broadcast_in_dim3A_10 = vector.broadcast %broadcast_in_dim3A : i32 to vector<8x128xi32>
      %scan3A = arith.constant 1073741824 : i32
      %scan3A_11 = arith.constant 0 : i32
      %scan3A_12 = arith.constant 50 : i32
      %scan3A_13 = arith.addi %scan3A_11, %scan3A_12 : i32
      %scan3A_14 = arith.constant 1 : i32
      %scan3A_15:2 = scf.for %scan3A_22 = %scan3A_11 to %scan3A_13 step %scan3A_14 iter_args(%scan3A_23 = %get3A_7, %scan3A_24 = %broadcast_in_dim3A_10) -> (vector<8x1152xf32>, vector<8x128xi32>)  : i32 {
        %reduce_max3A = arith.constant dense<0xFF800000> : vector<8xf32>
        %reduce_max3A_25 = vector.multi_reduction <maximumf>, %scan3A_23, %reduce_max3A [1] : vector<8x1152xf32> to vector<8xf32>
        %broadcast_in_dim3A_26 = vector.shape_cast %reduce_max3A_25 : vector<8xf32> to vector<8x1xf32>
        %eq3A_27 = vector.broadcast %broadcast_in_dim3A_26 : vector<8x1xf32> to vector<8x1152xf32>
        %eq3A_28 = arith.cmpf oeq, %scan3A_23, %eq3A_27 : vector<8x1152xf32>
        %broadcast_in_dim3A_29 = vector.broadcast %scan3A : i32 to vector<8x1152xi32>
        %select_n3A = arith.select %eq3A_28, %iota3A, %broadcast_in_dim3A_29 : vector<8x1152xi1>, vector<8x1152xi32>
        %reduce_min3A = arith.constant dense<2147483647> : vector<8xi32>
        %reduce_min3A_30 = vector.multi_reduction <minsi>, %select_n3A, %reduce_min3A [1] : vector<8x1152xi32> to vector<8xi32>
        %broadcast_in_dim3A_31 = vector.shape_cast %reduce_min3A_30 : vector<8xi32> to vector<8x1xi32>
        %jit3A = arith.constant 3 : i32
        %div3A = vector.broadcast %jit3A : i32 to vector<8x1xi32>
        %div3A_32 = arith.divsi %broadcast_in_dim3A_31, %div3A : vector<8x1xi32>
        %sign3A = arith.constant 0 : i32
        %sign3A_33 = vector.broadcast %sign3A : i32 to vector<8x1xi32>
        %sign3A_34 = arith.cmpi sgt, %broadcast_in_dim3A_31, %sign3A_33 : vector<8x1xi32>
        %sign3A_35 = arith.extui %sign3A_34 : vector<8x1xi1> to vector<8x1xi32>
        %sign3A_36 = arith.constant 0 : i32
        %sign3A_37 = vector.broadcast %sign3A_36 : i32 to vector<8x1xi32>
        %sign3A_38 = arith.cmpi slt, %broadcast_in_dim3A_31, %sign3A_37 : vector<8x1xi32>
        %sign3A_39 = arith.extui %sign3A_38 : vector<8x1xi1> to vector<8x1xi32>
        %sign3A_40 = arith.subi %sign3A_35, %sign3A_39 : vector<8x1xi32>
        %sign3A_41 = arith.constant 0 : i32
        %sign3A_42 = arith.cmpi sgt, %jit3A, %sign3A_41 : i32
        %sign3A_43 = arith.extui %sign3A_42 : i1 to i32
        %sign3A_44 = arith.constant 0 : i32
        %sign3A_45 = arith.cmpi slt, %jit3A, %sign3A_44 : i32
        %sign3A_46 = arith.extui %sign3A_45 : i1 to i32
        %sign3A_47 = arith.subi %sign3A_43, %sign3A_46 : i32
        %ne3A = vector.broadcast %sign3A_47 : i32 to vector<8x1xi32>
        %ne3A_48 = arith.cmpi ne, %sign3A_40, %ne3A : vector<8x1xi32>
        %rem3A = vector.broadcast %jit3A : i32 to vector<8x1xi32>
        %rem3A_49 = arith.remsi %broadcast_in_dim3A_31, %rem3A : vector<8x1xi32>
        %ne3A_50 = arith.constant 0 : i32
        %ne3A_51 = vector.broadcast %ne3A_50 : i32 to vector<8x1xi32>
        %ne3A_52 = arith.cmpi ne, %rem3A_49, %ne3A_51 : vector<8x1xi32>
        %and3A = arith.andi %ne3A_48, %ne3A_52 : vector<8x1xi1>
        %sub3A = arith.constant 1 : i32
        %sub3A_53 = vector.broadcast %sub3A : i32 to vector<8x1xi32>
        %sub3A_54 = arith.subi %div3A_32, %sub3A_53 : vector<8x1xi32>
        %select_n3A_55 = arith.select %and3A, %sub3A_54, %div3A_32 : vector<8x1xi1>, vector<8x1xi32>
        %mul3A = arith.constant 3 : i32
        %mul3A_56 = vector.broadcast %mul3A : i32 to vector<8x1xi32>
        %mul3A_57 = arith.muli %mul3A_56, %select_n3A_55 : vector<8x1xi32>
        %sub3A_58 = arith.subi %broadcast_in_dim3A_31, %mul3A_57 : vector<8x1xi32>
        %slice3A = vector.extract_strided_slice %select_n3A_55 {offsets = [0, 0], sizes = [1, 1], strides = [1, 1]} : vector<8x1xi32> to vector<1x1xi32>
        %squeeze3A = vector.extract %slice3A[0, 0] : i32 from vector<1x1xi32>
        %get3A_59 = arith.constant 0 : index
        %get3A_60 = arith.index_cast %squeeze3A : i32 to index
        %get3A_61 = arith.constant 0 : index
        %get3A_62 = vector.load %arg3[%get3A_59, %get3A_60, %get3A_61] : memref<8x384x384xf32, #tpu.memory_space<vmem>>, vector<1x1x384xf32>
        %get3A_63 = vector.shape_cast %get3A_62 : vector<1x1x384xf32> to vector<1x384xf32>
        %slice3A_64 = vector.extract_strided_slice %select_n3A_55 {offsets = [1, 0], sizes = [1, 1], strides = [1, 1]} : vector<8x1xi32> to vector<1x1xi32>
        %squeeze3A_65 = vector.extract %slice3A_64[0, 0] : i32 from vector<1x1xi32>
        %get3A_66 = arith.constant 1 : index
        %get3A_67 = arith.index_cast %squeeze3A_65 : i32 to index
        %get3A_68 = arith.constant 0 : index
        %get3A_69 = vector.load %arg3[%get3A_66, %get3A_67, %get3A_68] : memref<8x384x384xf32, #tpu.memory_space<vmem>>, vector<1x1x384xf32>
        %get3A_70 = vector.shape_cast %get3A_69 : vector<1x1x384xf32> to vector<1x384xf32>
        %slice3A_71 = vector.extract_strided_slice %select_n3A_55 {offsets = [2, 0], sizes = [1, 1], strides = [1, 1]} : vector<8x1xi32> to vector<1x1xi32>
        %squeeze3A_72 = vector.extract %slice3A_71[0, 0] : i32 from vector<1x1xi32>
        %get3A_73 = arith.constant 2 : index
        %get3A_74 = arith.index_cast %squeeze3A_72 : i32 to index
        %get3A_75 = arith.constant 0 : index
        %get3A_76 = vector.load %arg3[%get3A_73, %get3A_74, %get3A_75] : memref<8x384x384xf32, #tpu.memory_space<vmem>>, vector<1x1x384xf32>
        %get3A_77 = vector.shape_cast %get3A_76 : vector<1x1x384xf32> to vector<1x384xf32>
        %slice3A_78 = vector.extract_strided_slice %select_n3A_55 {offsets = [3, 0], sizes = [1, 1], strides = [1, 1]} : vector<8x1xi32> to vector<1x1xi32>
        %squeeze3A_79 = vector.extract %slice3A_78[0, 0] : i32 from vector<1x1xi32>
        %get3A_80 = arith.constant 3 : index
        %get3A_81 = arith.index_cast %squeeze3A_79 : i32 to index
        %get3A_82 = arith.constant 0 : index
        %get3A_83 = vector.load %arg3[%get3A_80, %get3A_81, %get3A_82] : memref<8x384x384xf32, #tpu.memory_space<vmem>>, vector<1x1x384xf32>
        %get3A_84 = vector.shape_cast %get3A_83 : vector<1x1x384xf32> to vector<1x384xf32>
        %slice3A_85 = vector.extract_strided_slice %select_n3A_55 {offsets = [4, 0], sizes = [1, 1], strides = [1, 1]} : vector<8x1xi32> to vector<1x1xi32>
        %squeeze3A_86 = vector.extract %slice3A_85[0, 0] : i32 from vector<1x1xi32>
        %get3A_87 = arith.constant 4 : index
        %get3A_88 = arith.index_cast %squeeze3A_86 : i32 to index
        %get3A_89 = arith.constant 0 : index
        %get3A_90 = vector.load %arg3[%get3A_87, %get3A_88, %get3A_89] : memref<8x384x384xf32, #tpu.memory_space<vmem>>, vector<1x1x384xf32>
        %get3A_91 = vector.shape_cast %get3A_90 : vector<1x1x384xf32> to vector<1x384xf32>
        %slice3A_92 = vector.extract_strided_slice %select_n3A_55 {offsets = [5, 0], sizes = [1, 1], strides = [1, 1]} : vector<8x1xi32> to vector<1x1xi32>
        %squeeze3A_93 = vector.extract %slice3A_92[0, 0] : i32 from vector<1x1xi32>
        %get3A_94 = arith.constant 5 : index
        %get3A_95 = arith.index_cast %squeeze3A_93 : i32 to index
        %get3A_96 = arith.constant 0 : index
        %get3A_97 = vector.load %arg3[%get3A_94, %get3A_95, %get3A_96] : memref<8x384x384xf32, #tpu.memory_space<vmem>>, vector<1x1x384xf32>
        %get3A_98 = vector.shape_cast %get3A_97 : vector<1x1x384xf32> to vector<1x384xf32>
        %slice3A_99 = vector.extract_strided_slice %select_n3A_55 {offsets = [6, 0], sizes = [1, 1], strides = [1, 1]} : vector<8x1xi32> to vector<1x1xi32>
        %squeeze3A_100 = vector.extract %slice3A_99[0, 0] : i32 from vector<1x1xi32>
        %get3A_101 = arith.constant 6 : index
        %get3A_102 = arith.index_cast %squeeze3A_100 : i32 to index
        %get3A_103 = arith.constant 0 : index
        %get3A_104 = vector.load %arg3[%get3A_101, %get3A_102, %get3A_103] : memref<8x384x384xf32, #tpu.memory_space<vmem>>, vector<1x1x384xf32>
        %get3A_105 = vector.shape_cast %get3A_104 : vector<1x1x384xf32> to vector<1x384xf32>
        %slice3A_106 = vector.extract_strided_slice %select_n3A_55 {offsets = [7, 0], sizes = [1, 1], strides = [1, 1]} : vector<8x1xi32> to vector<1x1xi32>
        %squeeze3A_107 = vector.extract %slice3A_106[0, 0] : i32 from vector<1x1xi32>
        %get3A_108 = arith.constant 7 : index
        %get3A_109 = arith.index_cast %squeeze3A_107 : i32 to index
        %get3A_110 = arith.constant 0 : index
        %get3A_111 = vector.load %arg3[%get3A_108, %get3A_109, %get3A_110] : memref<8x384x384xf32, #tpu.memory_space<vmem>>, vector<1x1x384xf32>
        %get3A_112 = vector.shape_cast %get3A_111 : vector<1x1x384xf32> to vector<1x384xf32>
        %concatenate3A = tpu.concatenate %get3A_63, %get3A_70, %get3A_77, %get3A_84, %get3A_91, %get3A_98, %get3A_105, %get3A_112 in 0 : vector<1x384xf32>, vector<1x384xf32>, vector<1x384xf32>, vector<1x384xf32>, vector<1x384xf32>, vector<1x384xf32>, vector<1x384xf32>, vector<1x384xf32> -> vector<8x384xf32>
        %mul3A_113 = arith.constant 128 : i32
        %mul3A_114 = vector.broadcast %mul3A_113 : i32 to vector<8x1xi32>
        %mul3A_115 = arith.muli %sub3A_58, %mul3A_114 : vector<8x1xi32>
        %ge3A = vector.broadcast %mul3A_115 : vector<8x1xi32> to vector<8x384xi32>
        %ge3A_116 = arith.cmpi sge, %iota3A_8, %ge3A : vector<8x384xi32>
        %mul3A_117 = arith.constant 128 : i32
        %mul3A_118 = vector.broadcast %mul3A_117 : i32 to vector<8x1xi32>
        %mul3A_119 = arith.muli %sub3A_58, %mul3A_118 : vector<8x1xi32>
        %add3A = arith.constant 128 : i32
        %add3A_120 = vector.broadcast %add3A : i32 to vector<8x1xi32>
        %add3A_121 = arith.addi %mul3A_119, %add3A_120 : vector<8x1xi32>
        %lt3A_122 = vector.broadcast %add3A_121 : vector<8x1xi32> to vector<8x384xi32>
        %lt3A_123 = arith.cmpi slt, %iota3A_8, %lt3A_122 : vector<8x384xi32>
        %and3A_124 = arith.andi %ge3A_116, %lt3A_123 : vector<8x384xi1>
        %eq3A_125 = vector.broadcast %broadcast_in_dim3A_26 : vector<8x1xf32> to vector<8x384xf32>
        %eq3A_126 = arith.cmpf oeq, %concatenate3A, %eq3A_125 : vector<8x384xf32>
        %and3A_127 = arith.andi %and3A_124, %eq3A_126 : vector<8x384xi1>
        %broadcast_in_dim3A_128 = vector.broadcast %scan3A : i32 to vector<8x384xi32>
        %select_n3A_129 = arith.select %and3A_127, %iota3A_8, %broadcast_in_dim3A_128 : vector<8x384xi1>, vector<8x384xi32>
        %reduce_min3A_130 = arith.constant dense<2147483647> : vector<8xi32>
        %reduce_min3A_131 = vector.multi_reduction <minsi>, %select_n3A_129, %reduce_min3A_130 [1] : vector<8x384xi32> to vector<8xi32>
        %broadcast_in_dim3A_132 = vector.shape_cast %reduce_min3A_131 : vector<8xi32> to vector<8x1xi32>
        %mul3A_133 = arith.constant 384 : i32
        %mul3A_134 = vector.broadcast %mul3A_133 : i32 to vector<8x1xi32>
        %mul3A_135 = arith.muli %select_n3A_55, %mul3A_134 : vector<8x1xi32>
        %add3A_136 = arith.addi %mul3A_135, %broadcast_in_dim3A_132 : vector<8x1xi32>
        %eq3A_137 = vector.broadcast %broadcast_in_dim3A_132 : vector<8x1xi32> to vector<8x384xi32>
        %eq3A_138 = arith.cmpi eq, %iota3A_8, %eq3A_137 : vector<8x384xi32>
        %jit3A_139 = arith.constant 0xFF800000 : f32
        %broadcast_in_dim3A_140 = vector.broadcast %jit3A_139 : f32 to vector<8x384xf32>
        %select_n3A_141 = arith.select %eq3A_138, %broadcast_in_dim3A_140, %concatenate3A : vector<8x384xi1>, vector<8x384xf32>
        %slice3A_142 = vector.extract_strided_slice %select_n3A_141 {offsets = [0, 0], sizes = [1, 384], strides = [1, 1]} : vector<8x384xf32> to vector<1x384xf32>
        %slice3A_143 = vector.extract_strided_slice %select_n3A_55 {offsets = [0, 0], sizes = [1, 1], strides = [1, 1]} : vector<8x1xi32> to vector<1x1xi32>
        %squeeze3A_144 = vector.extract %slice3A_143[0, 0] : i32 from vector<1x1xi32>
        %swap3A_145 = arith.constant 0 : index
        %swap3A_146 = arith.index_cast %squeeze3A_144 : i32 to index
        %swap3A_147 = arith.constant 0 : index
        %swap3A_148 = vector.load %arg3[%swap3A_145, %swap3A_146, %swap3A_147] : memref<8x384x384xf32, #tpu.memory_space<vmem>>, vector<1x1x384xf32>
        %swap3A_149 = vector.shape_cast %swap3A_148 : vector<1x1x384xf32> to vector<1x384xf32>
        %swap3A_150 = vector.shape_cast %slice3A_142 : vector<1x384xf32> to vector<1x1x384xf32>
        tpu.vector_store %arg3[%swap3A_145, %swap3A_146, %swap3A_147], %swap3A_150 {strides = array<i32>} : memref<8x384x384xf32, #tpu.memory_space<vmem>>, vector<1x1x384xf32>,
        %slice3A_151 = vector.extract_strided_slice %select_n3A_141 {offsets = [1, 0], sizes = [1, 384], strides = [1, 1]} : vector<8x384xf32> to vector<1x384xf32>
        %slice3A_152 = vector.extract_strided_slice %select_n3A_55 {offsets = [1, 0], sizes = [1, 1], strides = [1, 1]} : vector<8x1xi32> to vector<1x1xi32>
        %squeeze3A_153 = vector.extract %slice3A_152[0, 0] : i32 from vector<1x1xi32>
        %swap3A_154 = arith.constant 1 : index
        %swap3A_155 = arith.index_cast %squeeze3A_153 : i32 to index
        %swap3A_156 = arith.constant 0 : index
        %swap3A_157 = vector.load %arg3[%swap3A_154, %swap3A_155, %swap3A_156] : memref<8x384x384xf32, #tpu.memory_space<vmem>>, vector<1x1x384xf32>
        %swap3A_158 = vector.shape_cast %swap3A_157 : vector<1x1x384xf32> to vector<1x384xf32>
        %swap3A_159 = vector.shape_cast %slice3A_151 : vector<1x384xf32> to vector<1x1x384xf32>
        tpu.vector_store %arg3[%swap3A_154, %swap3A_155, %swap3A_156], %swap3A_159 {strides = array<i32>} : memref<8x384x384xf32, #tpu.memory_space<vmem>>, vector<1x1x384xf32>,
        %slice3A_160 = vector.extract_strided_slice %select_n3A_141 {offsets = [2, 0], sizes = [1, 384], strides = [1, 1]} : vector<8x384xf32> to vector<1x384xf32>
        %slice3A_161 = vector.extract_strided_slice %select_n3A_55 {offsets = [2, 0], sizes = [1, 1], strides = [1, 1]} : vector<8x1xi32> to vector<1x1xi32>
        %squeeze3A_162 = vector.extract %slice3A_161[0, 0] : i32 from vector<1x1xi32>
        %swap3A_163 = arith.constant 2 : index
        %swap3A_164 = arith.index_cast %squeeze3A_162 : i32 to index
        %swap3A_165 = arith.constant 0 : index
        %swap3A_166 = vector.load %arg3[%swap3A_163, %swap3A_164, %swap3A_165] : memref<8x384x384xf32, #tpu.memory_space<vmem>>, vector<1x1x384xf32>
        %swap3A_167 = vector.shape_cast %swap3A_166 : vector<1x1x384xf32> to vector<1x384xf32>
        %swap3A_168 = vector.shape_cast %slice3A_160 : vector<1x384xf32> to vector<1x1x384xf32>
        tpu.vector_store %arg3[%swap3A_163, %swap3A_164, %swap3A_165], %swap3A_168 {strides = array<i32>} : memref<8x384x384xf32, #tpu.memory_space<vmem>>, vector<1x1x384xf32>,
        %slice3A_169 = vector.extract_strided_slice %select_n3A_141 {offsets = [3, 0], sizes = [1, 384], strides = [1, 1]} : vector<8x384xf32> to vector<1x384xf32>
        %slice3A_170 = vector.extract_strided_slice %select_n3A_55 {offsets = [3, 0], sizes = [1, 1], strides = [1, 1]} : vector<8x1xi32> to vector<1x1xi32>
        %squeeze3A_171 = vector.extract %slice3A_170[0, 0] : i32 from vector<1x1xi32>
        %swap3A_172 = arith.constant 3 : index
        %swap3A_173 = arith.index_cast %squeeze3A_171 : i32 to index
        %swap3A_174 = arith.constant 0 : index
        %swap3A_175 = vector.load %arg3[%swap3A_172, %swap3A_173, %swap3A_174] : memref<8x384x384xf32, #tpu.memory_space<vmem>>, vector<1x1x384xf32>
        %swap3A_176 = vector.shape_cast %swap3A_175 : vector<1x1x384xf32> to vector<1x384xf32>
        %swap3A_177 = vector.shape_cast %slice3A_169 : vector<1x384xf32> to vector<1x1x384xf32>
        tpu.vector_store %arg3[%swap3A_172, %swap3A_173, %swap3A_174], %swap3A_177 {strides = array<i32>} : memref<8x384x384xf32, #tpu.memory_space<vmem>>, vector<1x1x384xf32>,
        %slice3A_178 = vector.extract_strided_slice %select_n3A_141 {offsets = [4, 0], sizes = [1, 384], strides = [1, 1]} : vector<8x384xf32> to vector<1x384xf32>
        %slice3A_179 = vector.extract_strided_slice %select_n3A_55 {offsets = [4, 0], sizes = [1, 1], strides = [1, 1]} : vector<8x1xi32> to vector<1x1xi32>
        %squeeze3A_180 = vector.extract %slice3A_179[0, 0] : i32 from vector<1x1xi32>
        %swap3A_181 = arith.constant 4 : index
        %swap3A_182 = arith.index_cast %squeeze3A_180 : i32 to index
        %swap3A_183 = arith.constant 0 : index
        %swap3A_184 = vector.load %arg3[%swap3A_181, %swap3A_182, %swap3A_183] : memref<8x384x384xf32, #tpu.memory_space<vmem>>, vector<1x1x384xf32>
        %swap3A_185 = vector.shape_cast %swap3A_184 : vector<1x1x384xf32> to vector<1x384xf32>
        %swap3A_186 = vector.shape_cast %slice3A_178 : vector<1x384xf32> to vector<1x1x384xf32>
        tpu.vector_store %arg3[%swap3A_181, %swap3A_182, %swap3A_183], %swap3A_186 {strides = array<i32>} : memref<8x384x384xf32, #tpu.memory_space<vmem>>, vector<1x1x384xf32>,
        %slice3A_187 = vector.extract_strided_slice %select_n3A_141 {offsets = [5, 0], sizes = [1, 384], strides = [1, 1]} : vector<8x384xf32> to vector<1x384xf32>
        %slice3A_188 = vector.extract_strided_slice %select_n3A_55 {offsets = [5, 0], sizes = [1, 1], strides = [1, 1]} : vector<8x1xi32> to vector<1x1xi32>
        %squeeze3A_189 = vector.extract %slice3A_188[0, 0] : i32 from vector<1x1xi32>
        %swap3A_190 = arith.constant 5 : index
        %swap3A_191 = arith.index_cast %squeeze3A_189 : i32 to index
        %swap3A_192 = arith.constant 0 : index
        %swap3A_193 = vector.load %arg3[%swap3A_190, %swap3A_191, %swap3A_192] : memref<8x384x384xf32, #tpu.memory_space<vmem>>, vector<1x1x384xf32>
        %swap3A_194 = vector.shape_cast %swap3A_193 : vector<1x1x384xf32> to vector<1x384xf32>
        %swap3A_195 = vector.shape_cast %slice3A_187 : vector<1x384xf32> to vector<1x1x384xf32>
        tpu.vector_store %arg3[%swap3A_190, %swap3A_191, %swap3A_192], %swap3A_195 {strides = array<i32>} : memref<8x384x384xf32, #tpu.memory_space<vmem>>, vector<1x1x384xf32>,
        %slice3A_196 = vector.extract_strided_slice %select_n3A_141 {offsets = [6, 0], sizes = [1, 384], strides = [1, 1]} : vector<8x384xf32> to vector<1x384xf32>
        %slice3A_197 = vector.extract_strided_slice %select_n3A_55 {offsets = [6, 0], sizes = [1, 1], strides = [1, 1]} : vector<8x1xi32> to vector<1x1xi32>
        %squeeze3A_198 = vector.extract %slice3A_197[0, 0] : i32 from vector<1x1xi32>
        %swap3A_199 = arith.constant 6 : index
        %swap3A_200 = arith.index_cast %squeeze3A_198 : i32 to index
        %swap3A_201 = arith.constant 0 : index
        %swap3A_202 = vector.load %arg3[%swap3A_199, %swap3A_200, %swap3A_201] : memref<8x384x384xf32, #tpu.memory_space<vmem>>, vector<1x1x384xf32>
        %swap3A_203 = vector.shape_cast %swap3A_202 : vector<1x1x384xf32> to vector<1x384xf32>
        %swap3A_204 = vector.shape_cast %slice3A_196 : vector<1x384xf32> to vector<1x1x384xf32>
        tpu.vector_store %arg3[%swap3A_199, %swap3A_200, %swap3A_201], %swap3A_204 {strides = array<i32>} : memref<8x384x384xf32, #tpu.memory_space<vmem>>, vector<1x1x384xf32>,
        %slice3A_205 = vector.extract_strided_slice %select_n3A_141 {offsets = [7, 0], sizes = [1, 384], strides = [1, 1]} : vector<8x384xf32> to vector<1x384xf32>
        %slice3A_206 = vector.extract_strided_slice %select_n3A_55 {offsets = [7, 0], sizes = [1, 1], strides = [1, 1]} : vector<8x1xi32> to vector<1x1xi32>
        %squeeze3A_207 = vector.extract %slice3A_206[0, 0] : i32 from vector<1x1xi32>
        %swap3A_208 = arith.constant 7 : index
        %swap3A_209 = arith.index_cast %squeeze3A_207 : i32 to index
        %swap3A_210 = arith.constant 0 : index
        %swap3A_211 = vector.load %arg3[%swap3A_208, %swap3A_209, %swap3A_210] : memref<8x384x384xf32, #tpu.memory_space<vmem>>, vector<1x1x384xf32>
        %swap3A_212 = vector.shape_cast %swap3A_211 : vector<1x1x384xf32> to vector<1x384xf32>
        %swap3A_213 = vector.shape_cast %slice3A_205 : vector<1x384xf32> to vector<1x1x384xf32>
        tpu.vector_store %arg3[%swap3A_208, %swap3A_209, %swap3A_210], %swap3A_213 {strides = array<i32>} : memref<8x384x384xf32, #tpu.memory_space<vmem>>, vector<1x1x384xf32>,
        %jit3A_214 = arith.constant 0xFF800000 : f32
        %broadcast_in_dim3A_215 = vector.broadcast %jit3A_214 : f32 to vector<8x384xf32>
        %select_n3A_216 = arith.select %and3A_124, %select_n3A_141, %broadcast_in_dim3A_215 : vector<8x384xi1>, vector<8x384xf32>
        %reduce_max3A_217 = arith.constant dense<0xFF800000> : vector<8xf32>
        %reduce_max3A_218 = vector.multi_reduction <maximumf>, %select_n3A_216, %reduce_max3A_217 [1] : vector<8x384xf32> to vector<8xf32>
        %broadcast_in_dim3A_219 = vector.shape_cast %reduce_max3A_218 : vector<8xf32> to vector<8x1xf32>
        %eq3A_220 = vector.broadcast %broadcast_in_dim3A_31 : vector<8x1xi32> to vector<8x1152xi32>
        %eq3A_221 = arith.cmpi eq, %iota3A, %eq3A_220 : vector<8x1152xi32>
        %broadcast_in_dim3A_222 = vector.shape_cast %broadcast_in_dim3A_219 : vector<8x1xf32> to vector<8x1xf32>
        %broadcast_in_dim3A_223 = vector.broadcast %broadcast_in_dim3A_222 : vector<8x1xf32> to vector<8x1152xf32>
        %select_n3A_224 = arith.select %eq3A_221, %broadcast_in_dim3A_223, %scan3A_23 : vector<8x1152xi1>, vector<8x1152xf32>
        %eq3A_225 = vector.broadcast %scan3A_22 : i32 to vector<1x128xi32>
        %eq3A_226 = arith.cmpi eq, %iota3A_9, %eq3A_225 : vector<1x128xi32>
        %broadcast_in_dim3A_227 = vector.shape_cast %eq3A_226 : vector<1x128xi1> to vector<1x128xi1>
        %broadcast_in_dim3A_228 = vector.broadcast %broadcast_in_dim3A_227 : vector<1x128xi1> to vector<8x128xi1>
        %broadcast_in_dim3A_229 = vector.shape_cast %add3A_136 : vector<8x1xi32> to vector<8x1xi32>
        %broadcast_in_dim3A_230 = vector.broadcast %broadcast_in_dim3A_229 : vector<8x1xi32> to vector<8x128xi32>
        %select_n3A_231 = arith.select %broadcast_in_dim3A_228, %broadcast_in_dim3A_230, %scan3A_24 : vector<8x128xi1>, vector<8x128xi32>
        scf.yield %select_n3A_224, %select_n3A_231 : vector<8x1152xf32>, vector<8x128xi32>
      }
      %scan3A_16 = arith.constant 50 : i32
      %swap3A = arith.constant 0 : index
      %swap3A_17 = arith.constant 0 : index
      %swap3A_18 = arith.constant 0 : index
      %swap3A_19 = vector.load %arg2[%swap3A, %swap3A_17, %swap3A_18] : memref<8x1x128xi32, #tpu.memory_space<vmem>>, vector<8x1x128xi32>
      %swap3A_20 = vector.shape_cast %swap3A_19 : vector<8x1x128xi32> to vector<8x128xi32>
      %swap3A_21 = vector.shape_cast %scan3A_15#1 : vector<8x128xi32> to vector<8x1x128xi32>
      tpu.vector_store %arg2[%swap3A, %swap3A_17, %swap3A_18], %swap3A_21 {strides = array<i32>} : memref<8x1x128xi32, #tpu.memory_space<vmem>>, vector<8x1x128xi32>,
    } else {
    }
    return
  }
  func.func @transform_0(%arg0: i32) -> (i32, i32, i32, i32) {
    %min3A = arith.constant 7 : i32
    %min3A_0 = arith.minsi %arg0, %min3A : i32
    %c11_i32 = arith.constant 11 : i32
    %c0_i32 = arith.constant 0 : i32
    %c0_i32_1 = arith.constant 0 : i32
    %c0_i32_2 = arith.constant 0 : i32
    return %min3A_0, %c11_i32, %c0_i32, %c0_i32_1 : i32, i32, i32, i32
  }
  func.func @transform_1(%arg0: i32) -> (i32, i32, i32) {
    %c0_i32 = arith.constant 0 : i32
    %c0_i32_0 = arith.constant 0 : i32
    %c0_i32_1 = arith.constant 0 : i32
    %c0_i32_2 = arith.constant 0 : i32
    return %c0_i32, %c0_i32_0, %c0_i32_1 : i32, i32, i32
  }
}

module attributes {stable_mosaic.version = 14 : i64} {
  func.func @_proj_body(%arg0: i32, %arg1: memref<1x128x64xf32, #tpu.memory_space<vmem>>, %arg2: memref<128x128xf32, #tpu.memory_space<vmem>>, %arg3: memref<1x128xf32, #tpu.memory_space<vmem>>, %arg4: memref<1x64x128xf32, #tpu.memory_space<vmem>>) attributes {dimension_semantics = [#tpu.dimension_semantics<arbitrary>], iteration_bounds = array<i64: 8>, scalar_prefetch = 0 : i64, scratch_operands = 0 : i64, tpu.core_type = #tpu.core_type<tc>, window_params = [{transform_indices = @transform_0, window_bounds = array<i64: 1, 128, 64>}, {pipeline_mode = #tpu.pipeline_mode<synchronous>, transform_indices = @transform_1, window_bounds = array<i64: 128, 128>}, {pipeline_mode = #tpu.pipeline_mode<synchronous>, transform_indices = @transform_2, window_bounds = array<i64: 1, 128>}, {transform_indices = @transform_3, window_bounds = array<i64: 1, 64, 128>}]} {
    %get3A = arith.constant 0 : index
    %get3A_0 = arith.constant 0 : index
    %get3A_1 = arith.constant 0 : index
    %get3A_2 = vector.load %arg1[%get3A, %get3A_0, %get3A_1] : memref<1x128x64xf32, #tpu.memory_space<vmem>>, vector<1x128x64xf32>
    %get3A_3 = vector.shape_cast %get3A_2 : vector<1x128x64xf32> to vector<128x64xf32>
    %get3A_4 = arith.constant 0 : index
    %get3A_5 = arith.constant 0 : index
    %get3A_6 = vector.load %arg2[%get3A_4, %get3A_5] : memref<128x128xf32, #tpu.memory_space<vmem>>, vector<128x128xf32>
    %dot_general3A = arith.constant dense<0.000000e+00> : vector<64x128xf32>
    %dot_general3A_7 = tpu.matmul %get3A_3, %get3A_6, %dot_general3A {dimension_numbers = #tpu.dot_dimension_numbers<[0], [1], [1], [0], [0, 1, 1, 0], [], []>, transpose_lhs_hint = false} : vector<128x64xf32>, vector<128x128xf32>, vector<64x128xf32> -> vector<64x128xf32>
    %get3A_8 = arith.constant 0 : index
    %get3A_9 = arith.constant 0 : index
    %get3A_10 = vector.load %arg3[%get3A_8, %get3A_9] : memref<1x128xf32, #tpu.memory_space<vmem>>, vector<1x128xf32>
    %add3A = vector.broadcast %get3A_10 : vector<1x128xf32> to vector<64x128xf32>
    %add3A_11 = arith.addf %dot_general3A_7, %add3A : vector<64x128xf32>
    %swap3A = arith.constant 0 : index
    %swap3A_12 = arith.constant 0 : index
    %swap3A_13 = arith.constant 0 : index
    %swap3A_14 = vector.load %arg4[%swap3A, %swap3A_12, %swap3A_13] : memref<1x64x128xf32, #tpu.memory_space<vmem>>, vector<1x64x128xf32>
    %swap3A_15 = vector.shape_cast %swap3A_14 : vector<1x64x128xf32> to vector<64x128xf32>
    %swap3A_16 = vector.shape_cast %add3A_11 : vector<64x128xf32> to vector<1x64x128xf32>
    tpu.vector_store %arg4[%swap3A, %swap3A_12, %swap3A_13], %swap3A_16 {strides = array<i32>} : memref<1x64x128xf32, #tpu.memory_space<vmem>>, vector<1x64x128xf32>,
    return
  }
  func.func @transform_0(%arg0: i32) -> (i32, i32, i32) {
    %c0_i32 = arith.constant 0 : i32
    %c0_i32_0 = arith.constant 0 : i32
    %c0_i32_1 = arith.constant 0 : i32
    return %arg0, %c0_i32, %c0_i32_0 : i32, i32, i32
  }
  func.func @transform_1(%arg0: i32) -> (i32, i32) {
    %c0_i32 = arith.constant 0 : i32
    %c0_i32_0 = arith.constant 0 : i32
    %c0_i32_1 = arith.constant 0 : i32
    return %c0_i32, %c0_i32_0 : i32, i32
  }
  func.func @transform_2(%arg0: i32) -> (i32, i32) {
    %c0_i32 = arith.constant 0 : i32
    %c0_i32_0 = arith.constant 0 : i32
    %c0_i32_1 = arith.constant 0 : i32
    return %c0_i32, %c0_i32_0 : i32, i32
  }
  func.func @transform_3(%arg0: i32) -> (i32, i32, i32) {
    %c0_i32 = arith.constant 0 : i32
    %c0_i32_0 = arith.constant 0 : i32
    %c0_i32_1 = arith.constant 0 : i32
    return %arg0, %c0_i32, %c0_i32_0 : i32, i32, i32
  }
}

</mosaic_0001>

<sc_bundles>
// kernel: kernel.5.cloned.1.call-start
scs
__scs_entry_jumppad:
0x0: {  	(pc) =	sbr.rel $0x88, $3  }
0x1: {  	(tag) =	ssettag $0x0;
	lr =	simm.s32 $0x1  }
0x2: {  	[smem:$0x3F9D] =	sst lr;
	_ =	strace $0xD0000000  }
0x3: {  	_ = 	snop  }
0x4: {  	_ = 	snop  }
0x5: {  	_ = 	snop  }
0x6: {  	_ = 	snop  }
0x7: {  	_ = 	snop  }
__scs_overlays_trampoline_lowered:
0x8: {  	[smem:$0x3FAC] =	sst s0  }
0x9: {  	[smem:$0x3FAD] =	sst s1  }
0xa: {  	[smem:$0x3FAE] =	sst s2  }
0xb: {  	[smem:$0x3FAF] =	sst s3  }
0xc: {  	[smem:$0x3FB0] =	sst s4  }
0xd: {  	[smem:$0x3FB1] =	sst s5  }
0xe: {  	[smem:$0x3FB2] =	sst s6  }
0xf: {  	[smem:$0x3FB3] =	sst s7  }
0x10: {  	[smem:$0x3FB4] =	sst s8  }
0x11: {  	[smem:$0x3FB5] =	sst s9;
	s0 =	simm.s32 @!p0 $0x0  }
0x12: {  	s1 =	sld [smem:$0x3F9B];
	s0 =	simm.s32 @p0 $0x1  }
0x13: {  	[smem:$0x3FB6] =	sst s0;
	s0 =	simm.s32 @!p1 $0x0  }
0x14: {  	s2 =	sld [smem:$0x3F9A];
	s0 =	simm.s32 @p1 $0x1  }
0x15: {  	[smem:$0x3FB7] =	sst s0;
	s0 =	simm.s32 @!p2 $0x0  }
0x16: {  	s3 =	sld [smem:$0x3FDB];
	s0 =	simm.s32 @p2 $0x1  }
0x17: {  	s4 =	simm.s32 $0x1BF5;
	[smem:$0x3FB9] =	sst s0  }
0x18: {  	s0 =	sld [smem:$0x3F9C];
	_ =	swait.ge [sflag:s4], $0x0  }
0x19: {  	s7 =	sld [smem:$0x3F9D]  }
0x1a: {  	s8 =	sadd.s32 $0xFFFFE003, lr  }
0x1b: {  	s9 =	sadd.s32 $0xFFFFFEF7, lr;
	s5 =	simm.s32 $0xFFFFFFFF;
	p2 =	slt.u32 s8, $0xFFFFF086  }
0x1c: {  	p1 =	slt.u32 s9, $0xF7A;
	s5 =	simm.s32 @!p2 $0x0  }
0x1d: {  	s5 =	simm.s32 @p1 $0x1;
	p0 =	seq.s32 s7, s2  }
0x1e: {  	s7 =	smul.u32 @!p0 $0xF7A, s2;
	p2 =	seq.s32 @!p0 s5, $0x0  }
0x1f: {  	s9 =	smul.u32 $0xF7A, s1;
	s8 =	simm.s32 @!p0 $0x1BF5;
	p2 =	por !p2, p0  }
0x20: {  	[sflag:s8] =	ssyncset.s32 @!p0 $0xFFFFF086;
	s6 =	sadd.s32 @!p0 s3, s7;
	s7 =	simm.s32 @!p0 $0x108  }
0x21: {  	s3 =	sadd.s32 s3, s9;
	s6 =	sadd.s32 @!p0 $0x88, s6;
	s7 =	simm.s32 @p2 $0x1082  }
0x22: {  	[simem:s7], [sflag:s8] =	dma.local @!p0 [hbm:s6], $0xF7A  }
0x23: {  	s9 =	sor.u32 $0xD0000000, s2;
	s6 =	simm.s32 $0x108;
	_ =	swait.ge @!p0 [sflag:s8], $0x0  }
0x24: {  	s3 =	sadd.s32 $0x88, s3;
	s6 =	simm.s32 @!p1 $0x1082;
	[sflag:s4] =	ssyncset.s32 $0xFFFFF086  }
0x25: {  	[simem:s6], [sflag:s4] =	dma.local [hbm:s3], $0xF7A  }
0x26: {  	[smem:$0x3F9D] =	sst s1;
	(tag) =	ssettag s2;
	_ =	strace s9  }
0x27: {  	s1 =	sld [smem:$0x3FAD]  }
0x28: {  	s2 =	sld [smem:$0x3FAE]  }
0x29: {  	s4 =	sld [smem:$0x3FB0]  }
0x2a: {  	p0 =	seq.s32 s5, $0x0;
	s5 =	sld [smem:$0x3FB1]  }
0x2b: {  	s6 =	sld [smem:$0x3FB2]  }
0x2c: {  	s7 =	sld [smem:$0x3FB3]  }
0x2d: {  	s3 =	simm.s32 $0x108;
	s8 =	sld [smem:$0x3FB4]  }
0x2e: {  	s3 =	simm.s32 @!p0 $0x1082;
	s9 =	sld [smem:$0x3FB5]  }
0x2f: {  	lr =	sadd.s32 s0, s3;
	s0 =	sld [smem:$0x3FAC]  }
0x30: {  	s3 =	sld [smem:$0x3FAF]  }
0x31: {  	[smem:$0x3FB8] =	sst s10  }
0x32: {  	s10 =	sld [smem:$0x3FB6];
	_ =	sdelay $0x3  }
0x33: {  	p0 =	seq.s32 s10, $0x1;
	s10 =	sld [smem:$0x3FB8];
	_ =	sdelay $0x3  }
0x34: {  	[smem:$0x3FB8] =	sst s10  }
0x35: {  	s10 =	sld [smem:$0x3FB7];
	_ =	sdelay $0x3  }
0x36: {  	p1 =	seq.s32 s10, $0x1;
	s10 =	sld [smem:$0x3FB8];
	_ =	sdelay $0x3  }
0x37: {  	[smem:$0x3FB8] =	sst s10  }
0x38: {  	s10 =	sld [smem:$0x3FB9]  }
0x39: {  	_ = 	snop;
	(pc) =	sbr.ind lr, $3  }
0x3a: {  	_ = 	snop  }
0x3b: {  	_ = 	snop  }
0x3c: {  	p2 =	seq.s32 s10, $0x1;
	s10 =	sld [smem:$0x3FB8]  }
0x3d: {  	_ =	shalt  }
0x3e: {  	_ =	shalt  }
0x3f: {  	_ =	shalt  }
0x40: {  	_ =	shalt  }
0x41: {  	_ =	shalt  }
0x42: {  	_ =	shalt  }
0x43: {  	_ =	shalt  }
0x44: {  	_ =	shalt  }
0x45: {  	_ =	shalt  }
0x46: {  	_ =	shalt  }
0x47: {  	_ =	shalt  }
0x48: {  	_ =	shalt  }
0x49: {  	_ =	shalt  }
0x4a: {  	_ =	shalt  }
0x4b: {  	_ =	shalt  }
0x4c: {  	_ =	shalt  }
0x4d: {  	_ =	shalt  }
0x4e: {  	_ =	shalt  }
0x4f: {  	_ =	shalt  }
0x50: {  	_ =	shalt  }
0x51: {  	_ =	shalt  }
0x52: {  	_ =	shalt  }
0x53: {  	_ =	shalt  }
0x54: {  	_ =	shalt  }
0x55: {  	_ =	shalt  }
0x56: {  	_ =	shalt  }
0x57: {  	_ =	shalt  }
0x58: {  	_ =	shalt  }
0x59: {  	_ =	shalt  }
0x5a: {  	_ =	shalt  }
0x5b: {  	_ =	shalt  }
0x5c: {  	_ =	shalt  }
0x5d: {  	_ =	shalt  }
0x5e: {  	_ =	shalt  }
0x5f: {  	_ =	shalt  }
0x60: {  	_ =	shalt  }
0x61: {  	_ =	shalt  }
0x62: {  	_ =	shalt  }
0x63: {  	_ =	shalt  }
0x64: {  	_ =	shalt  }
0x65: {  	_ =	shalt  }
0x66: {  	_ =	shalt  }
0x67: {  	_ =	shalt  }
0x68: {  	_ =	shalt  }
0x69: {  	_ =	shalt  }
0x6a: {  	_ =	shalt  }
0x6b: {  	_ =	shalt  }
0x6c: {  	_ =	shalt  }
0x6d: {  	_ =	shalt  }
0x6e: {  	_ =	shalt  }
0x6f: {  	_ =	shalt  }
0x70: {  	_ =	shalt  }
0x71: {  	_ =	shalt  }
0x72: {  	_ =	shalt  }
0x73: {  	_ =	shalt  }
0x74: {  	_ =	shalt  }
0x75: {  	_ =	shalt  }
0x76: {  	_ =	shalt  }
0x77: {  	_ =	shalt  }
0x78: {  	_ =	shalt  }
0x79: {  	_ =	shalt  }
0x7a: {  	_ =	shalt  }
0x7b: {  	_ =	shalt  }
0x7c: {  	_ =	shalt  }
0x7d: {  	_ =	shalt  }
0x7e: {  	_ =	shalt  }
0x7f: {  	_ =	shalt  }
0x80: {  	_ =	shalt  }
0x81: {  	_ =	shalt  }
0x82: {  	_ =	shalt  }
0x83: {  	_ =	shalt  }
0x84: {  	_ =	shalt  }
0x85: {  	_ =	shalt  }
0x86: {  	_ =	shalt  }
0x87: {  	_ =	shalt  }
.Lfunc_end0:
.L_simem_size_0:
called_computation_lowered:
.L_overlay_start_0:
0x88: {  	s2 =	sld [smem:$0x3FD9]  }
0x89: {  	s3 =	sld [smem:$0x3FFE];
	_ =	sdelay $0x1  }
0x8a: {  	s1 =	srdreg.scid  }
0x8b: {  	s0 =	sand.u32 $0x1, s1  }
0x8c: {  	s14 =	sshll.u32 s0, $0xA;
	s2 =	sadd.s32 s3, s2  }
0x8d: {  	s2 =	sadd.s32 s2, s14  }
0x8e: {  	[smem:$0x3FC4] =	sst s2  }
0x8f: {  	_ = 	snop  }
0x90: {  	s2 =	sld [smem:$0x3FD0];
	_ =	sdelay $0x2  }
0x91: {  	s15 =	simm.s32 $0xA;
	s4 =	simm.s32 $0x10  }
0x92: {  	[smem:s4], [sflag:s15] =	dma.local [hbm:s2], $0x1  }
0x93: {  	_ =	swait.eq [sflag:s15], $0x1  }
0x94: {  	[sflag:s15] =	ssyncset.done $0x0  }
0x95: {  	[sflag:s15] =	ssyncadd.s32 $0xFFFFFFFF  }
0x96: {  	s16 =	sld [smem:$0x10];
	(tm) =	ssettm $0x1  }
0x97: {  	s17 =	sld [smem:$0x3FFB];
	_ =	sdelay $0x3  }
0x98: {  	_ =	strace s17  }
0x99: {  	s3 =	sld [smem:$0x3FFC];
	_ =	sdelay $0x3  }
0x9a: {  	_ =	strace s3  }
0x9b: {  	s3 =	sld [smem:$0x3FFD];
	_ =	sdelay $0x3  }
0x9c: {  	_ =	strace s3  }
0x9d: {  	_ =	strace $0x8FFFFFFF  }
0x9e: {  	s18 =	sld [smem:$0x3FDB];
	_ =	sdelay $0x1  }
0x9f: {  	s19 =	simm.s32 $_scs_section_size  }
0xa0: {  	s5 =	simm.s32 $_size__tile_overlayer_lowered;
	s6 =	simm.s32 $_tile_overlayer_lowered  }
0xa1: {  	s22 =	simm.s32 $0x1BFF;
	s21 =	sshll.u32 s6, $0x1;
	s3 =	sadd.s32 s19, s18  }
0xa2: {  	s7 =	simm.s32 $0x0;
	s20 =	sshll.u32 s5, $0x1;
	s5 =	sadd.s32 s21, s3  }
0xa3: {  	[timem:s7], [sflag:s22] =	dma.local [hbm:s5], s20  }
0xa4: {  	_ =	swait.ge [sflag:s22], s20  }
0xa5: {  	s4 =	ssub.s32 $0x0, s20;
	[sflag:s22] =	ssyncset.done $0x0  }
0xa6: {  	[sflag:s22] =	ssyncadd.s32 s4;
	_ =	sdelay $0x1  }
0xa7: {  	s23 =	simm.s32 $0x1B8B  }
0xa8: {  	_ =	swait.ge [sflag:s23], $0x1  }
0xa9: {  	[sflag:s23] =	ssyncset.done $0x0  }
0xaa: {  	s25 =	simm.s32 $0x1B8E;
	s24 =	sld [smem:$0x3FFE];
	[sflag:s23] =	ssyncadd.s32 $0xFFFFFFFF  }
0xab: {  	s26 =	simm.s32 $execute0_lowered;
	[smem:$0x3FD2] =	sst s25  }
0xac: {  	s5 =	sshll.u32 s26, $0x1;
	_ =	strace $0x80000046;
	[dreg:$0x1] =	wrdreg $0xFFFFFFFF  }
0xad: {  	s28 =	simm.s32 $_size_execute0_lowered;
	s3 =	sadd.s32 s3, s5;
	[dreg:$0x0] =	wrdreg $0x0  }
0xae: {  	s5 =	sshll.u32 s28, $0x1;
	[dreg:$0x2] =	wrdreg s3  }
0xaf: {  	[dreg:$0x3] =	wrdreg s5  }
0xb0: {  	[dreg:$0x4] =	wrdreg $0xC0  }
0xb1: {  	_ =	task [dreg:s7], $0x5FFFF  }
0xb2: {  	[dreg:$0x1] =	wrdreg $0xFFFFFFFF  }
0xb3: {  	[dreg:$0x0] =	wrdreg $0x60  }
0xb4: {  	[dreg:$0x2] =	wrdreg s24  }
0xb5: {  	[dreg:$0x3] =	wrdreg s16  }
0xb6: {  	[dreg:$0x4] =	wrdreg $0x9  }
0xb7: {  	_ =	task.clear_ibuf [dreg:s7], $0x5FFFF;
	_ =	strace $0x90000046  }
0xb8: {  	s29 =	simm.s32 $0x9;
	_ =	strace $0x80000048  }
0xb9: {  	_ =	swait.ge [sflag:s29], $0x1  }
0xba: {  	[sflag:s29] =	ssyncadd.s32 $0xFFFFFFFF  }
0xbb: {  	_ =	strace $0x90000048  }
0xbc: {  	_ =	sfence  }
0xbd: {  	s30 =	sld [smem:$0x0];
	_ =	sdelay $0x2  }
0xbe: {  	s31 =	sshll.u32 s1, $0xD;
	s1 =	sshrl.u32 s1, $0x2  }
0xbf: {  	s3 =	sand.u32 $0x4000, s31;
	s1 =	sadd.s32 s1, s30  }
0xc0: {  	s0 =	sor.u32 s3, s0;
	s1 =	sshll.u32 s1, $0x11  }
0xc1: {  	s0 =	sor.u32 s1, s0  }
0xc2: {  	s0 =	sadd.s32 $0x8F2B, s0  }
0xc3: {  	[sflag:s0] =	ssyncadd.remote.s32 $0x1  }
0xc4: {  	_ =	sfence.sel $0xFFFF  }
0xc5: {  	[dreg:$0x0] =	wrdreg $0xFFFFFFFF;
	(pc) =	sbr.abs _section_cstart, $3  }
0xc6: {  	[dreg:$0x1] =	wrdreg $0xFFFFFFFF  }
0xc7: {  	_ =	task.clear_ibuf [dreg:s7], $0x2FFFF;
	_ =	strace $0x9FFFFFFF  }
0xc8: {  	(tm) =	ssettm $0x7FFFFFFF  }
0xc9: {  	_ =	shalt  }
tec
execute0_lowered:
.L_overlay_start_1:
0x0: {  	(tag) =	ssettag $0x1  }
0x1: {  	s0 =	rddreg [dreg:$0x0]  }
0x2: {  	s2 =	rddreg [dreg:$0x1];
	s1 =	simm.s32 $0x0  }
0x3: {  	s28 =	simm.s32 $0x100;
	[smem:$0x7FF] =	sst s1  }
0x4: {  	s29 =	simm.s32 $0x180;
	_ =	strace $0x80000047;
	[dreg:$0x6] =	wrdreg s28  }
0x5: {  	s30 =	simm.s32 $0x980;
	[dreg:$0x7] =	wrdreg s29  }
0x6: {  	s31 =	simm.s32 $0x200;
	[dreg:$0x8] =	wrdreg s30  }
0x7: {  	s6 =	simm.s32 $0x300;
	[dreg:$0x9] =	wrdreg s31  }
0x8: {  	s7 =	simm.s32 $0xB00;
	[dreg:$0xd] =	wrdreg s6  }
0x9: {  	s8 =	simm.s32 $0x380;
	[dreg:$0xe] =	wrdreg s7  }
0xa: {  	s9 =	simm.s32 $0xB80;
	[dreg:$0xf] =	wrdreg s8  }
0xb: {  	s10 =	simm.s32 $0x400;
	[dreg:$0x10] =	wrdreg s9  }
0xc: {  	s11 =	simm.s32 $0xC00;
	[dreg:$0x11] =	wrdreg s10  }
0xd: {  	s12 =	simm.s32 $0x480;
	[dreg:$0x12] =	wrdreg s11  }
0xe: {  	s13 =	simm.s32 $0xC80;
	[dreg:$0x13] =	wrdreg s12  }
0xf: {  	s14 =	simm.s32 $0x500;
	[dreg:$0x14] =	wrdreg s13  }
0x10: {  	s15 =	simm.s32 $0xD00;
	[dreg:$0x15] =	wrdreg s14  }
0x11: {  	s16 =	simm.s32 $0x580;
	[dreg:$0x16] =	wrdreg s15  }
0x12: {  	s17 =	simm.s32 $0xD80;
	[dreg:$0x17] =	wrdreg s16  }
0x13: {  	s18 =	simm.s32 $0x600;
	[dreg:$0x18] =	wrdreg s17  }
0x14: {  	s19 =	simm.s32 $0xE00;
	[dreg:$0x19] =	wrdreg s18  }
0x15: {  	s20 =	simm.s32 $0x680;
	[dreg:$0x1a] =	wrdreg s19  }
0x16: {  	s25 =	srdreg.scid;
	s21 =	simm.s32 $0xE80;
	[dreg:$0x1b] =	wrdreg s20  }
0x17: {  	s4 =	stileid.u32;
	s22 =	simm.s32 $0x700;
	[dreg:$0x1c] =	wrdreg s21  }
0x18: {  	s23 =	simm.s32 $0xF00;
	s24 =	simm.s32 $0x780;
	[dreg:$0x1d] =	wrdreg s22  }
0x19: {  	s1 =	sand.u32 $0x1, s25;
	s3 =	sshll.u32 s4, $0x1;
	[dreg:$0x1e] =	wrdreg s23  }
0x1a: {  	s4 =	sshll.u32 s4, $0x3;
	[dreg:$0x1f] =	wrdreg s24;
	s28 =	simm.s32 $0x800  }
0x1b: {  	s3 =	sor.u32 s1, s3;
	s29 =	simm.s32 $0x1000;
	[smem:$0x7FA] =	sst s28  }
0x1c: {  	s4 =	sand.u32 $0x70, s4;
	s30 =	simm.s32 $0x880;
	[smem:$0x7FB] =	sst s29  }
0x1d: {  	s31 =	simm.s32 $0x1080;
	s5 =	sshll.u32 s3, $0x8;
	[smem:$0x7FC] =	sst s30  }
0x1e: {  	s4 =	sadd.s32 s0, s4;
	s3 =	sshll.u32 s3, $0x4;
	[smem:$0x7FD] =	sst s31  }
0x1f: {  	[dreg:$0x3] =	wrdreg s4;
	s2 =	sadd.s32 s2, s3  }
0x20: {  	v0 =	vimm.s32 $0xECA86420;
	vm0 =	vcmask $0xB08;
	vm1 =	vcmask $0x1310;
	s3 =	simm.s32 $0xA00;
	[dreg:$0x4] =	wrdreg s2  }
0x21: {  	vm2 =	vcmask $0x1B18;
	vm3 =	vcmask $0x300;
	vm4 =	vcmask $0x2320;
	s4 =	simm.s32 $0x280;
	[dreg:$0xa] =	wrdreg s3  }
0x22: {  	vm5 =	vcmask $0x2B28;
	vm6 =	vcmask $0x3330;
	vm7 =	vcmask $0x3B38;
	s5 =	sadd.s32 s5, s0;
	s0 =	sadd.s32 $0x180000, s0;
	[dreg:$0xb] =	wrdreg s4  }
0x23: {  	v1 =	vlaneseq.u32;
	vm8 =	vmmov $0xff;
	vm9 =	vcmask $0x704;
	s1 =	ssub.s32 $0x2, s1;
	s26 =	sadd.s32 $0x200, s5;
	[smem:$0x7F8] =	sst s0  }
0x24: {  	vm10 =	vcmask $0xF0C;
	vm11 =	vcmask $0x1714;
	v0 =	vunpack.c.l.s4.s8 v0;
	s25 =	sshrl.u32 s1, $0x1;
	s5 =	simm.s32 $0xA80;
	[dreg:$0x5] =	wrdreg s26  }
0x25: {  	vm12 =	vcmask $0x1F1C;
	vm13 =	vcmask $0x2724;
	vm14 =	vcmask $0x2F2C;
	s1 =	ssub.s32 s1, s25;
	[dreg:$0xc] =	wrdreg s5;
	s26 =	simm.s32 $0xF80  }
0x26: {  	vm15 =	vcmask $0x3734;
	v1 =	vmul.u32 $0x2, v1;
	v0 =	vunpack.c.0.s8.s32 v0;
	s1 =	smax.u32 s1, $0x1;
	[smem:$0x7F9] =	sst s26  }
.LBB2_1:
0x27: {  	[smem:$0x7F7] =	sst s1  }
0x28: {  	s0 =	rddreg [dreg:$0x3];
	s30 =	simm.s32 $0x0;
	s31 =	simm.s32 $0x2  }
0x29: {  	[tilespmem:s30], [sflag:$0x2] =	stream.linear.gather [hbm4b:s0+s30], $0x40, $0x38;
	[tilespmem:$0x1100] =	vst v63  }
0x2a: {  	_ =	swait.ge [sflag:s31], $0x40  }
0x2b: {  	[sflag:s31] =	ssyncset.done $0x0  }
0x2c: {  	[sflag:s31] =	ssyncadd.s32 $0xFFFFFFC0  }
0x2d: {  	v2 =	vld [tilespmem:$0x0];
	_ =	sdelay $0x4  }
0x2e: {  	(v2sf) =	vpush v2, $0xD;
	_ =	sdelay $0x1  }
0x2f: {  	(v2sf) =	vpush v2, $0xC;
	_ =	sdelay $0x1  }
0x30: {  	(v2sf) =	vpush v2, $0xE;
	_ =	sdelay $0x1  }
0x31: {  	(v2sf) =	vpush v2, $0xF;
	_ =	sdelay $0x1  }
0x32: {  	(v2sf) =	vpush v2, $0x9;
	_ =	sdelay $0x1  }
0x33: {  	(v2sf) =	vpush v2, $0x8;
	_ =	sdelay $0x1  }
0x34: {  	(v2sf) =	vpush v2, $0xA;
	_ =	sdelay $0x1  }
0x35: {  	(v2sf) =	vpush v2, $0xB  }
0x36: {  	s1 =	spop (v2sf)  }
0x37: {  	(v2sf) =	vpush v2, $0x0;
	s14 =	smulhi.u32 $0x2AAAAAAB, s1;
	s0 =	sshra.s32 s1, $0x1F  }
0x38: {  	s2 =	spop (v2sf);
	s26 =	smul.u32 $0x2AAAAAAB, s0  }
0x39: {  	(v2sf) =	vpush v2, $0x1;
	s16 =	smulhi.u32 $0x2AAAAAAB, s2;
	s0 =	sshra.s32 s2, $0x1F  }
0x3a: {  	s3 =	spop (v2sf);
	s24 =	smul.u32 $0x2AAAAAAB, s0  }
0x3b: {  	(v2sf) =	vpush v2, $0x2;
	s17 =	smulhi.u32 $0x2AAAAAAB, s3;
	s0 =	sshra.s32 s3, $0x1F  }
0x3c: {  	s4 =	spop (v2sf);
	s12 =	smul.u32 $0x2AAAAAAB, s0  }
0x3d: {  	(v2sf) =	vpush v2, $0x3;
	s18 =	smulhi.u32 $0x2AAAAAAB, s4;
	s0 =	sshra.s32 s4, $0x1F  }
0x3e: {  	s5 =	spop (v2sf);
	s23 =	smul.u32 $0x2AAAAAAB, s0  }
0x3f: {  	(v2sf) =	vpush v2, $0x4;
	s19 =	smulhi.u32 $0x2AAAAAAB, s5;
	s0 =	sshra.s32 s5, $0x1F  }
0x40: {  	s6 =	spop (v2sf);
	(v2sf) =	vpush v2, $0x5;
	s4 =	smul.u32 $0x2AAAAAAB, s0  }
0x41: {  	s20 =	smulhi.u32 $0x2AAAAAAB, s6;
	s0 =	sshra.s32 s6, $0x1F  }
0x42: {  	v3 =	vld [tilespmem:$0x10];
	s7 =	spop (v2sf);
	(v2sf) =	vpush v2, $0x6;
	s8 =	smul.u32 $0x2AAAAAAB, s0  }
0x43: {  	s21 =	smulhi.u32 $0x2AAAAAAB, s7;
	s0 =	sshra.s32 s7, $0x1F  }
0x44: {  	s9 =	spop (v2sf);
	s2 =	smul.u32 $0x2AAAAAAB, s0  }
0x45: {  	(v2sf) =	vpush v2, $0x7;
	s22 =	smulhi.u32 $0x2AAAAAAB, s9;
	s0 =	sshra.s32 s9, $0x1F  }
0x46: {  	s3 =	smul.u32 $0x2AAAAAAB, s0;
	s10 =	spop (v2sf)  }
0x47: {  	(v2sf) =	vpush v3, $0xD;
	s25 =	smulhi.u32 $0x2AAAAAAB, s10;
	s0 =	sshra.s32 s10, $0x1F  }
0x48: {  	s11 =	spop (v2sf);
	s15 =	smul.u32 $0x2AAAAAAB, s0  }
0x49: {  	s28 =	smulhi.u32 $0x2AAAAAAB, s11;
	s0 =	sshra.s32 s11, $0x1F  }
0x4a: {  	(v2sf) =	vpush v3, $0xC;
	s13 =	spop (v2sf);
	s11 =	smul.u32 $0x2AAAAAAB, s0  }
0x4b: {  	s29 =	smulhi.u32 $0x2AAAAAAB, s13;
	s0 =	sshra.s32 s13, $0x1F  }
0x4c: {  	s30 =	spop (v2sf);
	s5 =	smul.u32 $0x2AAAAAAB, s0  }
0x4d: {  	(v2sf) =	vpush v3, $0xE;
	s31 =	smulhi.u32 $0x2AAAAAAB, s30;
	s0 =	sshra.s32 s30, $0x1F  }
0x4e: {  	s6 =	spop (v2sf);
	s10 =	smul.u32 $0x2AAAAAAB, s0  }
0x4f: {  	s7 =	smulhi.u32 $0x2AAAAAAB, s6;
	s0 =	sshra.s32 s6, $0x1F;
	s9 =	spop (v2sf)  }
0x50: {  	(v2sf) =	vpush v3, $0xF;
	[smem:$0x794] =	sst s31;
	s30 =	smul.u32 $0x2AAAAAAB, s0  }
0x51: {  	s13 =	smulhi.u32 $0x2AAAAAAB, s9;
	s0 =	sshra.s32 s9, $0x1F;
	s31 =	spop (v2sf)  }
0x52: {  	[smem:$0x795] =	sst s7;
	s7 =	smul.u32 $0x2AAAAAAB, s0  }
0x53: {  	(v2sf) =	vpush v3, $0x9;
	s6 =	smulhi.u32 $0x2AAAAAAB, s31  }
0x54: {  	s9 =	spop (v2sf);
	[smem:$0x796] =	sst s13  }
0x55: {  	s1 =	sshra.s32 s9, $0x1F;
	[smem:$0x797] =	sst s6;
	s6 =	smulhi.u32 $0x2AAAAAAB, s9  }
0x56: {  	(v2sf) =	vpush v3, $0x8;
	s0 =	sshra.s32 s31, $0x1F;
	s31 =	smul.u32 $0x2AAAAAAB, s1;
	s13 =	spop (v2sf)  }
0x57: {  	s9 =	smulhi.u32 $0x2AAAAAAB, s13;
	s1 =	sshra.s32 s13, $0x1F  }
0x58: {  	s1 =	smul.u32 $0x2AAAAAAB, s1  }
0x59: {  	(v2sf) =	vpush v3, $0xA;
	s13 =	spop (v2sf);
	[smem:$0x799] =	sst s9  }
0x5a: {  	s9 =	smulhi.u32 $0x2AAAAAAB, s13;
	[smem:$0x79A] =	sst s1;
	s1 =	sshra.s32 s13, $0x1F  }
0x5b: {  	s1 =	smul.u32 $0x2AAAAAAB, s1  }
0x5c: {  	(v2sf) =	vpush v3, $0xB;
	s13 =	spop (v2sf);
	[smem:$0x79B] =	sst s9  }
0x5d: {  	s9 =	smulhi.u32 $0x2AAAAAAB, s13;
	[smem:$0x79C] =	sst s1;
	s1 =	sshra.s32 s13, $0x1F  }
0x5e: {  	s1 =	smul.u32 $0x2AAAAAAB, s1  }
0x5f: {  	(v2sf) =	vpush v3, $0x0;
	[smem:$0x79D] =	sst s9;
	s13 =	spop (v2sf)  }
0x60: {  	s9 =	smulhi.u32 $0x2AAAAAAB, s13;
	[smem:$0x79E] =	sst s1;
	s1 =	sshra.s32 s13, $0x1F  }
0x61: {  	(v2sf) =	vpush v3, $0x1;
	s1 =	smul.u32 $0x2AAAAAAB, s1  }
0x62: {  	[smem:$0x79F] =	sst s9;
	s13 =	spop (v2sf)  }
0x63: {  	s9 =	smulhi.u32 $0x2AAAAAAB, s13;
	[smem:$0x7A0] =	sst s1;
	s1 =	sshra.s32 s13, $0x1F  }
0x64: {  	(v2sf) =	vpush v3, $0x2;
	s1 =	smul.u32 $0x2AAAAAAB, s1  }
0x65: {  	[smem:$0x7A1] =	sst s9;
	s13 =	spop (v2sf)  }
0x66: {  	s9 =	smulhi.u32 $0x2AAAAAAB, s13;
	[smem:$0x7A2] =	sst s1;
	s1 =	sshra.s32 s13, $0x1F  }
0x67: {  	s1 =	smul.u32 $0x2AAAAAAB, s1  }
0x68: {  	(v2sf) =	vpush v3, $0x3;
	[smem:$0x7A3] =	sst s9;
	s13 =	spop (v2sf)  }
0x69: {  	s9 =	smulhi.u32 $0x2AAAAAAB, s13;
	[smem:$0x7A4] =	sst s1;
	s1 =	sshra.s32 s13, $0x1F  }
0x6a: {  	s1 =	smul.u32 $0x2AAAAAAB, s1  }
0x6b: {  	[smem:$0x7A5] =	sst s9;
	s13 =	spop (v2sf)  }
0x6c: {  	(v2sf) =	vpush v3, $0x4;
	s9 =	smulhi.u32 $0x2AAAAAAB, s13;
	[smem:$0x7A6] =	sst s1;
	s1 =	sshra.s32 s13, $0x1F  }
0x6d: {  	[smem:$0x798] =	sst s6;
	s1 =	smul.u32 $0x2AAAAAAB, s1  }
0x6e: {  	[smem:$0x7A7] =	sst s9;
	s13 =	spop (v2sf)  }
0x6f: {  	s9 =	smulhi.u32 $0x2AAAAAAB, s13;
	[smem:$0x7A8] =	sst s1;
	s1 =	sshra.s32 s13, $0x1F  }
0x70: {  	(v2sf) =	vpush v3, $0x5;
	s13 =	spop (v2sf);
	s6 =	smul.u32 $0x2AAAAAAB, s1  }
0x71: {  	[smem:$0x7A9] =	sst s9;
	s9 =	smulhi.u32 $0x2AAAAAAB, s13;
	s1 =	sshra.s32 s13, $0x1F  }
0x72: {  	s13 =	smul.u32 $0x2AAAAAAB, s1  }
0x73: {  	[smem:$0x7AA] =	sst s9;
	s9 =	spop (v2sf)  }
0x74: {  	(v2sf) =	vpush v3, $0x6;
	s1 =	smulhi.u32 $0x2AAAAAAB, s9;
	s9 =	sshra.s32 s9, $0x1F  }
0x75: {  	s9 =	smul.u32 $0x2AAAAAAB, s9;
	_ =	sdelay $0x1  }
0x76: {  	v4 =	vld [tilespmem:$0x20];
	[smem:$0x7AC] =	sst s9;
	s9 =	spop (v2sf)  }
0x77: {  	(v2sf) =	vpush v3, $0x7;
	[smem:$0x7AB] =	sst s1;
	s1 =	smulhi.u32 $0x2AAAAAAB, s9;
	s9 =	sshra.s32 s9, $0x1F  }
0x78: {  	s9 =	smul.u32 $0x2AAAAAAB, s9;
	_ =	sdelay $0x1  }
0x79: {  	[smem:$0x7AE] =	sst s9;
	s9 =	spop (v2sf)  }
0x7a: {  	(v2sf) =	vpush v4, $0xD;
	[smem:$0x7AD] =	sst s1;
	s1 =	smulhi.u32 $0x2AAAAAAB, s9;
	s9 =	sshra.s32 s9, $0x1F  }
0x7b: {  	s26 =	sadd.s32 s26, s14;
	s9 =	smul.u32 $0x2AAAAAAB, s9  }
0x7c: {  	[smem:$0x7C7] =	sst s26;
	(v2sf) =	vpush v4, $0xC  }
0x7d: {  	s16 =	sadd.s32 s24, s16;
	(v2sf) =	vpush v4, $0xE;
	[smem:$0x7B0] =	sst s9;
	s9 =	spop (v2sf)  }
0x7e: {  	[smem:$0x7AF] =	sst s1;
	s1 =	smulhi.u32 $0x2AAAAAAB, s9;
	s9 =	sshra.s32 s9, $0x1F  }
0x7f: {  	[smem:$0x7C8] =	sst s16;
	s26 =	sadd.s32 s12, s17;
	(v2sf) =	vpush v4, $0xF;
	s9 =	smul.u32 $0x2AAAAAAB, s9  }
0x80: {  	[smem:$0x7C9] =	sst s26  }
0x81: {  	s20 =	sadd.s32 s8, s20;
	[smem:$0x7B2] =	sst s9;
	s9 =	spop (v2sf)  }
0x82: {  	[smem:$0x7B1] =	sst s1;
	s1 =	smulhi.u32 $0x2AAAAAAB, s9;
	s9 =	sshra.s32 s9, $0x1F  }
0x83: {  	[smem:$0x7CA] =	sst s20;
	s9 =	smul.u32 $0x2AAAAAAB, s9  }
0x84: {  	s20 =	sadd.s32 s11, s28;
	s0 =	smul.u32 $0x2AAAAAAB, s0;
	s28 =	sld [smem:$0x797]  }
0x85: {  	s17 =	sadd.s32 s4, s19;
	[smem:$0x7B4] =	sst s9;
	s9 =	spop (v2sf)  }
0x86: {  	[smem:$0x7B3] =	sst s1;
	s1 =	smulhi.u32 $0x2AAAAAAB, s9;
	s9 =	sshra.s32 s9, $0x1F  }
0x87: {  	[smem:$0x7CB] =	sst s17;
	s0 =	sadd.s32 s0, s28;
	s9 =	smul.u32 $0x2AAAAAAB, s9  }
0x88: {  	[smem:$0x7D0] =	sst s0;
	(v2sf) =	vpush v4, $0x9  }
0x89: {  	(v2sf) =	vpush v4, $0x8;
	[smem:$0x7B6] =	sst s9;
	s9 =	spop (v2sf)  }
0x8a: {  	[smem:$0x7B5] =	sst s1;
	s1 =	smulhi.u32 $0x2AAAAAAB, s9;
	s9 =	sshra.s32 s9, $0x1F  }
0x8b: {  	s14 =	spop (v2sf);
	s9 =	smul.u32 $0x2AAAAAAB, s9  }
0x8c: {  	s24 =	smulhi.u32 $0x2AAAAAAB, s14;
	s12 =	spop (v2sf)  }
0x8d: {  	[smem:$0x7B7] =	sst s1;
	s16 =	smulhi.u32 $0x2AAAAAAB, s12  }
0x8e: {  	s19 =	spop (v2sf);
	[smem:$0x7B8] =	sst s9  }
0x8f: {  	[smem:$0x7B9] =	sst s24;
	s9 =	sshra.s32 s14, $0x1F;
	s14 =	sadd.s32 s23, s18  }
0x90: {  	s8 =	smulhi.u32 $0x2AAAAAAB, s19;
	s4 =	sshra.s32 s19, $0x1F;
	s19 =	sld [smem:$0x795]  }
0x91: {  	(v2sf) =	vpush v4, $0xA;
	[smem:$0x7CC] =	sst s14  }
0x92: {  	s23 =	sadd.s32 s2, s21;
	[smem:$0x7BB] =	sst s16  }
0x93: {  	s9 =	smul.u32 $0x2AAAAAAB, s9;
	[smem:$0x7CD] =	sst s23  }
0x94: {  	s24 =	smul.u32 $0x2AAAAAAB, s4;
	s16 =	sld [smem:$0x794]  }
0x95: {  	s4 =	sadd.s32 s3, s22;
	s23 =	sadd.s32 s5, s29;
	s5 =	sld [smem:$0x798]  }
0x96: {  	[smem:$0x7CE] =	sst s4  }
0x97: {  	s17 =	sadd.s32 s15, s25;
	(v2sf) =	vpush v4, $0xB;
	s26 =	spop (v2sf);
	[smem:$0x7BA] =	sst s9  }
0x98: {  	s9 =	sshra.s32 s12, $0x1F;
	[smem:$0x7BD] =	sst s24;
	s12 =	spop (v2sf)  }
0x99: {  	s2 =	sshra.s32 s26, $0x1F;
	s24 =	sld [smem:$0x796];
	s18 =	smul.u32 $0x2AAAAAAB, s9  }
0x9a: {  	s9 =	smul.u32 $0x2AAAAAAB, s2;
	s25 =	sadd.s32 s10, s16;
	s10 =	sld [smem:$0x79A]  }
0x9b: {  	s14 =	smulhi.u32 $0x2AAAAAAB, s12;
	s2 =	sshra.s32 s12, $0x1F;
	s12 =	sld [smem:$0x79B]  }
0x9c: {  	s16 =	sld [smem:$0x79D]  }
0x9d: {  	[smem:$0x7BC] =	sst s18  }
0x9e: {  	(v2sf) =	vpush v4, $0x0;
	[smem:$0x7BE] =	sst s9  }
0x9f: {  	[smem:$0x7BF] =	sst s14  }
0xa0: {  	(v2sf) =	vpush v4, $0x1;
	s15 =	spop (v2sf);
	s9 =	sld [smem:$0x799]  }
0xa1: {  	s29 =	smul.u32 $0x2AAAAAAB, s2;
	s2 =	sshra.s32 s15, $0x1F;
	s14 =	sld [smem:$0x79C]  }
0xa2: {  	s18 =	smulhi.u32 $0x2AAAAAAB, s15;
	s1 =	sadd.s32 s7, s24;
	s24 =	sld [smem:$0x7A1]  }
0xa3: {  	(v2sf) =	vpush v4, $0x2;
	s21 =	smul.u32 $0x2AAAAAAB, s2;
	[smem:$0x7CF] =	sst s1  }
0xa4: {  	(v2sf) =	vpush v4, $0x3;
	[smem:$0x7C0] =	sst s18  }
0xa5: {  	s4 =	smulhi.u32 $0x2AAAAAAB, s26;
	[smem:$0x7C1] =	sst s21  }
0xa6: {  	s22 =	spop (v2sf);
	s18 =	sld [smem:$0x79E]  }
0xa7: {  	s26 =	smulhi.u32 $0x2AAAAAAB, s22;
	s21 =	sld [smem:$0x79F]  }
0xa8: {  	s2 =	sshra.s32 s22, $0x1F;
	s22 =	sld [smem:$0x7A0]  }
0xa9: {  	s1 =	sadd.s32 s10, s9;
	[smem:$0x7C2] =	sst s26  }
0xaa: {  	s2 =	smul.u32 $0x2AAAAAAB, s2;
	[smem:$0x7D1] =	sst s1  }
0xab: {  	s26 =	sld [smem:$0x7A2]  }
0xac: {  	v5 =	vld [tilespmem:$0x30];
	(v2sf) =	vpush v4, $0x4;
	s1 =	sadd.s32 s14, s12;
	[smem:$0x7C3] =	sst s2  }
0xad: {  	s3 =	spop (v2sf);
	[smem:$0x7D3] =	sst s1;
	s1 =	sadd.s32 s18, s16  }
0xae: {  	(v2sf) =	vpush v4, $0x5;
	s2 =	sadd.s32 s22, s21;
	s7 =	smulhi.u32 $0x2AAAAAAB, s3;
	[smem:$0x7D4] =	sst s1  }
0xaf: {  	(v2sf) =	vpush v4, $0x6;
	s0 =	sshra.s32 s3, $0x1F;
	s11 =	spop (v2sf);
	[smem:$0x7D6] =	sst s2  }
0xb0: {  	(v2sf) =	vpush v4, $0x7;
	s0 =	smul.u32 $0x2AAAAAAB, s0;
	s2 =	sadd.s32 s26, s24;
	[smem:$0x7C4] =	sst s7  }
0xb1: {  	(v2sf) =	vpush v5, $0xD;
	s15 =	smulhi.u32 $0x2AAAAAAB, s11;
	[smem:$0x7DA] =	sst s2  }
0xb2: {  	s30 =	sadd.s32 s30, s19;
	(v2sf) =	vpush v5, $0xC;
	s19 =	spop (v2sf);
	[smem:$0x7C5] =	sst s0  }
0xb3: {  	s31 =	sadd.s32 s31, s5;
	(v2sf) =	vpush v5, $0xE;
	s5 =	spop (v2sf);
	[smem:$0x7C6] =	sst s15  }
0xb4: {  	s2 =	sld [smem:$0x7A3]  }
0xb5: {  	s7 =	sld [smem:$0x7A4]  }
0xb6: {  	s9 =	sld [smem:$0x7A5]  }
0xb7: {  	s10 =	sld [smem:$0x7A6]  }
0xb8: {  	s12 =	sld [smem:$0x7A7]  }
0xb9: {  	s0 =	sshra.s32 s11, $0x1F;
	s26 =	smulhi.u32 $0x2AAAAAAB, s5;
	s14 =	sld [smem:$0x7A8]  }
0xba: {  	s1 =	smul.u32 $0x2AAAAAAB, s0;
	s15 =	sld [smem:$0x7A9]  }
0xbb: {  	s0 =	sshra.s32 s19, $0x1F;
	s11 =	spop (v2sf);
	s18 =	sld [smem:$0x7AA]  }
0xbc: {  	s24 =	smul.u32 $0x2AAAAAAB, s0;
	s3 =	sld [smem:$0x7AB]  }
0xbd: {  	s0 =	sshra.s32 s5, $0x1F;
	s21 =	smulhi.u32 $0x2AAAAAAB, s11;
	s5 =	sld [smem:$0x7AC]  }
0xbe: {  	s22 =	smul.u32 $0x2AAAAAAB, s0;
	s0 =	sshra.s32 s11, $0x1F;
	s11 =	sld [smem:$0x7B0]  }
0xbf: {  	s2 =	sadd.s32 s7, s2;
	s7 =	sld [smem:$0x7AD]  }
0xc0: {  	[smem:$0x7D8] =	sst s2  }
0xc1: {  	s28 =	smulhi.u32 $0x2AAAAAAB, s19;
	s2 =	sadd.s32 s10, s9;
	s9 =	sld [smem:$0x7AE]  }
0xc2: {  	s16 =	spop (v2sf);
	s10 =	sld [smem:$0x7AF]  }
0xc3: {  	s19 =	smul.u32 $0x2AAAAAAB, s0;
	[smem:$0x7DC] =	sst s2;
	s2 =	sadd.s32 s14, s12  }
0xc4: {  	s0 =	sshra.s32 s16, $0x1F;
	[smem:$0x7DE] =	sst s2;
	s2 =	sadd.s32 s6, s15  }
0xc5: {  	[smem:$0x7D2] =	sst s2;
	s2 =	sadd.s32 s13, s18;
	s18 =	smulhi.u32 $0x2AAAAAAB, s16  }
0xc6: {  	s6 =	spop (v2sf);
	s16 =	smul.u32 $0x2AAAAAAB, s0  }
0xc7: {  	s15 =	smulhi.u32 $0x2AAAAAAB, s6;
	s0 =	sshra.s32 s6, $0x1F;
	s6 =	sld [smem:$0x7B3]  }
0xc8: {  	[smem:$0x7D5] =	sst s2  }
0xc9: {  	s12 =	spop (v2sf);
	s2 =	sadd.s32 s5, s3;
	s3 =	sld [smem:$0x7B1]  }
0xca: {  	s14 =	smul.u32 $0x2AAAAAAB, s0;
	s5 =	sld [smem:$0x7B2]  }
0xcb: {  	s13 =	smulhi.u32 $0x2AAAAAAB, s12;
	s0 =	sshra.s32 s12, $0x1F;
	s12 =	sld [smem:$0x7B6]  }
0xcc: {  	[smem:$0x7D7] =	sst s2  }
0xcd: {  	s2 =	sadd.s32 s9, s7;
	s7 =	sld [smem:$0x7B4]  }
0xce: {  	[smem:$0x7D9] =	sst s2  }
0xcf: {  	s2 =	sadd.s32 s11, s10;
	s10 =	sld [smem:$0x7B5]  }
0xd0: {  	[smem:$0x7DB] =	sst s2  }
0xd1: {  	s2 =	sadd.s32 s5, s3;
	s5 =	sld [smem:$0x7B7]  }
0xd2: {  	s3 =	sld [smem:$0x7B9]  }
0xd3: {  	(v2sf) =	vpush v5, $0xF;
	s9 =	spop (v2sf);
	[smem:$0x7DD] =	sst s2  }
0xd4: {  	s11 =	smul.u32 $0x2AAAAAAB, s0;
	s2 =	sadd.s32 s7, s6;
	s6 =	sld [smem:$0x7B8]  }
0xd5: {  	s7 =	spop (v2sf);
	[smem:$0x7DF] =	sst s2;
	s2 =	sadd.s32 s12, s10  }
0xd6: {  	s0 =	sshra.s32 s9, $0x1F;
	s12 =	smulhi.u32 $0x2AAAAAAB, s9;
	[smem:$0x7E0] =	sst s2  }
0xd7: {  	s9 =	smul.u32 $0x2AAAAAAB, s0;
	s2 =	sadd.s32 s6, s5;
	s5 =	sld [smem:$0x7BA]  }
0xd8: {  	s10 =	smulhi.u32 $0x2AAAAAAB, s7;
	s0 =	sshra.s32 s7, $0x1F;
	s7 =	sld [smem:$0x7BC]  }
0xd9: {  	s6 =	sld [smem:$0x7BB]  }
0xda: {  	[smem:$0x7E1] =	sst s2;
	s2 =	sadd.s32 s5, s3  }
0xdb: {  	[smem:$0x7E2] =	sst s2  }
0xdc: {  	s2 =	sadd.s32 s7, s6;
	s6 =	sld [smem:$0x7BD];
	_ =	sdelay $0x1  }
0xdd: {  	s5 =	spop (v2sf);
	s3 =	sld [smem:$0x7BE]  }
0xde: {  	s7 =	smul.u32 $0x2AAAAAAB, s0;
	[smem:$0x7E3] =	sst s2;
	s2 =	sadd.s32 s6, s8  }
0xdf: {  	s0 =	sshra.s32 s5, $0x1F;
	s8 =	smulhi.u32 $0x2AAAAAAB, s5;
	[smem:$0x7E5] =	sst s2  }
0xe0: {  	(v2sf) =	vpush v5, $0x9;
	s5 =	smul.u32 $0x2AAAAAAB, s0;
	s2 =	sadd.s32 s3, s4;
	s3 =	sld [smem:$0x7BF]  }
0xe1: {  	s4 =	spop (v2sf);
	[smem:$0x7E7] =	sst s2  }
0xe2: {  	(v2sf) =	vpush v5, $0x8;
	s6 =	smulhi.u32 $0x2AAAAAAB, s4;
	s0 =	sshra.s32 s4, $0x1F;
	s4 =	sld [smem:$0x7C0]  }
0xe3: {  	(v2sf) =	vpush v5, $0xA;
	s2 =	sadd.s32 s29, s3;
	s29 =	sld [smem:$0x7C1]  }
0xe4: {  	(v2sf) =	vpush v5, $0xB;
	s3 =	sld [smem:$0x7C2]  }
0xe5: {  	[smem:$0x7E9] =	sst s2  }
0xe6: {  	s24 =	sadd.s32 s24, s28;
	(v2sf) =	vpush v5, $0x0;
	s2 =	sadd.s32 s29, s4;
	s29 =	sld [smem:$0x7C3]  }
0xe7: {  	[smem:$0x7E8] =	sst s24  }
0xe8: {  	(v2sf) =	vpush v5, $0x1;
	[smem:$0x7EB] =	sst s2  }
0xe9: {  	s2 =	sadd.s32 s29, s3;
	s29 =	sld [smem:$0x7C5]  }
0xea: {  	(v2sf) =	vpush v5, $0x2;
	[smem:$0x7EC] =	sst s2  }
0xeb: {  	s19 =	sadd.s32 s19, s21;
	s2 =	sld [smem:$0x7C4]  }
0xec: {  	[smem:$0x7EA] =	sst s19;
	s9 =	sadd.s32 s9, s12;
	(v2sf) =	vpush v5, $0x3  }
0xed: {  	[smem:$0x7EE] =	sst s9  }
0xee: {  	s2 =	sadd.s32 s29, s2;
	s29 =	sld [smem:$0x7C6]  }
0xef: {  	s4 =	smul.u32 $0x2AAAAAAB, s0;
	s0 =	spop (v2sf)  }
0xf0: {  	s3 =	smulhi.u32 $0x2AAAAAAB, s0;
	s0 =	sshra.s32 s0, $0x1F;
	[smem:$0x7E4] =	sst s2  }
0xf1: {  	s2 =	smul.u32 $0x2AAAAAAB, s0;
	s0 =	spop (v2sf);
	s1 =	sadd.s32 s1, s29  }
0xf2: {  	s26 =	sadd.s32 s22, s26;
	s29 =	spop (v2sf);
	[smem:$0x7E6] =	sst s1  }
0xf3: {  	s28 =	smulhi.u32 $0x2AAAAAAB, s29;
	s24 =	sshra.s32 s29, $0x1F;
	s29 =	spop (v2sf)  }
0xf4: {  	s21 =	sadd.s32 s14, s15;
	s1 =	smulhi.u32 $0x2AAAAAAB, s0;
	[smem:$0x7ED] =	sst s29  }
0xf5: {  	s7 =	sadd.s32 s7, s10;
	s22 =	smul.u32 $0x2AAAAAAB, s24;
	s29 =	spop (v2sf)  }
0xf6: {  	[smem:$0x7EF] =	sst s7;
	s19 =	smulhi.u32 $0x2AAAAAAB, s29;
	s29 =	sshra.s32 s29, $0x1F  }
0xf7: {  	s24 =	sadd.s32 s16, s18;
	s16 =	smul.u32 $0x2AAAAAAB, s29;
	s29 =	spop (v2sf)  }
0xf8: {  	s5 =	sadd.s32 s5, s8;
	s14 =	smulhi.u32 $0x2AAAAAAB, s29;
	s29 =	sshra.s32 s29, $0x1F  }
0xf9: {  	s18 =	sadd.s32 s11, s13;
	s15 =	spop (v2sf);
	s11 =	smul.u32 $0x2AAAAAAB, s29  }
0xfa: {  	[smem:$0x7F0] =	sst s5;
	s9 =	smulhi.u32 $0x2AAAAAAB, s15;
	s29 =	sshra.s32 s15, $0x1F  }
0xfb: {  	s4 =	sadd.s32 s4, s6;
	s13 =	spop (v2sf);
	s12 =	smul.u32 $0x2AAAAAAB, s29  }
0xfc: {  	[smem:$0x7F1] =	sst s4;
	s15 =	smulhi.u32 $0x2AAAAAAB, s13;
	s29 =	sshra.s32 s13, $0x1F  }
0xfd: {  	s2 =	sadd.s32 s2, s3;
	s0 =	sshra.s32 s0, $0x1F;
	s4 =	smul.u32 $0x2AAAAAAB, s29  }
0xfe: {  	[smem:$0x7F2] =	sst s2;
	s0 =	smul.u32 $0x2AAAAAAB, s0  }
0xff: {  	s6 =	sadd.s32 s22, s28;
	s28 =	sadd.s32 s4, s15;
	s15 =	sld [smem:$0x7C9]  }
0x100: {  	[smem:$0x7F5] =	sst s6;
	s10 =	sadd.s32 s11, s14  }
0x101: {  	s0 =	sadd.s32 s0, s1;
	[smem:$0x7F6] =	sst s10  }
0x102: {  	s22 =	sadd.s32 s12, s9;
	s10 =	sld [smem:$0x7CA];
	s6 =	sshrl.u32 s15, $0x6  }
0x103: {  	s9 =	sshrl.u32 s15, $0x1F;
	s1 =	sshra.s32 s15, $0x8;
	s15 =	sld [smem:$0x7CB]  }
0x104: {  	s13 =	sld [smem:$0x7C8];
	s12 =	sshrl.u32 s17, $0x6  }
0x105: {  	[smem:$0x7F3] =	sst s0;
	s8 =	sadd.s32 s16, s19;
	v6 =	vmov s12;
	s19 =	sshrl.u32 s10, $0x6  }
0x106: {  	s16 =	sshrl.u32 s20, $0x6;
	s11 =	sld [smem:$0x7C7];
	v6 =	vnsel vm3, $0x0, v6;
	v8 =	vmov s19;
	s12 =	sshrl.u32 s15, $0x6  }
0x107: {  	s29 =	sshrl.u32 s23, $0x6;
	s14 =	sshrl.u32 s13, $0x6;
	v6 =	vsel vm0, s16, v6;
	v8 =	vsel vm0, s12, v8;
	s12 =	sld [smem:$0x7CD]  }
0x108: {  	s5 =	sshrl.u32 s13, $0x1F;
	s2 =	sshra.s32 s13, $0x8;
	s13 =	sshrl.u32 s25, $0x6;
	v6 =	vsel vm1, s29, v6  }
0x109: {  	s3 =	sshrl.u32 s11, $0x6;
	s4 =	sshrl.u32 s11, $0x1F;
	v6 =	vsel vm2, s13, v6;
	s13 =	sld [smem:$0x7CC]  }
0x10a: {  	s0 =	sshra.s32 s11, $0x8;
	v7 =	vmov s14;
	s11 =	sld [smem:$0x7CE];
	s14 =	sshrl.u32 s12, $0x6  }
0x10b: {  	v7 =	vsel vm0, s3, v7;
	v8 =	vsel vm1, s14, v8;
	s14 =	sld [smem:$0x7CF]  }
0x10c: {  	[smem:$0x7F4] =	sst s8;
	s16 =	sshrl.u32 s30, $0x6;
	v7 =	vsel vm1, s6, v7;
	s3 =	sshrl.u32 s13, $0x6  }
0x10d: {  	s8 =	sshrl.u32 s13, $0x1F;
	v7 =	vsel vm2, s3, v7;
	s3 =	sshra.s32 s13, $0x8;
	s13 =	sld [smem:$0x7D0]  }
0x10e: {  	v9 =	vmov s5;
	s19 =	sshrl.u32 s11, $0x6;
	v6 =	vsel vm4, s16, v6;
	s16 =	sshra.s32 s31, $0x1F;
	s29 =	sshrl.u32 s14, $0x6  }
0x10f: {  	v9 =	vsel vm0, s4, v9;
	v10 =	vmov s16;
	s6 =	sshrl.u32 s15, $0x1F;
	s4 =	sshra.s32 s15, $0x8;
	v6 =	vsel vm5, s29, v6;
	s29 =	sshra.s32 s17, $0x8  }
0x110: {  	v56 =	vmov s2;
	s15 =	sshra.s32 s17, $0x1F;
	s16 =	sshrl.u32 s10, $0x1F;
	s7 =	sshrl.u32 s13, $0x6;
	v10 =	vsel vm3, s29, v10  }
0x111: {  	v8 =	vsel vm2, s19, v8;
	s19 =	sshrl.u32 s31, $0x6;
	v6 =	vsel vm6, s7, v6;
	s7 =	sshrl.u32 s17, $0x1F;
	s17 =	sshra.s32 s20, $0x8;
	v10 =	vsel vm9, s15, v10  }
0x112: {  	s2 =	sld [smem:$0x7D1];
	v12 =	vmov s16;
	v6 =	vsel vm7, s19, v6;
	s19 =	sshrl.u32 s20, $0x1F;
	s20 =	sshra.s32 s20, $0x1F;
	v10 =	vsel vm0, s17, v10  }
0x113: {  	s16 =	sshra.s32 s23, $0x1F;
	v12 =	vsel vm0, s6, v12;
	s6 =	sshra.s32 s11, $0x8;
	s15 =	sshra.s32 s23, $0x8;
	v10 =	vsel vm10, s20, v10  }
0x114: {  	(v2sf) =	vpush v5, $0x4;
	s5 =	sshra.s32 s12, $0x8;
	s29 =	sshrl.u32 s12, $0x1F;
	s12 =	sshrl.u32 s23, $0x1F;
	v11 =	vmov s7;
	v10 =	vsel vm1, s15, v10  }
0x115: {  	s7 =	sshra.s32 s10, $0x8;
	v12 =	vsel vm1, s29, v12;
	s23 =	sshra.s32 s25, $0x8;
	s29 =	sshra.s32 s25, $0x1F;
	v11 =	vnsel vm3, $0x0, v11;
	v10 =	vsel vm11, s16, v10  }
0x116: {  	(v2sf) =	vpush v5, $0x5;
	s10 =	sshrl.u32 s14, $0x1F;
	s17 =	sshrl.u32 s11, $0x1F;
	s11 =	sshra.s32 s30, $0x8;
	v11 =	vsel vm0, s19, v11;
	v10 =	vsel vm2, s23, v10  }
0x117: {  	v9 =	vsel vm1, s9, v9;
	s19 =	sshrl.u32 s25, $0x1F;
	s20 =	sshrl.u32 s30, $0x1F;
	v11 =	vsel vm1, s12, v11;
	s12 =	sshra.s32 s30, $0x1F;
	v10 =	vsel vm12, s29, v10  }
0x118: {  	v9 =	vsel vm2, s8, v9;
	s15 =	sshrl.u32 s13, $0x1F;
	s30 =	sld [smem:$0x7D2];
	v13 =	vsel vm2, s19, v11;
	s16 =	sshra.s32 s14, $0x8;
	v10 =	vsel vm4, s11, v10  }
0x119: {  	v7 =	vcombine.low v8, v7;
	v55 =	vsel vm4, s20, v13;
	s20 =	sshra.s32 s13, $0x8;
	s23 =	sshra.s32 s13, $0x1F;
	s13 =	sld [smem:$0x7D3];
	v14 =	vsel vm13, s12, v10  }
0x11a: {  	v54 =	vsel vm2, s17, v12;
	s17 =	sshra.s32 s14, $0x1F;
	v12 =	vsel vm5, s10, v55;
	s29 =	sld [smem:$0x7D5];
	v14 =	vsel vm5, s16, v14  }
0x11b: {  	v57 =	vmov s7;
	s7 =	sshrl.u32 s2, $0x1F;
	s19 =	sshrl.u32 s31, $0x1F;
	v12 =	vsel vm6, s15, v12;
	s15 =	sld [smem:$0x7D4];
	v14 =	vsel vm14, s17, v14  }
0x11c: {  	s25 =	sshra.s32 s31, $0x8;
	v13 =	vsel vm0, s0, v56;
	s9 =	sshrl.u32 s30, $0x6;
	v12 =	vsel vm7, s19, v12;
	s19 =	sld [smem:$0x7D6];
	v16 =	vsel vm6, s20, v14  }
0x11d: {  	s0 =	sshra.s32 s2, $0x8;
	v13 =	vsel vm1, s1, v13;
	v15 =	vmov s9;
	s12 =	sshrl.u32 s2, $0x6;
	v58 =	vsel vm15, s23, v16;
	s23 =	sld [smem:$0x7D7]  }
0x11e: {  	v10 =	vsel vm2, s3, v13;
	v13 =	vsel vm0, s4, v57;
	s14 =	sshrl.u32 s13, $0x6;
	v15 =	vnsel vm3, $0x0, v15;
	s17 =	sshrl.u32 s29, $0x6;
	s20 =	sld [smem:$0x7D9]  }
0x11f: {  	v7 =	vperm.xlane v7, v0;
	s8 =	sshrl.u32 s13, $0x1F;
	s2 =	sshra.s32 s13, $0x8;
	v13 =	vsel vm1, s5, v13;
	v15 =	vsel vm0, s17, v15;
	s17 =	sld [smem:$0x7DB]  }
0x120: {  	v59 =	vmov s14;
	v14 =	vsel vm2, s6, v13;
	s5 =	sshrl.u32 s19, $0x6;
	v13 =	vsel vm7, s25, v58;
	s25 =	sld [smem:$0x7D8];
	s31 =	sshrl.u32 s23, $0x6  }
0x121: {  	v6 =	vperm.xlane v6, v1;
	s10 =	sshrl.u32 s19, $0x1F;
	v16 =	vsel vm0, s12, v59;
	s12 =	sld [smem:$0x7DA];
	s11 =	sshrl.u32 s20, $0x6;
	v15 =	vsel vm1, s31, v15  }
0x122: {  	(v2sf) =	vpush v5, $0x6;
	v9 =	vcombine.low v54, v9;
	s3 =	sshra.s32 s19, $0x8;
	s19 =	sld [smem:$0x7DC];
	s14 =	sshrl.u32 s17, $0x6;
	v15 =	vsel vm2, s11, v15  }
0x123: {  	v6 =	vsel vm8, v6, v7;
	v62 =	vmov s8;
	s8 =	sshrl.u32 s30, $0x1F;
	s6 =	sshrl.u32 s25, $0x6;
	v18 =	vsel vm4, s14, v15;
	s14 =	sld [smem:$0x7DE]  }
0x124: {  	v9 =	vperm.xlane v9, v0;
	v36 =	vmov s2;
	s16 =	sshrl.u32 s15, $0x6;
	s9 =	sshrl.u32 s15, $0x1F;
	s13 =	sshrl.u32 s12, $0x6;
	v17 =	vmov s6  }
0x125: {  	v12 =	vperm.xlane v12, v1;
	s1 =	sshra.s32 s15, $0x8;
	v16 =	vsel vm1, s16, v16;
	s16 =	sld [smem:$0x7DD];
	s15 =	sshrl.u32 s19, $0x6;
	v17 =	vsel vm0, s13, v17  }
0x126: {  	v20 =	vmov s8;
	v10 =	vcombine.low v14, v10;
	v60 =	vsel vm1, s15, v17;
	s15 =	sld [smem:$0x7DF];
	s13 =	sshrl.u32 s14, $0x6  }
0x127: {  	v20 =	vnsel vm3, $0x0, v20;
	v9 =	vsel vm8, v12, v9;
	s8 =	sshrl.u32 s19, $0x1F;
	v17 =	vsel vm2, s13, v60;
	s13 =	sld [smem:$0x7E0]  }
0x128: {  	v6 =	vadd.s32 v9, v6;
	v10 =	vperm.xlane v10, v0;
	v13 =	vperm.xlane v13, v1;
	s4 =	sshra.s32 s12, $0x8;
	s31 =	sshrl.u32 s16, $0x6;
	s11 =	sshrl.u32 s12, $0x1F  }
0x129: {  	v6 =	vmul.u32 $0x180, v6;
	s6 =	sshrl.u32 s25, $0x1F;
	v15 =	vsel vm2, s5, v16;
	v18 =	vsel vm5, s31, v18;
	s5 =	sshra.s32 s14, $0x8;
	s31 =	sshrl.u32 s15, $0x6  }
0x12a: {  	v10 =	vsel vm8, v13, v10;
	v61 =	vsel vm6, s31, v18;
	v18 =	vsel vm0, s7, v62;
	s7 =	sshra.s32 s25, $0x8;
	s12 =	sshrl.u32 s13, $0x6;
	s31 =	sshra.s32 s13, $0x1F  }
0x12b: {  	s25 =	sshrl.u32 s29, $0x1F;
	v18 =	vsel vm1, s9, v18;
	s9 =	sshrl.u32 s14, $0x1F;
	v16 =	vsel vm7, s12, v61;
	v19 =	vmov s31;
	s12 =	sshra.s32 s30, $0x8  }
0x12c: {  	v21 =	vmov s6;
	v20 =	vsel vm0, s25, v20;
	s14 =	sshrl.u32 s23, $0x1F;
	v19 =	vsel vm3, s12, v19;
	s12 =	sshra.s32 s19, $0x8;
	s19 =	sshra.s32 s30, $0x1F  }
0x12d: {  	s25 =	sshrl.u32 s20, $0x1F;
	v18 =	vsel vm2, s10, v18;
	v20 =	vsel vm1, s14, v20;
	s10 =	sshra.s32 s17, $0x8;
	s30 =	sshra.s32 s29, $0x8;
	v19 =	vsel vm9, s19, v19  }
0x12e: {  	v21 =	vsel vm0, s11, v21;
	s31 =	sshra.s32 s29, $0x1F;
	v22 =	vsel vm2, s25, v20;
	s25 =	sshra.s32 s16, $0x1F;
	s29 =	sshra.s32 s20, $0x8;
	v19 =	vsel vm0, s30, v19  }
0x12f: {  	v9 =	vadd.s32 v9, v10;
	v21 =	vsel vm1, s8, v21;
	s19 =	sshra.s32 s23, $0x8;
	s23 =	sshra.s32 s23, $0x1F;
	s30 =	sshra.s32 s20, $0x1F;
	v19 =	vsel vm10, s31, v19  }
0x130: {  	v38 =	vmov s7;
	v63 =	vsel vm2, s9, v21;
	s31 =	sshrl.u32 s17, $0x1F;
	v19 =	vsel vm1, s19, v19;
	s19 =	sshra.s32 s17, $0x1F;
	s17 =	sld [smem:$0x7E3]  }
0x131: {  	s20 =	sshrl.u32 s16, $0x1F;
	v35 =	vsel vm4, s31, v22;
	v22 =	vsel vm0, s0, v36;
	v19 =	vsel vm11, s23, v19;
	s23 =	sshra.s32 s16, $0x8;
	s16 =	sld [smem:$0x7E2]  }
0x132: {  	s31 =	sshra.s32 s15, $0x1F;
	v21 =	vsel vm5, s20, v35;
	v22 =	vsel vm1, s1, v22;
	s20 =	sld [smem:$0x7E5];
	v19 =	vsel vm2, s29, v19  }
0x133: {  	s29 =	sshrl.u32 s15, $0x1F;
	v37 =	vsel vm2, s3, v22;
	v22 =	vsel vm0, s4, v38;
	v19 =	vsel vm12, s30, v19;
	s30 =	sshra.s32 s15, $0x8;
	s15 =	sld [smem:$0x7E1]  }
0x134: {  	v62 =	vcombine.low v17, v15;
	s14 =	sshrl.u32 s13, $0x1F;
	v21 =	vsel vm6, s29, v21;
	s29 =	sld [smem:$0x7E4];
	v22 =	vsel vm1, s12, v22;
	s12 =	sshrl.u32 s17, $0x1F  }
0x135: {  	v2 =	vsub.s32 v2, v6;
	v9 =	vmul.u32 $0x60, v9;
	s2 =	sshra.s32 s17, $0x8;
	v23 =	vsel vm4, s10, v19;
	s7 =	sshrl.u32 s16, $0x6;
	s10 =	sshrl.u32 s16, $0x1F  }
0x136: {  	v13 =	vperm.xlane v62, v0;
	v63 =	vcombine.low v63, v18;
	v20 =	vshll.u32 v2, $0x10;
	s3 =	sshra.s32 s16, $0x8;
	s16 =	sshrl.u32 s20, $0x6;
	s1 =	sshra.s32 s20, $0x8  }
0x137: {  	v15 =	vshra.s32 v20, $0x1F;
	v21 =	vsel vm7, s14, v21;
	v23 =	vsel vm13, s19, v23;
	s14 =	sshrl.u32 s15, $0x6;
	s9 =	sshrl.u32 s15, $0x1F;
	s0 =	sshra.s32 s15, $0x8  }
0x138: {  	v16 =	vperm.xlane v16, v1;
	v15 =	vand.u32 $0x3, v15;
	v23 =	vsel vm5, s23, v23;
	s15 =	sshrl.u32 s17, $0x6;
	s17 =	sshrl.u32 s20, $0x1F;
	s20 =	sld [smem:$0x7E6]  }
0x139: {  	v14 =	vperm.xlane v63, v0;
	v2 =	vadd.s32 v15, v2;
	s19 =	sshrl.u32 s29, $0x6;
	v23 =	vsel vm14, s25, v23  }
0x13a: {  	v2 =	vshll.u32 v2, $0x10;
	v24 =	vmov s19;
	s25 =	sld [smem:$0x7E7];
	v23 =	vsel vm6, s30, v23  }
0x13b: {  	v2 =	vshra.s32 v2, $0x10;
	v24 =	vnsel vm3, $0x0, v24;
	s23 =	sshrl.u32 s20, $0x6;
	v25 =	vsel vm15, s31, v23;
	s31 =	sld [smem:$0x7E9]  }
0x13c: {  	v2 =	vshra.s32 v2, $0x2;
	v21 =	vperm.xlane v21, v1;
	v24 =	vsel vm0, s23, v24;
	s23 =	sld [smem:$0x7E8]  }
0x13d: {  	(v2sf) =	vpush v5, $0x7;
	s13 =	sshra.s32 s13, $0x8;
	v13 =	vsel vm8, v16, v13;
	v2 =	vadd.s32 v2, v9  }
0x13e: {  	v41 =	vmov s7;
	v14 =	vsel vm8, v21, v14;
	s6 =	sshrl.u32 s25, $0x6;
	v40 =	vsel vm7, s13, v25;
	s13 =	sshrl.u32 s31, $0x6;
	s7 =	sshra.s32 s31, $0x8  }
0x13f: {  	v39 =	vsel vm2, s5, v22;
	v13 =	vadd.s32 v14, v13;
	s30 =	sshrl.u32 s23, $0x6;
	v26 =	vmov s13;
	s13 =	sshrl.u32 s31, $0x1F;
	s31 =	sld [smem:$0x7EB]  }
0x140: {  	v45 =	vmov s10;
	v13 =	vmul.u32 $0x180, v13;
	s11 =	sshrl.u32 s25, $0x1F;
	s4 =	sshra.s32 s25, $0x8;
	s25 =	sshrl.u32 s26, $0x6;
	v24 =	vsel vm1, s30, v24  }
0x141: {  	v48 =	vmov s3;
	s5 =	sshra.s32 s29, $0x8;
	v25 =	vsel vm0, s14, v41;
	v24 =	vsel vm2, s25, v24;
	s25 =	sld [smem:$0x7EA]  }
0x142: {  	s10 =	sshra.s32 s29, $0x1F;
	v23 =	vcombine.low v39, v37;
	v25 =	vsel vm1, s15, v25;
	s15 =	sshrl.u32 s21, $0x6;
	v3 =	vsub.s32 v3, v13;
	s19 =	sshrl.u32 s31, $0x6  }
0x143: {  	v36 =	vperm.xlane v40, v1;
	v26 =	vsel vm0, s6, v26;
	v30 =	vmov s13;
	s14 =	sshrl.u32 s31, $0x1F;
	s6 =	sshra.s32 s31, $0x8;
	s31 =	sld [smem:$0x7EC]  }
0x144: {  	v42 =	vsel vm2, s16, v25;
	s16 =	sshra.s32 s23, $0x8;
	v30 =	vsel vm0, s11, v30;
	v26 =	vsel vm1, s19, v26;
	s19 =	sshrl.u32 s29, $0x1F;
	s30 =	sshrl.u32 s25, $0x6  }
0x145: {  	v37 =	vshll.u32 v3, $0x10;
	s29 =	sshrl.u32 s18, $0x6;
	v30 =	vsel vm1, s14, v30;
	s14 =	sshrl.u32 s21, $0x1F;
	v24 =	vsel vm4, s30, v24;
	s30 =	sshrl.u32 s24, $0x6  }
0x146: {  	v32 =	vmov s7;
	v28 =	vmov s19;
	s19 =	smov.u32 s18;
	s13 =	sshrl.u32 s25, $0x1F;
	s8 =	sshrl.u32 s31, $0x6;
	v27 =	vsel vm5, s30, v24  }
0x147: {  	v28 =	vnsel vm3, $0x0, v28;
	v43 =	vsel vm2, s8, v26;
	s8 =	sshra.s32 s31, $0x8;
	s30 =	sshrl.u32 s20, $0x1F;
	v44 =	vsel vm6, s15, v27;
	s15 =	sshrl.u32 s31, $0x1F  }
0x148: {  	v27 =	vsel vm0, s9, v45;
	s31 =	sshra.s32 s18, $0x1F;
	s18 =	sshra.s32 s20, $0x8;
	v28 =	vsel vm0, s30, v28;
	s30 =	sld [smem:$0x7ED];
	v26 =	vsel vm7, s29, v44  }
0x149: {  	v27 =	vsel vm1, s12, v27;
	v29 =	vmov s31;
	s12 =	sshra.s32 s20, $0x1F;
	s20 =	sshrl.u32 s23, $0x1F;
	s29 =	sshrl.u32 s26, $0x1F;
	v46 =	vsel vm2, s15, v30  }
0x14a: {  	s15 =	sld [smem:$0x7F5];
	v27 =	vsel vm2, s17, v27;
	v28 =	vsel vm1, s20, v28;
	v29 =	vsel vm3, s5, v29;
	s17 =	sshra.s32 s23, $0x1F;
	s20 =	sshra.s32 s26, $0x8  }
0x14b: {  	v38 =	vshra.s32 v37, $0x1F;
	s23 =	sshra.s32 s26, $0x1F;
	s5 =	smulhi.u32 $0x2AAAAAAB, s30;
	v28 =	vsel vm2, s29, v28;
	v29 =	vsel vm9, s10, v29;
	s31 =	sshra.s32 s30, $0x1F  }
0x14c: {  	v40 =	vand.u32 $0x3, v38;
	s30 =	sshrl.u32 s24, $0x1F;
	v28 =	vsel vm4, s13, v28;
	v29 =	vsel vm0, s18, v29;
	s9 =	smul.u32 $0x2AAAAAAB, s31;
	s31 =	spop (v2sf)  }
0x14d: {  	v3 =	vadd.s32 v40, v3;
	s18 =	sshra.s32 s25, $0x8;
	v28 =	vsel vm5, s30, v28;
	v31 =	vsel vm10, s12, v29;
	s12 =	sshra.s32 s25, $0x1F;
	s30 =	spop (v2sf)  }
0x14e: {  	v32 =	vsel vm0, s4, v32;
	v3 =	vshll.u32 v3, $0x10;
	s29 =	sshra.s32 s31, $0x1F;
	s25 =	sld [smem:$0x7EE];
	v47 =	vsel vm1, s16, v31;
	s16 =	smulhi.u32 $0x2AAAAAAB, s31  }
0x14f: {  	v50 =	vsel vm1, s6, v32;
	v41 =	vcombine.low v43, v42;
	s31 =	sshra.s32 s24, $0x8;
	s3 =	smul.u32 $0x2AAAAAAB, s29;
	v30 =	vsel vm11, s17, v47;
	s17 =	sld [smem:$0x7EF]  }
0x150: {  	v42 =	vcombine.low v46, v27;
	v31 =	vsel vm0, s0, v48;
	s0 =	sshra.s32 s24, $0x1F;
	s7 =	spop (v2sf);
	s24 =	sld [smem:$0x7F0];
	v30 =	vsel vm2, s20, v30  }
0x151: {  	v3 =	vshra.s32 v3, $0x10;
	s26 =	sshrl.u32 s19, $0x1F;
	v28 =	vsel vm6, s14, v28;
	s14 =	sld [smem:$0x7F2];
	s13 =	smulhi.u32 $0x2AAAAAAB, s30;
	v33 =	vsel vm12, s23, v30  }
0x152: {  	v13 =	vperm.xlane v42, v0;
	s29 =	sshra.s32 s30, $0x1F;
	v31 =	vsel vm1, s2, v31;
	s23 =	sshrl.u32 s17, $0x6;
	v51 =	vsel vm4, s18, v33;
	s18 =	sld [smem:$0x7F1]  }
0x153: {  	v28 =	vsel vm7, s26, v28;
	s2 =	sshrl.u32 s15, $0x6;
	s11 =	smul.u32 $0x2AAAAAAB, s29;
	v49 =	vsel vm2, s1, v31;
	v52 =	vmov s23;
	s23 =	sld [smem:$0x7F4]  }
0x154: {  	s29 =	sshrl.u32 s22, $0x6;
	s20 =	sshrl.u32 s25, $0x6;
	v31 =	vsel vm2, s8, v50;
	v44 =	vperm.xlane v28, v1;
	v32 =	vsel vm13, s12, v51;
	s12 =	sld [smem:$0x7F3]  }
0x155: {  	v3 =	vshra.s32 v3, $0x2;
	s4 =	sadd.s32 s3, s16;
	s26 =	sshrl.u32 s24, $0x6;
	v49 =	vcombine.low v31, v49;
	v33 =	vsel vm0, s20, v52;
	s20 =	sld [smem:$0x7F6]  }
0x156: {  	v43 =	vperm.xlane v26, v1;
	v46 =	vsel vm8, v44, v13;
	v33 =	vsel vm1, s26, v33;
	s26 =	smulhi.u32 $0x2AAAAAAB, s7;
	s7 =	sshra.s32 s7, $0x1F;
	s30 =	sshrl.u32 s23, $0x6  }
0x157: {  	s6 =	sshrl.u32 s14, $0x6;
	v32 =	vsel vm5, s31, v32;
	v52 =	vperm.xlane v49, v0;
	s8 =	sshrl.u32 s12, $0x6;
	s7 =	smul.u32 $0x2AAAAAAB, s7;
	v34 =	vmov s30  }
0x158: {  	s3 =	sadd.s32 s11, s13;
	s1 =	sshrl.u32 s18, $0x6;
	v32 =	vsel vm14, s0, v32;
	s31 =	sshrl.u32 s20, $0x6;
	v35 =	vmov s8;
	v34 =	vnsel vm3, $0x0, v34  }
0x159: {  	v33 =	vsel vm2, s1, v33;
	s1 =	sadd.s32 s9, s5;
	v35 =	vsel vm0, s6, v35;
	s0 =	sadd.s32 s7, s26;
	s7 =	sshrl.u32 s12, $0x1F;
	v34 =	vsel vm0, s31, v34  }
0x15a: {  	s13 =	sshrl.u32 s4, $0x6;
	s9 =	sshrl.u32 s14, $0x1F;
	s5 =	sshrl.u32 s1, $0x6;
	v53 =	vsel vm1, s2, v35;
	v58 =	vmov s7;
	v35 =	vperm.xlane v23, v0  }
0x15b: {  	s11 =	sshrl.u32 s15, $0x1F;
	s30 =	sshrl.u32 s28, $0x6;
	s31 =	spop (v2sf);
	v34 =	vsel vm1, s29, v34;
	v55 =	vsel vm2, s5, v53;
	v12 =	vsel vm0, s9, v58  }
0x15c: {  	s10 =	smulhi.u32 $0x2AAAAAAB, s31;
	s8 =	sshra.s32 s31, $0x1F;
	v34 =	vsel vm2, s30, v34;
	s30 =	sshrl.u32 s17, $0x1F;
	v12 =	vsel vm1, s11, v12;
	v10 =	vsel vm8, v36, v35  }
0x15d: {  	s16 =	sshrl.u32 s3, $0x6;
	s8 =	smul.u32 $0x2AAAAAAB, s8;
	v7 =	vcombine.low v55, v33;
	v54 =	vsel vm4, s13, v34;
	v57 =	vmov s30  }
0x15e: {  	s26 =	sshrl.u32 s0, $0x6;
	s13 =	sshrl.u32 s23, $0x1F;
	v39 =	vadd.s32 v14, v10;
	v10 =	vperm.xlane v41, v0;
	v11 =	vsel vm5, s16, v54  }
0x15f: {  	s31 =	sshrl.u32 s25, $0x1F;
	s2 =	sadd.s32 s8, s10;
	v59 =	vmov s13;
	s16 =	sshrl.u32 s1, $0x1F;
	v9 =	vmul.u32 $0x60, v39;
	v7 =	vperm.xlane v7, v0  }
0x160: {  	v56 =	vsel vm6, s26, v11;
	s29 =	sshrl.u32 s2, $0x6;
	v11 =	vsel vm0, s31, v57;
	v60 =	vsel vm2, s16, v12  }
0x161: {  	s8 =	sshrl.u32 s24, $0x1F;
	v61 =	vnsel vm3, $0x0, v59;
	s26 =	sshrl.u32 s20, $0x1F;
	s9 =	sshra.s32 s2, $0x1F;
	v45 =	vsel vm8, v43, v10;
	v8 =	vsel vm7, s29, v56  }
0x162: {  	s16 =	sshra.s32 s21, $0x8;
	v11 =	vsel vm1, s8, v11;
	v12 =	vsel vm0, s26, v61;
	v34 =	vmov s9  }
0x163: {  	s10 =	sshrl.u32 s18, $0x1F;
	s29 =	sshrl.u32 s22, $0x1F;
	v3 =	vadd.s32 v3, v9;
	v51 =	vsel vm6, s16, v32;
	v9 =	vadd.s32 v46, v45  }
0x164: {  	s30 =	sshrl.u32 s28, $0x1F;
	s9 =	sshra.s32 s12, $0x8;
	v11 =	vsel vm2, s10, v11;
	v12 =	vsel vm1, s29, v12;
	v8 =	vperm.xlane v8, v1  }
0x165: {  	s11 =	sshra.s32 s23, $0x1F;
	s10 =	sshra.s32 s23, $0x8;
	s23 =	sshra.s32 s21, $0x1F;
	v9 =	vmul.u32 $0x180, v9;
	v55 =	vmov s9;
	v12 =	vsel vm2, s30, v12  }
0x166: {  	s31 =	sshrl.u32 s4, $0x1F;
	v16 =	vsel vm3, s10, v34;
	v6 =	vcombine.low v60, v11;
	v11 =	vsel vm15, s23, v51  }
0x167: {  	s13 =	sshra.s32 s20, $0x8;
	s29 =	sshra.s32 s19, $0x8;
	v12 =	vsel vm4, s31, v12;
	v48 =	vsel vm9, s11, v16;
	v7 =	vsel vm8, v8, v7  }
0x168: {  	s6 =	sshrl.u32 s3, $0x1F;
	s20 =	sshra.s32 s20, $0x1F;
	v11 =	vsel vm7, s29, v11;
	v4 =	vsub.s32 v4, v9;
	v50 =	vsel vm0, s13, v48  }
0x169: {  	s7 =	sshrl.u32 s0, $0x1F;
	s26 =	sshra.s32 s22, $0x8;
	v12 =	vsel vm5, s6, v12;
	v6 =	vperm.xlane v6, v0;
	v8 =	vsel vm10, s20, v50  }
0x16a: {  	s8 =	sshrl.u32 s2, $0x1F;
	s30 =	sshra.s32 s22, $0x1F;
	v11 =	vperm.xlane v11, v1;
	v12 =	vsel vm6, s7, v12;
	v8 =	vsel vm1, s26, v8  }
0x16b: {  	s31 =	sshra.s32 s28, $0x8;
	v56 =	vshll.u32 v4, $0x10;
	v12 =	vsel vm7, s8, v12;
	v8 =	vsel vm11, s30, v8  }
0x16c: {  	s11 =	sshra.s32 s14, $0x8;
	s6 =	sshra.s32 s28, $0x1F;
	v53 =	vsel vm8, v11, v52;
	s8 =	sshra.s32 s17, $0x8;
	v47 =	vperm.xlane v12, v1;
	v8 =	vsel vm2, s31, v8  }
0x16d: {  	s10 =	sshra.s32 s25, $0x8;
	s14 =	sshra.s32 s15, $0x8;
	s7 =	sshra.s32 s4, $0x8;
	v54 =	vmov s8;
	v12 =	vsel vm0, s11, v55;
	v8 =	vsel vm12, s6, v8  }
0x16e: {  	s13 =	sshra.s32 s24, $0x8;
	s4 =	sshra.s32 s4, $0x1F;
	v11 =	vsel vm0, s10, v54;
	v12 =	vsel vm1, s14, v12;
	v8 =	vsel vm4, s7, v8  }
0x16f: {  	s1 =	sshra.s32 s1, $0x8;
	s12 =	sshra.s32 s3, $0x8;
	v6 =	vsel vm8, v47, v6;
	v11 =	vsel vm1, s13, v11;
	v8 =	vsel vm13, s4, v8  }
0x170: {  	s3 =	sshra.s32 s3, $0x1F;
	s15 =	sshra.s32 s18, $0x8;
	v12 =	vsel vm2, s1, v12;
	v7 =	vadd.s32 v6, v7;
	v8 =	vsel vm5, s12, v8  }
0x171: {  	s16 =	sshra.s32 s0, $0x8;
	v11 =	vsel vm2, s15, v11;
	v7 =	vmul.u32 $0x180, v7;
	v8 =	vsel vm14, s3, v8  }
0x172: {  	s0 =	sshra.s32 s0, $0x1F;
	v9 =	vadd.s32 v46, v53;
	v11 =	vcombine.low v12, v11;
	v8 =	vsel vm6, s16, v8  }
0x173: {  	s17 =	sshra.s32 s2, $0x8;
	v12 =	vshra.s32 v56, $0x1F;
	v5 =	vsub.s32 v5, v7;
	v8 =	vsel vm15, s0, v8  }
0x174: {  	v60 =	vand.u32 $0x3, v12;
	v59 =	vshll.u32 v5, $0x10;
	v57 =	vsel vm7, s17, v8  }
0x175: {  	v58 =	vperm.xlane v11, v0;
	v11 =	vshra.s32 v59, $0x1F;
	v7 =	vperm.xlane v57, v1  }
0x176: {  	v9 =	vmul.u32 $0x60, v9;
	v4 =	vadd.s32 v60, v4;
	v61 =	vand.u32 $0x3, v11  }
0x177: {  	v4 =	vshll.u32 v4, $0x10;
	v5 =	vadd.s32 v61, v5;
	v7 =	vsel vm8, v7, v58  }
0x178: {  	v4 =	vshra.s32 v4, $0x10;
	v5 =	vshll.u32 v5, $0x10;
	v6 =	vadd.s32 v6, v7  }
0x179: {  	[tilespmem:$0x0] =	vst v2;
	v2 =	vshra.s32 v4, $0x2;
	v5 =	vshra.s32 v5, $0x10;
	v62 =	vmul.u32 $0x60, v6  }
0x17a: {  	[tilespmem:$0x10] =	vst v3;
	v2 =	vadd.s32 v2, v9;
	v3 =	vshra.s32 v5, $0x2  }
0x17b: {  	s5 =	simm.s32 $0x80;
	[tilespmem:$0x20] =	vst v2;
	v2 =	vadd.s32 v3, v62  }
0x17c: {  	s19 =	simm.s32 $0x2;
	s18 =	rddreg [dreg:$0x4];
	s8 =	simm.s32 $0x0;
	[tilespmem:$0x30] =	vst v2  }
0x17d: {  	[tilespmem:s5], [sflag:$0x2] =	stream.linear.gather [hbm4b:s18+s8], $0x80, $0x38;
	[tilespmem:$0x1100] =	vst v63  }
0x17e: {  	_ =	swait.ge [sflag:s19], $0x80  }
0x17f: {  	[sflag:s19] =	ssyncset.done $0x0  }
0x180: {  	[sflag:s19] =	ssyncadd.s32 $0xFFFFFF80  }
0x181: {  	v2 =	vld [tilespmem:$0x80]  }
0x182: {  	v3 =	vld [tilespmem:$0x0]  }
0x183: {  	v63 =	vld [tilespmem:$0x10]  }
0x184: {  	v12 =	vld [tilespmem:$0x20]  }
0x185: {  	v13 =	vld [tilespmem:$0x30]  }
0x186: {  	v14 =	vld [tilespmem:$0x0]  }
0x187: {  	v15 =	vld [tilespmem:$0x10];
	v3 =	vadd.s32 v2, v3  }
0x188: {  	v16 =	vld [tilespmem:$0x20];
	[tilespmem:$0x100] =	vst v3;
	v3 =	vadd.s32 v2, v63  }
0x189: {  	v17 =	vld [tilespmem:$0x30];
	[tilespmem:$0x110] =	vst v3;
	v3 =	vadd.s32 v2, v12  }
0x18a: {  	v19 =	vld [tilespmem:$0x0];
	v18 =	vadd.s32 $0x2400, v2;
	[tilespmem:$0x120] =	vst v3;
	v3 =	vadd.s32 v2, v13  }
0x18b: {  	v20 =	vld [tilespmem:$0x10];
	[tilespmem:$0x130] =	vst v3;
	v3 =	vadd.s32 v18, v14  }
0x18c: {  	v21 =	vld [tilespmem:$0x20];
	[tilespmem:$0x140] =	vst v3;
	v3 =	vadd.s32 v18, v15  }
0x18d: {  	v22 =	vld [tilespmem:$0x30];
	[tilespmem:$0x150] =	vst v3;
	v3 =	vadd.s32 v18, v16  }
0x18e: {  	v24 =	vld [tilespmem:$0x0];
	v23 =	vadd.s32 $0x4800, v2;
	[tilespmem:$0x160] =	vst v3;
	v3 =	vadd.s32 v18, v17  }
0x18f: {  	v25 =	vld [tilespmem:$0x10];
	[tilespmem:$0x170] =	vst v3;
	v3 =	vadd.s32 v23, v19  }
0x190: {  	v26 =	vld [tilespmem:$0x20];
	[tilespmem:$0x180] =	vst v3;
	v3 =	vadd.s32 v23, v20  }
0x191: {  	v27 =	vld [tilespmem:$0x30];
	[tilespmem:$0x190] =	vst v3;
	v3 =	vadd.s32 v23, v21  }
0x192: {  	v29 =	vld [tilespmem:$0x0];
	v28 =	vadd.s32 $0x6C00, v2;
	[tilespmem:$0x1A0] =	vst v3;
	v3 =	vadd.s32 v23, v22  }
0x193: {  	v30 =	vld [tilespmem:$0x10];
	[tilespmem:$0x1B0] =	vst v3;
	v3 =	vadd.s32 v28, v24  }
0x194: {  	v31 =	vld [tilespmem:$0x20];
	[tilespmem:$0x1C0] =	vst v3;
	v3 =	vadd.s32 v28, v25  }
0x195: {  	v32 =	vld [tilespmem:$0x30];
	[tilespmem:$0x1D0] =	vst v3;
	v3 =	vadd.s32 v28, v26  }
0x196: {  	v34 =	vld [tilespmem:$0x0];
	v33 =	vadd.s32 $0x9000, v2;
	[tilespmem:$0x1E0] =	vst v3;
	v3 =	vadd.s32 v28, v27  }
0x197: {  	v35 =	vld [tilespmem:$0x10];
	[tilespmem:$0x1F0] =	vst v3;
	v3 =	vadd.s32 v33, v29  }
0x198: {  	v36 =	vld [tilespmem:$0x20];
	[tilespmem:$0x200] =	vst v3;
	v3 =	vadd.s32 v33, v30  }
0x199: {  	v37 =	vld [tilespmem:$0x30];
	[tilespmem:$0x210] =	vst v3;
	v3 =	vadd.s32 v33, v31  }
0x19a: {  	v39 =	vld [tilespmem:$0x0];
	v38 =	vadd.s32 $0xB400, v2;
	[tilespmem:$0x220] =	vst v3;
	v3 =	vadd.s32 v33, v32  }
0x19b: {  	v40 =	vld [tilespmem:$0x10];
	[tilespmem:$0x230] =	vst v3;
	v3 =	vadd.s32 v38, v34  }
0x19c: {  	v41 =	vld [tilespmem:$0x20];
	[tilespmem:$0x240] =	vst v3;
	v3 =	vadd.s32 v38, v35  }
0x19d: {  	v42 =	vld [tilespmem:$0x30];
	[tilespmem:$0x250] =	vst v3;
	v3 =	vadd.s32 v38, v36  }
0x19e: {  	v44 =	vld [tilespmem:$0x0];
	v43 =	vadd.s32 $0xD800, v2;
	[tilespmem:$0x260] =	vst v3;
	v3 =	vadd.s32 v38, v37  }
0x19f: {  	v45 =	vld [tilespmem:$0x10];
	[tilespmem:$0x270] =	vst v3;
	v3 =	vadd.s32 v43, v39  }
0x1a0: {  	v46 =	vld [tilespmem:$0x20];
	[tilespmem:$0x280] =	vst v3;
	v3 =	vadd.s32 v43, v40  }
0x1a1: {  	v47 =	vld [tilespmem:$0x30];
	[tilespmem:$0x290] =	vst v3;
	v3 =	vadd.s32 v43, v41  }
0x1a2: {  	v49 =	vld [tilespmem:$0x0];
	v48 =	vadd.s32 $0xFC00, v2;
	[tilespmem:$0x2A0] =	vst v3;
	v3 =	vadd.s32 v43, v42  }
0x1a3: {  	v50 =	vld [tilespmem:$0x10];
	[tilespmem:$0x2B0] =	vst v3;
	v3 =	vadd.s32 v48, v44  }
0x1a4: {  	v51 =	vld [tilespmem:$0x20];
	[tilespmem:$0x2C0] =	vst v3;
	v3 =	vadd.s32 v48, v45  }
0x1a5: {  	v52 =	vld [tilespmem:$0x30];
	[tilespmem:$0x2D0] =	vst v3;
	v3 =	vadd.s32 v48, v46  }
0x1a6: {  	v54 =	vld [tilespmem:$0x0];
	v53 =	vadd.s32 $0x12000, v2;
	[tilespmem:$0x2E0] =	vst v3;
	v3 =	vadd.s32 v48, v47  }
0x1a7: {  	v55 =	vld [tilespmem:$0x10];
	[tilespmem:$0x2F0] =	vst v3;
	v3 =	vadd.s32 v53, v49  }
0x1a8: {  	v56 =	vld [tilespmem:$0x20];
	[tilespmem:$0x300] =	vst v3;
	v3 =	vadd.s32 v53, v50  }
0x1a9: {  	v57 =	vld [tilespmem:$0x30];
	[tilespmem:$0x310] =	vst v3;
	v3 =	vadd.s32 v53, v51  }
0x1aa: {  	v59 =	vld [tilespmem:$0x0];
	v58 =	vadd.s32 $0x14400, v2;
	[tilespmem:$0x320] =	vst v3;
	v3 =	vadd.s32 v53, v52  }
0x1ab: {  	v60 =	vld [tilespmem:$0x10];
	[tilespmem:$0x330] =	vst v3;
	v3 =	vadd.s32 v58, v54  }
0x1ac: {  	v61 =	vld [tilespmem:$0x20];
	[tilespmem:$0x340] =	vst v3;
	v3 =	vadd.s32 v58, v55  }
0x1ad: {  	v62 =	vld [tilespmem:$0x30];
	[tilespmem:$0x350] =	vst v3;
	v3 =	vadd.s32 v58, v56  }
0x1ae: {  	v63 =	vadd.s32 $0x16800, v2;
	v12 =	vld [tilespmem:$0x0];
	[tilespmem:$0x360] =	vst v3;
	v3 =	vadd.s32 v58, v57  }
0x1af: {  	v13 =	vld [tilespmem:$0x10];
	[tilespmem:$0x370] =	vst v3;
	v3 =	vadd.s32 v63, v59  }
0x1b0: {  	v14 =	vld [tilespmem:$0x20];
	[tilespmem:$0x380] =	vst v3;
	v3 =	vadd.s32 v63, v60  }
0x1b1: {  	v15 =	vld [tilespmem:$0x30];
	[tilespmem:$0x390] =	vst v3;
	v3 =	vadd.s32 v63, v61  }
0x1b2: {  	v16 =	vadd.s32 $0x18C00, v2;
	v17 =	vld [tilespmem:$0x0];
	[tilespmem:$0x3A0] =	vst v3;
	v3 =	vadd.s32 v63, v62  }
0x1b3: {  	v18 =	vld [tilespmem:$0x10];
	[tilespmem:$0x3B0] =	vst v3;
	v3 =	vadd.s32 v16, v12  }
0x1b4: {  	v19 =	vld [tilespmem:$0x20];
	[tilespmem:$0x3C0] =	vst v3;
	v3 =	vadd.s32 v16, v13  }
0x1b5: {  	v20 =	vld [tilespmem:$0x30];
	[tilespmem:$0x3D0] =	vst v3;
	v3 =	vadd.s32 v16, v14  }
0x1b6: {  	v21 =	vadd.s32 $0x1B000, v2;
	v22 =	vld [tilespmem:$0x0];
	[tilespmem:$0x3E0] =	vst v3;
	v3 =	vadd.s32 v16, v15  }
0x1b7: {  	v23 =	vld [tilespmem:$0x10];
	[tilespmem:$0x3F0] =	vst v3;
	v3 =	vadd.s32 v21, v17  }
0x1b8: {  	v24 =	vld [tilespmem:$0x20];
	[tilespmem:$0x400] =	vst v3;
	v3 =	vadd.s32 v21, v18  }
0x1b9: {  	v25 =	vld [tilespmem:$0x30];
	[tilespmem:$0x410] =	vst v3;
	v3 =	vadd.s32 v21, v19  }
0x1ba: {  	v26 =	vadd.s32 $0x1D400, v2;
	v27 =	vld [tilespmem:$0x0];
	[tilespmem:$0x420] =	vst v3;
	v3 =	vadd.s32 v21, v20  }
0x1bb: {  	v28 =	vld [tilespmem:$0x10];
	[tilespmem:$0x430] =	vst v3;
	v3 =	vadd.s32 v26, v22  }
0x1bc: {  	v29 =	vld [tilespmem:$0x20];
	[tilespmem:$0x440] =	vst v3;
	v3 =	vadd.s32 v26, v23  }
0x1bd: {  	v30 =	vld [tilespmem:$0x30];
	[tilespmem:$0x450] =	vst v3;
	v3 =	vadd.s32 v26, v24  }
0x1be: {  	v31 =	vadd.s32 $0x1F800, v2;
	v32 =	vld [tilespmem:$0x0];
	[tilespmem:$0x460] =	vst v3;
	v3 =	vadd.s32 v26, v25  }
0x1bf: {  	v33 =	vld [tilespmem:$0x10];
	[tilespmem:$0x470] =	vst v3;
	v3 =	vadd.s32 v31, v27  }
0x1c0: {  	v34 =	vld [tilespmem:$0x20];
	[tilespmem:$0x480] =	vst v3;
	v3 =	vadd.s32 v31, v28  }
0x1c1: {  	v35 =	vld [tilespmem:$0x30];
	[tilespmem:$0x490] =	vst v3;
	v3 =	vadd.s32 v31, v29  }
0x1c2: {  	v36 =	vadd.s32 $0x21C00, v2;
	v37 =	vld [tilespmem:$0x0];
	[tilespmem:$0x4A0] =	vst v3;
	v3 =	vadd.s32 v31, v30  }
0x1c3: {  	v38 =	vld [tilespmem:$0x10];
	[tilespmem:$0x4B0] =	vst v3;
	v3 =	vadd.s32 v36, v32  }
0x1c4: {  	v39 =	vld [tilespmem:$0x20];
	[tilespmem:$0x4C0] =	vst v3;
	v3 =	vadd.s32 v36, v33  }
0x1c5: {  	v40 =	vld [tilespmem:$0x30];
	[tilespmem:$0x4D0] =	vst v3;
	v3 =	vadd.s32 v36, v34  }
0x1c6: {  	v41 =	vadd.s32 $0x24000, v2;
	v42 =	vld [tilespmem:$0x0];
	[tilespmem:$0x4E0] =	vst v3;
	v3 =	vadd.s32 v36, v35  }
0x1c7: {  	v43 =	vld [tilespmem:$0x10];
	[tilespmem:$0x4F0] =	vst v3;
	v3 =	vadd.s32 v41, v37  }
0x1c8: {  	v44 =	vld [tilespmem:$0x20];
	[tilespmem:$0x500] =	vst v3;
	v3 =	vadd.s32 v41, v38  }
0x1c9: {  	v45 =	vld [tilespmem:$0x30];
	[tilespmem:$0x510] =	vst v3;
	v3 =	vadd.s32 v41, v39  }
0x1ca: {  	v46 =	vadd.s32 $0x26400, v2;
	v47 =	vld [tilespmem:$0x0];
	[tilespmem:$0x520] =	vst v3;
	v3 =	vadd.s32 v41, v40  }
0x1cb: {  	v48 =	vld [tilespmem:$0x10];
	[tilespmem:$0x530] =	vst v3;
	v3 =	vadd.s32 v46, v42  }
0x1cc: {  	v49 =	vld [tilespmem:$0x20];
	[tilespmem:$0x540] =	vst v3;
	v3 =	vadd.s32 v46, v43  }
0x1cd: {  	v50 =	vld [tilespmem:$0x30];
	[tilespmem:$0x550] =	vst v3;
	v3 =	vadd.s32 v46, v44  }
0x1ce: {  	v51 =	vadd.s32 $0x28800, v2;
	v52 =	vld [tilespmem:$0x0];
	[tilespmem:$0x560] =	vst v3;
	v3 =	vadd.s32 v46, v45  }
0x1cf: {  	v53 =	vld [tilespmem:$0x10];
	[tilespmem:$0x570] =	vst v3;
	v3 =	vadd.s32 v51, v47  }
0x1d0: {  	v54 =	vld [tilespmem:$0x20];
	[tilespmem:$0x580] =	vst v3;
	v3 =	vadd.s32 v51, v48  }
0x1d1: {  	v55 =	vld [tilespmem:$0x30];
	[tilespmem:$0x590] =	vst v3;
	v3 =	vadd.s32 v51, v49  }
0x1d2: {  	v56 =	vadd.s32 $0x2AC00, v2;
	v57 =	vld [tilespmem:$0x0];
	[tilespmem:$0x5A0] =	vst v3;
	v3 =	vadd.s32 v51, v50  }
0x1d3: {  	v58 =	vld [tilespmem:$0x10];
	[tilespmem:$0x5B0] =	vst v3;
	v3 =	vadd.s32 v56, v52  }
0x1d4: {  	v59 =	vld [tilespmem:$0x20];
	[tilespmem:$0x5C0] =	vst v3;
	v3 =	vadd.s32 v56, v53  }
0x1d5: {  	v60 =	vld [tilespmem:$0x30];
	[tilespmem:$0x5D0] =	vst v3;
	v3 =	vadd.s32 v56, v54  }
0x1d6: {  	v61 =	vadd.s32 $0x2D000, v2;
	v62 =	vld [tilespmem:$0x0];
	[tilespmem:$0x5E0] =	vst v3;
	v3 =	vadd.s32 v56, v55  }
0x1d7: {  	v63 =	vld [tilespmem:$0x10];
	[tilespmem:$0x5F0] =	vst v3;
	v3 =	vadd.s32 v61, v57  }
0x1d8: {  	v12 =	vld [tilespmem:$0x20];
	[tilespmem:$0x600] =	vst v3;
	v3 =	vadd.s32 v61, v58  }
0x1d9: {  	v13 =	vld [tilespmem:$0x30];
	[tilespmem:$0x610] =	vst v3;
	v3 =	vadd.s32 v61, v59  }
0x1da: {  	v14 =	vadd.s32 $0x2F400, v2;
	v15 =	vld [tilespmem:$0x0];
	[tilespmem:$0x620] =	vst v3;
	v3 =	vadd.s32 v61, v60  }
0x1db: {  	v16 =	vld [tilespmem:$0x10];
	[tilespmem:$0x630] =	vst v3;
	v3 =	vadd.s32 v14, v62  }
0x1dc: {  	v17 =	vld [tilespmem:$0x20];
	[tilespmem:$0x640] =	vst v3;
	v3 =	vadd.s32 v14, v63  }
0x1dd: {  	v18 =	vld [tilespmem:$0x30];
	[tilespmem:$0x650] =	vst v3;
	v3 =	vadd.s32 v14, v12  }
0x1de: {  	v19 =	vadd.s32 $0x31800, v2;
	v20 =	vld [tilespmem:$0x0];
	[tilespmem:$0x660] =	vst v3;
	v3 =	vadd.s32 v14, v13  }
0x1df: {  	v21 =	vld [tilespmem:$0x10];
	[tilespmem:$0x670] =	vst v3;
	v3 =	vadd.s32 v19, v15  }
0x1e0: {  	v22 =	vld [tilespmem:$0x20];
	[tilespmem:$0x680] =	vst v3;
	v3 =	vadd.s32 v19, v16  }
0x1e1: {  	v23 =	vld [tilespmem:$0x30];
	[tilespmem:$0x690] =	vst v3;
	v3 =	vadd.s32 v19, v17  }
0x1e2: {  	v24 =	vadd.s32 $0x33C00, v2;
	v25 =	vld [tilespmem:$0x0];
	[tilespmem:$0x6A0] =	vst v3;
	v3 =	vadd.s32 v19, v18  }
0x1e3: {  	v26 =	vld [tilespmem:$0x10];
	[tilespmem:$0x6B0] =	vst v3;
	v3 =	vadd.s32 v24, v20  }
0x1e4: {  	v27 =	vld [tilespmem:$0x20];
	[tilespmem:$0x6C0] =	vst v3;
	v3 =	vadd.s32 v24, v21  }
0x1e5: {  	v28 =	vld [tilespmem:$0x30];
	[tilespmem:$0x6D0] =	vst v3;
	v3 =	vadd.s32 v24, v22  }
0x1e6: {  	v29 =	vadd.s32 $0x36000, v2;
	v30 =	vld [tilespmem:$0x0];
	[tilespmem:$0x6E0] =	vst v3;
	v3 =	vadd.s32 v24, v23  }
0x1e7: {  	v31 =	vld [tilespmem:$0x10];
	[tilespmem:$0x6F0] =	vst v3;
	v3 =	vadd.s32 v29, v25  }
0x1e8: {  	v32 =	vld [tilespmem:$0x20];
	[tilespmem:$0x700] =	vst v3;
	v3 =	vadd.s32 v29, v26  }
0x1e9: {  	v33 =	vld [tilespmem:$0x30];
	[tilespmem:$0x710] =	vst v3;
	v3 =	vadd.s32 v29, v27  }
0x1ea: {  	v34 =	vadd.s32 $0x38400, v2;
	v35 =	vld [tilespmem:$0x0];
	[tilespmem:$0x720] =	vst v3;
	v3 =	vadd.s32 v29, v28  }
0x1eb: {  	v36 =	vld [tilespmem:$0x10];
	[tilespmem:$0x730] =	vst v3;
	v3 =	vadd.s32 v34, v30  }
0x1ec: {  	v37 =	vld [tilespmem:$0x20];
	[tilespmem:$0x740] =	vst v3;
	v3 =	vadd.s32 v34, v31  }
0x1ed: {  	v38 =	vld [tilespmem:$0x30];
	[tilespmem:$0x750] =	vst v3;
	v3 =	vadd.s32 v34, v32  }
0x1ee: {  	v39 =	vadd.s32 $0x3A800, v2;
	v40 =	vld [tilespmem:$0x0];
	[tilespmem:$0x760] =	vst v3;
	v3 =	vadd.s32 v34, v33  }
0x1ef: {  	v41 =	vld [tilespmem:$0x10];
	[tilespmem:$0x770] =	vst v3;
	v3 =	vadd.s32 v39, v35  }
0x1f0: {  	v42 =	vld [tilespmem:$0x20];
	[tilespmem:$0x780] =	vst v3;
	v3 =	vadd.s32 v39, v36  }
0x1f1: {  	v43 =	vld [tilespmem:$0x30];
	[tilespmem:$0x790] =	vst v3;
	v3 =	vadd.s32 v39, v37  }
0x1f2: {  	v44 =	vadd.s32 $0x3CC00, v2;
	v45 =	vld [tilespmem:$0x0];
	[tilespmem:$0x7A0] =	vst v3;
	v3 =	vadd.s32 v39, v38  }
0x1f3: {  	v46 =	vld [tilespmem:$0x10];
	[tilespmem:$0x7B0] =	vst v3;
	v3 =	vadd.s32 v44, v40  }
0x1f4: {  	v47 =	vld [tilespmem:$0x20];
	[tilespmem:$0x7C0] =	vst v3;
	v3 =	vadd.s32 v44, v41  }
0x1f5: {  	v48 =	vld [tilespmem:$0x30];
	[tilespmem:$0x7D0] =	vst v3;
	v3 =	vadd.s32 v44, v42  }
0x1f6: {  	s20 =	rddreg [dreg:$0x6];
	v49 =	vadd.s32 $0x3F000, v2;
	v50 =	vld [tilespmem:$0x0];
	[tilespmem:$0x7E0] =	vst v3;
	v3 =	vadd.s32 v44, v43  }
0x1f7: {  	s21 =	rddreg [dreg:$0x7];
	v51 =	vld [tilespmem:$0x10];
	[tilespmem:$0x7F0] =	vst v3;
	v3 =	vadd.s32 v49, v45  }
0x1f8: {  	s22 =	rddreg [dreg:$0x8];
	v52 =	vld [tilespmem:$0x20];
	[tilespmem:$0x800] =	vst v3;
	v3 =	vadd.s32 v49, v46  }
0x1f9: {  	s4 =	sld [smem:$0x7F8];
	v53 =	vld [tilespmem:$0x30];
	[tilespmem:$0x810] =	vst v3;
	v3 =	vadd.s32 v49, v47  }
0x1fa: {  	s23 =	rddreg [dreg:$0x9];
	v54 =	vadd.s32 $0x41400, v2;
	v55 =	vld [tilespmem:$0x0];
	[tilespmem:$0x820] =	vst v3;
	v3 =	vadd.s32 v49, v48  }
0x1fb: {  	s24 =	rddreg [dreg:$0xa];
	v56 =	vld [tilespmem:$0x10];
	[tilespmem:$0x830] =	vst v3;
	v3 =	vadd.s32 v54, v50  }
0x1fc: {  	s25 =	rddreg [dreg:$0xb];
	v57 =	vld [tilespmem:$0x20];
	[tilespmem:$0x840] =	vst v3;
	v3 =	vadd.s32 v54, v51  }
0x1fd: {  	s26 =	rddreg [dreg:$0xc];
	v58 =	vld [tilespmem:$0x30];
	[tilespmem:$0x850] =	vst v3;
	v3 =	vadd.s32 v54, v52  }
0x1fe: {  	s28 =	rddreg [dreg:$0xd];
	v59 =	vadd.s32 $0x43800, v2;
	v60 =	vld [tilespmem:$0x0];
	[tilespmem:$0x860] =	vst v3;
	v3 =	vadd.s32 v54, v53  }
0x1ff: {  	s29 =	rddreg [dreg:$0xe];
	v61 =	vld [tilespmem:$0x10];
	[tilespmem:$0x870] =	vst v3;
	v3 =	vadd.s32 v59, v55  }
0x200: {  	s30 =	rddreg [dreg:$0xf];
	v62 =	vld [tilespmem:$0x20];
	[tilespmem:$0x880] =	vst v3;
	v3 =	vadd.s32 v59, v56  }
0x201: {  	s31 =	rddreg [dreg:$0x10];
	v63 =	vld [tilespmem:$0x30];
	[tilespmem:$0x890] =	vst v3;
	v3 =	vadd.s32 v59, v57  }
0x202: {  	s3 =	rddreg [dreg:$0x11];
	v2 =	vadd.s32 $0x45C00, v2;
	[tilespmem:$0x8A0] =	vst v3;
	v3 =	vadd.s32 v59, v58  }
0x203: {  	s9 =	rddreg [dreg:$0x12];
	[tilespmem:$0x8B0] =	vst v3;
	v3 =	vadd.s32 v2, v60  }
0x204: {  	s10 =	rddreg [dreg:$0x13];
	[tilespmem:$0x8C0] =	vst v3;
	v3 =	vadd.s32 v2, v61  }
0x205: {  	s11 =	rddreg [dreg:$0x14];
	[tilespmem:$0x8D0] =	vst v3;
	v3 =	vadd.s32 v2, v62  }
0x206: {  	s12 =	rddreg [dreg:$0x15];
	v2 =	vadd.s32 v2, v63;
	[tilespmem:$0x8E0] =	vst v3  }
0x207: {  	s6 =	simm.s32 $0x900;
	s13 =	rddreg [dreg:$0x16];
	[tilespmem:$0x8F0] =	vst v2  }
0x208: {  	[tilespmem:s6], [sflag:$0x1] =	stream.indirect.gather [hbm4b:s4+s5], $0x1, s20, s5, $0xb8;
	[tilespmem:$0x1100] =	vst v63  }
0x209: {  	s14 =	rddreg [dreg:$0x17]  }
0x20a: {  	[tilespmem:s22], [sflag:$0x1] =	stream.indirect.gather [hbm4b:s4+s5], $0x1, s21, s5, $0xb8;
	[tilespmem:$0x1100] =	vst v63  }
0x20b: {  	s15 =	rddreg [dreg:$0x18]  }
0x20c: {  	[tilespmem:s24], [sflag:$0x1] =	stream.indirect.gather [hbm4b:s4+s5], $0x1, s23, s5, $0xb8;
	[tilespmem:$0x1100] =	vst v63  }
0x20d: {  	s16 =	rddreg [dreg:$0x19]  }
0x20e: {  	[tilespmem:s26], [sflag:$0x1] =	stream.indirect.gather [hbm4b:s4+s5], $0x1, s25, s5, $0xb8;
	[tilespmem:$0x1100] =	vst v63  }
0x20f: {  	s17 =	rddreg [dreg:$0x1a]  }
0x210: {  	[tilespmem:s29], [sflag:$0x1] =	stream.indirect.gather [hbm4b:s4+s5], $0x1, s28, s5, $0xb8;
	[tilespmem:$0x1100] =	vst v63  }
0x211: {  	s18 =	rddreg [dreg:$0x1b]  }
0x212: {  	[tilespmem:s31], [sflag:$0x1] =	stream.indirect.gather [hbm4b:s4+s5], $0x1, s30, s5, $0xb8;
	[tilespmem:$0x1100] =	vst v63  }
0x213: {  	s19 =	rddreg [dreg:$0x1c]  }
0x214: {  	[tilespmem:s9], [sflag:$0x1] =	stream.indirect.gather [hbm4b:s4+s5], $0x1, s3, s5, $0xb8;
	[tilespmem:$0x1100] =	vst v63  }
0x215: {  	s20 =	rddreg [dreg:$0x1d]  }
0x216: {  	[tilespmem:s11], [sflag:$0x1] =	stream.indirect.gather [hbm4b:s4+s5], $0x1, s10, s5, $0xb8;
	[tilespmem:$0x1100] =	vst v63  }
0x217: {  	s21 =	rddreg [dreg:$0x1e]  }
0x218: {  	[tilespmem:s13], [sflag:$0x1] =	stream.indirect.gather [hbm4b:s4+s5], $0x1, s12, s5, $0xb8;
	[tilespmem:$0x1100] =	vst v63  }
0x219: {  	s22 =	rddreg [dreg:$0x1f]  }
0x21a: {  	[tilespmem:s15], [sflag:$0x1] =	stream.indirect.gather [hbm4b:s4+s5], $0x1, s14, s5, $0xb8;
	[tilespmem:$0x1100] =	vst v63  }
0x21b: {  	s23 =	sld [smem:$0x7F9]  }
0x21c: {  	[tilespmem:s17], [sflag:$0x1] =	stream.indirect.gather [hbm4b:s4+s5], $0x1, s16, s5, $0xb8;
	[tilespmem:$0x1100] =	vst v63  }
0x21d: {  	s24 =	sld [smem:$0x7FA]  }
0x21e: {  	[tilespmem:s19], [sflag:$0x1] =	stream.indirect.gather [hbm4b:s4+s5], $0x1, s18, s5, $0xb8;
	[tilespmem:$0x1100] =	vst v63  }
0x21f: {  	s25 =	sld [smem:$0x7FB]  }
0x220: {  	[tilespmem:s21], [sflag:$0x1] =	stream.indirect.gather [hbm4b:s4+s5], $0x1, s20, s5, $0xb8;
	[tilespmem:$0x1100] =	vst v63  }
0x221: {  	s26 =	sld [smem:$0x7FC]  }
0x222: {  	[tilespmem:s23], [sflag:$0x1] =	stream.indirect.gather [hbm4b:s4+s5], $0x1, s22, s5, $0xb8;
	[tilespmem:$0x1100] =	vst v63  }
0x223: {  	s28 =	sld [smem:$0x7FD]  }
0x224: {  	[tilespmem:s25], [sflag:$0x1] =	stream.indirect.gather [hbm4b:s4+s5], $0x1, s24, s5, $0xb8;
	[tilespmem:$0x1100] =	vst v63  }
0x225: {  	s30 =	simm.s32 $0x1  }
0x226: {  	[tilespmem:s28], [sflag:$0x1] =	stream.indirect.gather [hbm4b:s4+s5], $0x1, s26, s5, $0xb8;
	[tilespmem:$0x1100] =	vst v63  }
0x227: {  	s29 =	sld [smem:$0x7F7];
	_ =	swait.ge [sflag:s30], $0x80  }
0x228: {  	[sflag:s30] =	ssyncset.done $0x0  }
0x229: {  	[sflag:s30] =	ssyncadd.s32 $0xFFFFFF80  }
0x22a: {  	_ =	swait.ge [sflag:s30], $0x80  }
0x22b: {  	[sflag:s30] =	ssyncset.done $0x0  }
0x22c: {  	[sflag:s30] =	ssyncadd.s32 $0xFFFFFF80  }
0x22d: {  	_ =	swait.ge [sflag:s30], $0x80  }
0x22e: {  	[sflag:s30] =	ssyncset.done $0x0  }
0x22f: {  	[sflag:s30] =	ssyncadd.s32 $0xFFFFFF80  }
0x230: {  	_ =	swait.ge [sflag:s30], $0x80  }
0x231: {  	[sflag:s30] =	ssyncset.done $0x0  }
0x232: {  	[sflag:s30] =	ssyncadd.s32 $0xFFFFFF80  }
0x233: {  	_ =	swait.ge [sflag:s30], $0x80  }
0x234: {  	[sflag:s30] =	ssyncset.done $0x0  }
0x235: {  	[sflag:s30] =	ssyncadd.s32 $0xFFFFFF80  }
0x236: {  	_ =	swait.ge [sflag:s30], $0x80  }
0x237: {  	[sflag:s30] =	ssyncset.done $0x0  }
0x238: {  	[sflag:s30] =	ssyncadd.s32 $0xFFFFFF80  }
0x239: {  	_ =	swait.ge [sflag:s30], $0x80  }
0x23a: {  	[sflag:s30] =	ssyncset.done $0x0  }
0x23b: {  	[sflag:s30] =	ssyncadd.s32 $0xFFFFFF80  }
0x23c: {  	_ =	swait.ge [sflag:s30], $0x80  }
0x23d: {  	[sflag:s30] =	ssyncset.done $0x0  }
0x23e: {  	[sflag:s30] =	ssyncadd.s32 $0xFFFFFF80  }
0x23f: {  	_ =	swait.ge [sflag:s30], $0x80  }
0x240: {  	[sflag:s30] =	ssyncset.done $0x0  }
0x241: {  	[sflag:s30] =	ssyncadd.s32 $0xFFFFFF80  }
0x242: {  	_ =	swait.ge [sflag:s30], $0x80  }
0x243: {  	[sflag:s30] =	ssyncset.done $0x0  }
0x244: {  	[sflag:s30] =	ssyncadd.s32 $0xFFFFFF80  }
0x245: {  	_ =	swait.ge [sflag:s30], $0x80  }
0x246: {  	[sflag:s30] =	ssyncset.done $0x0  }
0x247: {  	[sflag:s30] =	ssyncadd.s32 $0xFFFFFF80  }
0x248: {  	_ =	swait.ge [sflag:s30], $0x80  }
0x249: {  	[sflag:s30] =	ssyncset.done $0x0  }
0x24a: {  	[sflag:s30] =	ssyncadd.s32 $0xFFFFFF80  }
0x24b: {  	_ =	swait.ge [sflag:s30], $0x80  }
0x24c: {  	[sflag:s30] =	ssyncset.done $0x0  }
0x24d: {  	[sflag:s30] =	ssyncadd.s32 $0xFFFFFF80  }
0x24e: {  	_ =	swait.ge [sflag:s30], $0x80  }
0x24f: {  	[sflag:s30] =	ssyncset.done $0x0  }
0x250: {  	[sflag:s30] =	ssyncadd.s32 $0xFFFFFF80  }
0x251: {  	_ =	swait.ge [sflag:s30], $0x80  }
0x252: {  	[sflag:s30] =	ssyncset.done $0x0  }
0x253: {  	[sflag:s30] =	ssyncadd.s32 $0xFFFFFF80  }
0x254: {  	_ =	swait.ge [sflag:s30], $0x80  }
0x255: {  	s7 =	simm.s32 $0x2;
	p0 =	sne.s32 s29, $0x1;
	[sflag:s30] =	ssyncset.done $0x0  }
.Ltmp0:
0x256: {  	s31 =	rddreg [dreg:$0x5];
	[sflag:s30] =	ssyncadd.s32 $0xFFFFFF80;
	(pc) =	sbr.rel @p0 .LBB2_1-.Ltmp0, $4  }
0x257: {  	[hbm4b:s31+s8] =	stream.linear.scatter [tilespmem:s6], [sflag:$0x2], $0x800, $0x38;
	[tilespmem:$0x1100] =	vst v63  }
0x258: {  	_ =	swait.ge [sflag:s7], $0x800  }
0x259: {  	[sflag:s7] =	ssyncset.done $0x0  }
0x25a: {  	s1 =	sadd.s32 $0xFFFFFFFF, s29;
	[sflag:s7] =	ssyncadd.s32 $0xFFFFF800  }
0x25b: {  	_ =	sfence.sel $0x180000  }
0x25c: {  	[bflag:$0x0] =	sbarrier.arrive $0xFFFF  }
0x25d: {  	_ =	strace $0x90000047  }
0x25e: {  	s0 =	stileid.u32;
	[bflag:$0x2] =	sbarrier.arrive $0xFFFF  }
0x25f: {  	p0 =	sne.s32 s0, $0x0;
	s0 =	rddreg [dreg:$0x2]  }
0x260: {  	s0 =	sadd.s32 @!p0 $0x100000, s0  }
0x261: {  	[sflag:s0] =	ssyncadd.tile.s32 @!p0 $0x1;
	_ =	shalt  }
.Lfunc_end2:
_tile_overlayer_lowered:
.L_overlay_start_2:
0x262: {  	(tag) =	ssettag $0x2  }
0x263: {  	s0 =	rddreg [dreg:$0x0];
	s2 =	stileid.u32  }
0x264: {  	s1 =	rddreg [dreg:$0x1];
	p0 =	sne.s32 s2, $0x0  }
0x265: {  	s3 =	rddreg [dreg:$0x2];
	[bflag:$0x3] =	sbarrier.arrive $0xFFFF;
	s2 =	simm.s32 @!p0 $0x1C02  }
0x266: {  	[timem:s3], [sflag:s2] =	dma.local @!p0 [hbm:s0], s1  }
0x267: {  	s0 =	simm.s32 @!p0 $0x2  }
0x268: {  	_ =	swait.ge @!p0 [sflag:s0], s1  }
0x269: {  	s1 =	ssub.s32 @!p0 $0x0, s1;
	[sflag:s0] =	ssyncset.done @!p0 $0x0  }
0x26a: {  	[sflag:s0] =	ssyncadd.s32 @!p0 s1  }
0x26b: {  	[bflag:$0x3] =	sbarrier.arrive $0xFFFF  }
0x26c: {  	_ =	shalt  }

</sc_bundles>
